<compile_context>
chip_gen: v7x
topology: tpu7x:2x2x1
jax: 0.10.2.dev20260603
libtpu: 0.0.44.dev20260713+nightly
codegen_flags: <defaults>
</compile_context>

<pallas_src>
import functools

import jax
import jax.numpy as jnp
from jax import lax
from jax.experimental import pallas as pl
from jax.experimental.pallas import tpu as pltpu
from jax.experimental.pallas import tpu_sc as plsc

N = 10000
E = 320000
SIZE = 128
GATE = 3 * SIZE

NC = 2
NS = 16

CHUNK = 128
IB = 16
NB = 10
CPT = IB * NB
EPT = CPT * CHUNK
E_PAD = EPT * NS
N_PAD = 10112
RPT = N_PAD // NS


def _sc_aggregate(xin, xh, src2d, dst2d, zeros_feat, zeros_deg):
    mesh = plsc.VectorSubcoreMesh(core_axis_name="c", subcore_axis_name="s",
                                  num_cores=NC, num_subcores=NS)

    @functools.partial(
        pl.kernel,
        out_type=(
            jax.ShapeDtypeStruct((N_PAD, SIZE), jnp.float32),
            jax.ShapeDtypeStruct((N_PAD, SIZE), jnp.float32),
            jax.ShapeDtypeStruct((NS * N_PAD,), jnp.float32),
        ),
        mesh=mesh,
        scratch_types=[
            pltpu.VMEM((IB, CHUNK), jnp.int32),
            pltpu.VMEM((IB, CHUNK), jnp.int32),
            pltpu.VMEM((CHUNK, SIZE), jnp.float32),
            pltpu.VMEM((CHUNK, SIZE), jnp.float32),
            pltpu.VMEM((N_PAD,), jnp.float32),
            pltpu.VMEM_SHARED((N_PAD, SIZE), jnp.float32),
            pltpu.SemaphoreType.DMA,
            pltpu.SemaphoreType.DMA,
        ],
        compiler_params=pltpu.CompilerParams(needs_layout_passes=False),
    )
    def agg_kernel(xin_hbm, xh_hbm, src_hbm, dst_hbm, zf_hbm, zd_hbm,
                   out_in, out_h, out_deg,
                   sidx, didx, rows_a, rows_b, deg_v, acc_sh, sem_a, sem_b):
        cid = lax.axis_index("c")
        tid = lax.axis_index("s")
        r0 = tid * RPT

        pltpu.sync_copy(zf_hbm.at[pl.ds(r0, RPT)], acc_sh.at[pl.ds(r0, RPT)])
        pltpu.sync_copy(zd_hbm, deg_v)
        plsc.subcore_barrier()

        ones16 = jnp.full((16,), 1.0, jnp.float32)

        bufs = (rows_a, rows_b)
        sems = (sem_a, sem_b)

        def run_edges(table_hbm, with_deg):
            def block(b, _):
                c0 = tid * CPT + b * IB
                pltpu.sync_copy(src_hbm.at[pl.ds(c0, IB)], sidx)
                pltpu.sync_copy(dst_hbm.at[pl.ds(c0, IB)], didx)
                copies = [None] * IB
                copies[0] = pltpu.async_copy(
                    table_hbm.at[sidx.at[0]], bufs[0], sems[0])
                for i in range(IB):
                    if i + 1 < IB:
                        copies[i + 1] = pltpu.async_copy(
                            table_hbm.at[sidx.at[i + 1]],
                            bufs[(i + 1) % 2], sems[(i + 1) % 2])
                    copies[i].wait()
                    pltpu.sync_copy(bufs[i % 2], acc_sh.at[didx.at[i]],
                                    add=True)
                    if with_deg:
                        for j in range(CHUNK // 16):
                            idx16 = didx[i, pl.ds(j * 16, 16)]
                            plsc.addupdate_scatter(deg_v, [idx16], ones16)
                return 0
            lax.fori_loop(0, NB, block, 0)

        @pl.when(cid == 0)
        def _():
            run_edges(xin_hbm, True)

        @pl.when(cid == 1)
        def _():
            run_edges(xh_hbm, False)

        plsc.subcore_barrier()

        @pl.when(cid == 0)
        def _():
            pltpu.sync_copy(acc_sh.at[pl.ds(r0, RPT)],
                            out_in.at[pl.ds(r0, RPT)])
            pltpu.sync_copy(deg_v, out_deg.at[pl.ds(tid * N_PAD, N_PAD)])

        @pl.when(cid == 1)
        def _():
            pltpu.sync_copy(acc_sh.at[pl.ds(r0, RPT)],
                            out_h.at[pl.ds(r0, RPT)])

    return agg_kernel(xin, xh, src2d, dst2d, zeros_feat, zeros_deg)


ROWS_BLK = 1000


def _dense_body(xi_ref, xh_ref, ai_ref, ah_ref, deg_ref,
                wis_ref, win_ref, bi_ref, whs_ref, whn_ref, bh_ref,
                g_ref, b_ref, out_ref):
    deg = jnp.sum(deg_ref[...], axis=1, keepdims=True)
    recip = 1.0 / jnp.maximum(deg, 1.0)
    ai = ai_ref[...] * recip
    ah = ah_ref[...] * recip
    gi = (jnp.dot(xi_ref[...], wis_ref[...], preferred_element_type=jnp.float32)
          + jnp.dot(ai, win_ref[...], preferred_element_type=jnp.float32)
          + bi_ref[...])
    gh = (jnp.dot(xh_ref[...], whs_ref[...], preferred_element_type=jnp.float32)
          + jnp.dot(ah, whn_ref[...], preferred_element_type=jnp.float32)
          + bh_ref[...])
    i_r, i_i, i_n = gi[:, :SIZE], gi[:, SIZE:2 * SIZE], gi[:, 2 * SIZE:]
    h_r, h_i, h_n = gh[:, :SIZE], gh[:, SIZE:2 * SIZE], gh[:, 2 * SIZE:]
    resetgate = jax.nn.sigmoid(i_r + h_r)
    inputgate = jax.nn.sigmoid(i_i + h_i)
    newgate = jnp.tanh(i_n + resetgate * h_n)
    out = newgate + inputgate * (xh_ref[...] - newgate)
    mean = jnp.mean(out, axis=-1, keepdims=True)
    var = jnp.mean((out - mean) * (out - mean), axis=-1, keepdims=True)
    out = (out - mean) * jax.lax.rsqrt(var + 1e-5) * g_ref[...] + b_ref[...]
    out_ref[...] = out


def _dense(xi, xh, ai, ah, deg_parts, Wi_self, Wi_nbr, bi, Wh_self, Wh_nbr,
           bh, gamma, beta):
    grid = (N // ROWS_BLK,)
    row_spec = pl.BlockSpec((ROWS_BLK, SIZE), lambda i: (i, 0))
    deg_spec = pl.BlockSpec((ROWS_BLK, NS), lambda i: (i, 0))
    w_spec = pl.BlockSpec((SIZE, GATE), lambda i: (0, 0))
    b_spec = pl.BlockSpec((1, GATE), lambda i: (0, 0))
    gb_spec = pl.BlockSpec((1, SIZE), lambda i: (0, 0))
    return pl.pallas_call(
        _dense_body,
        grid=grid,
        in_specs=[row_spec, row_spec, row_spec, row_spec, deg_spec,
                  w_spec, w_spec, b_spec, w_spec, w_spec, b_spec,
                  gb_spec, gb_spec],
        out_specs=row_spec,
        out_shape=jax.ShapeDtypeStruct((N, SIZE), jnp.float32),
    )(xi, xh, ai, ah, deg_parts, Wi_self, Wi_nbr, bi, Wh_self, Wh_nbr, bh,
      gamma, beta)


def kernel(input, hidden, edge_index, Wi_self, Wi_nbr, bi, Wh_self, Wh_nbr,
           bh, gamma, beta):
    pad_e = E_PAD - E
    src = jnp.concatenate(
        [edge_index[0], jnp.zeros((pad_e,), jnp.int32)]).reshape(-1, CHUNK)
    dst = jnp.concatenate(
        [edge_index[1], jnp.full((pad_e,), N, jnp.int32)]).reshape(-1, CHUNK)
    zeros_feat = jnp.zeros((N_PAD, SIZE), jnp.float32)
    zeros_deg = jnp.zeros((N_PAD,), jnp.float32)

    sum_in, sum_h, deg_flat = _sc_aggregate(
        input, hidden, src, dst, zeros_feat, zeros_deg)

    deg_parts = deg_flat.reshape(NS, N_PAD).T[:N]

    return _dense(input, hidden, sum_in, sum_h, deg_parts,
                  Wi_self, Wi_nbr, bi.reshape(1, GATE),
                  Wh_self, Wh_nbr, bh.reshape(1, GATE),
                  gamma.reshape(1, SIZE), beta.reshape(1, SIZE))

# --- scband reference (transcript-rebuilt; emitter-appended) ---
"""Pipeline reference for scband-gcrnncell-35905926595008 (READ-ONLY COPY).

The authoritative reference and input builder live on the scoring server;
editing this copy changes nothing except your own understanding.
"""

import jax, jax.numpy as jnp
import numpy as np

N = 10000
E = 320000
SIZE = 128
GATE = 3 * SIZE  # GRU


def setup_inputs(seed: int = 0) -> dict:
    key = jax.random.key(seed)
    ks = jax.random.split(key, 10)
    inp = {}
    inp["input"] = jax.random.normal(ks[0], (N, SIZE), dtype=jnp.float32)
    inp["hidden"] = jax.random.normal(ks[1], (N, SIZE), dtype=jnp.float32)
    inp["edge_index"] = jax.random.randint(ks[2], (2, E), 0, N, dtype=jnp.int32)
    s = 0.05
    inp["Wi_self"] = jax.random.normal(ks[3], (SIZE, GATE), dtype=jnp.float32) * s
    inp["Wi_nbr"] = jax.random.normal(ks[4], (SIZE, GATE), dtype=jnp.float32) * s
    inp["bi"] = jnp.zeros((GATE,), dtype=jnp.float32)
    inp["Wh_self"] = jax.random.normal(ks[5], (SIZE, GATE), dtype=jnp.float32) * s
    inp["Wh_nbr"] = jax.random.normal(ks[6], (SIZE, GATE), dtype=jnp.float32) * s
    inp["bh"] = jnp.zeros((GATE,), dtype=jnp.float32)
    inp["gamma"] = jnp.ones((SIZE,), dtype=jnp.float32)
    inp["beta"] = jnp.zeros((SIZE,), dtype=jnp.float32)
    return inp


def _graph_conv(x, edge_index, W_self, W_nbr, b):
    # gc_func: self transform + mean-aggregated neighbor transform
    src = edge_index[0]
    dst = edge_index[1]
    msg = jnp.take(x, src, axis=0)                       # gather [E, SIZE]
    agg = jax.ops.segment_sum(msg, dst, num_segments=N)  # scatter-add [N, SIZE]
    deg = jax.ops.segment_sum(jnp.ones((E,), x.dtype), dst, num_segments=N)
    agg = agg / jnp.maximum(deg, 1.0)[:, None]
    return x @ W_self + agg @ W_nbr + b


def _layer_norm(x, gamma, beta, eps=1e-5):
    mean = jnp.mean(x, axis=-1, keepdims=True)
    var = jnp.var(x, axis=-1, keepdims=True)
    return (x - mean) / jnp.sqrt(var + eps) * gamma + beta


def reference(input, hidden, edge_index, Wi_self, Wi_nbr, bi, Wh_self, Wh_nbr, bh, gamma, beta):
    gi = _graph_conv(input, edge_index, Wi_self, Wi_nbr, bi)
    gh = _graph_conv(hidden, edge_index, Wh_self, Wh_nbr, bh)
    i_r, i_i, i_n = jnp.split(gi, 3, axis=-1)
    h_r, h_i, h_n = jnp.split(gh, 3, axis=-1)
    resetgate = jax.nn.sigmoid(i_r + h_r)
    inputgate = jax.nn.sigmoid(i_i + h_i)
    newgate = jnp.tanh(i_n + resetgate * h_n)
    output = newgate + inputgate * (hidden - newgate)
    output = _layer_norm(output, gamma, beta)
    return output

if __name__ == "__main__":
    import jax
    _d = setup_inputs()
    print(jax.jit(kernel)(*tuple(_d.values())))

</pallas_src>

<mosaic_0001>
#map = affine_map<(d0, d1) -> (0, 0)>
#map1 = affine_map<(d0, d1) -> (0)>
module attributes {stable_mosaic.version = 14 : i64} {
  func.func @agg_kernel(%arg0: i32, %arg1: i32, %arg2: memref<10000x128xf32, #tpu.memory_space<hbm>>, %arg3: memref<10000x128xf32, #tpu.memory_space<hbm>>, %arg4: memref<2560x128xi32, #tpu.memory_space<hbm>>, %arg5: memref<2560x128xi32, #tpu.memory_space<hbm>>, %arg6: memref<10112x128xf32, #tpu.memory_space<hbm>>, %arg7: memref<10112xf32, #tpu.memory_space<hbm>>, %arg8: memref<10112x128xf32, #tpu.memory_space<hbm>>, %arg9: memref<10112x128xf32, #tpu.memory_space<hbm>>, %arg10: memref<161792xf32, #tpu.memory_space<hbm>>, %arg11: memref<16x128xi32, #tpu.memory_space<vmem>>, %arg12: memref<16x128xi32, #tpu.memory_space<vmem>>, %arg13: memref<128x128xf32, #tpu.memory_space<vmem>>, %arg14: memref<128x128xf32, #tpu.memory_space<vmem>>, %arg15: memref<10112xf32, #tpu.memory_space<vmem>>, %arg16: memref<10112x128xf32, #tpu.memory_space<vmem_shared>>, %arg17: memref<!tpu.dma_semaphore, #tpu.memory_space<semaphore_mem>>, %arg18: memref<!tpu.dma_semaphore, #tpu.memory_space<semaphore_mem>>) attributes {dimension_semantics = [#tpu.dimension_semantics<core_parallel>, #tpu.dimension_semantics<subcore_parallel>], iteration_bounds = array<i64: 2, 16>, scalar_prefetch = 0 : i64, scratch_operands = 8 : i64, tpu.core_type = #tpu.core_type<sc_vector_subcore>, window_params = [{transform_indices = #map}, {transform_indices = #map}, {transform_indices = #map}, {transform_indices = #map}, {transform_indices = #map}, {transform_indices = #map1}, {transform_indices = #map}, {transform_indices = #map}, {transform_indices = #map1}]} {
    %mul3A = arith.constant 632 : i32
    %mul3A_0 = arith.muli %arg1, %mul3A : i32
    "tpu.region"() ({
      %run_scoped3A = tpu.sem_alloc : memref<!tpu.dma_semaphore, #tpu.memory_space<semaphore_mem>>
      %dma_start3A = arith.constant 0 : i32
      %dma_start3A_20 = tpu.memref_slice %arg16[%mul3A_0, %dma_start3A] : memref<10112x128xf32, #tpu.memory_space<vmem_shared>> -> memref<632x128xf32, #tpu.memory_space<vmem_shared>>
      %dma_start3A_21 = arith.constant 0 : i32
      %dma_start3A_22 = tpu.memref_slice %arg6[%mul3A_0, %dma_start3A_21] : memref<10112x128xf32, #tpu.memory_space<hbm>> -> memref<632x128xf32, #tpu.memory_space<hbm>>
      tpu.enqueue_dma source(%dma_start3A_22 : memref<632x128xf32, #tpu.memory_space<hbm>>) target(%dma_start3A_20 : memref<632x128xf32, #tpu.memory_space<vmem_shared>>) target_semaphore(%run_scoped3A : memref<!tpu.dma_semaphore, #tpu.memory_space<semaphore_mem>>)
      %dma_wait3A = arith.constant 0 : i32
      %dma_wait3A_23 = tpu.memref_slice %arg16[%mul3A_0, %dma_wait3A] : memref<10112x128xf32, #tpu.memory_space<vmem_shared>> -> memref<632x128xf32, #tpu.memory_space<vmem_shared>>
      %dma_wait3A_24 = arith.constant 0 : i32
      %dma_wait3A_25 = tpu.memref_slice %arg6[%mul3A_0, %dma_wait3A_24] : memref<10112x128xf32, #tpu.memory_space<hbm>> -> memref<632x128xf32, #tpu.memory_space<hbm>>
      tpu.wait_dma2 semaphore(%run_scoped3A : memref<!tpu.dma_semaphore, #tpu.memory_space<semaphore_mem>>) src(%dma_wait3A_25 : memref<632x128xf32, #tpu.memory_space<hbm>>) dst(%dma_wait3A_23 : memref<632x128xf32, #tpu.memory_space<vmem_shared>>)
      tpu.yield
    }) : () -> ()
    "tpu.region"() ({
      %run_scoped3A = tpu.sem_alloc : memref<!tpu.dma_semaphore, #tpu.memory_space<semaphore_mem>>
      tpu.enqueue_dma source(%arg7 : memref<10112xf32, #tpu.memory_space<hbm>>) target(%arg15 : memref<10112xf32, #tpu.memory_space<vmem>>) target_semaphore(%run_scoped3A : memref<!tpu.dma_semaphore, #tpu.memory_space<semaphore_mem>>)
      tpu.wait_dma2 semaphore(%run_scoped3A : memref<!tpu.dma_semaphore, #tpu.memory_space<semaphore_mem>>) src(%arg7 : memref<10112xf32, #tpu.memory_space<hbm>>) dst(%arg15 : memref<10112xf32, #tpu.memory_space<vmem>>)
      tpu.yield
    }) : () -> ()
    %barrier3A = arith.constant 0 : index
    tpu.barrier barrier_id(%barrier3A)
    %broadcast_in_dim3A = arith.constant 1.000000e+00 : f32
    %broadcast_in_dim3A_1 = vector.broadcast %broadcast_in_dim3A : f32 to vector<16xf32>
    %eq3A = arith.constant 0 : i32
    %eq3A_2 = arith.cmpi eq, %arg0, %eq3A : i32
    %convert_element_type3A = arith.extui %eq3A_2 : i1 to i32
    %cond3A = arith.constant 0 : i32
    %cond3A_3 = arith.cmpi ne, %convert_element_type3A, %cond3A : i32
    scf.if %cond3A_3 {
      %scan3A = arith.constant 0 : i32
      %scan3A_20 = arith.constant 0 : i32
      %scan3A_21 = arith.constant 10 : i32
      %scan3A_22 = arith.addi %scan3A_20, %scan3A_21 : i32
      %scan3A_23 = arith.constant 1 : i32
      %scan3A_24 = scf.for %scan3A_26 = %scan3A_20 to %scan3A_22 step %scan3A_23 iter_args(%scan3A_27 = %scan3A) -> (i32)  : i32 {
        %mul3A_28 = arith.constant 160 : i32
        %mul3A_29 = arith.muli %arg1, %mul3A_28 : i32
        %mul3A_30 = arith.constant 16 : i32
        %mul3A_31 = arith.muli %scan3A_26, %mul3A_30 : i32
        %add3A = arith.addi %mul3A_29, %mul3A_31 : i32
        "tpu.region"() ({
          %run_scoped3A_781 = tpu.sem_alloc : memref<!tpu.dma_semaphore, #tpu.memory_space<semaphore_mem>>
          %dma_start3A_782 = arith.constant 0 : i32
          %dma_start3A_783 = tpu.memref_slice %arg4[%add3A, %dma_start3A_782] : memref<2560x128xi32, #tpu.memory_space<hbm>> -> memref<16x128xi32, #tpu.memory_space<hbm>>
          %dma_start3A_784 = arith.constant 0 : i32
          %dma_start3A_785 = tpu.memref_slice %arg4[%add3A, %dma_start3A_784] : memref<2560x128xi32, #tpu.memory_space<hbm>> -> memref<16x128xi32, #tpu.memory_space<hbm>>
          tpu.enqueue_dma source(%dma_start3A_785 : memref<16x128xi32, #tpu.memory_space<hbm>>) target(%arg11 : memref<16x128xi32, #tpu.memory_space<vmem>>) target_semaphore(%run_scoped3A_781 : memref<!tpu.dma_semaphore, #tpu.memory_space<semaphore_mem>>)
          %dma_wait3A_786 = arith.constant 0 : i32
          %dma_wait3A_787 = tpu.memref_slice %arg4[%add3A, %dma_wait3A_786] : memref<2560x128xi32, #tpu.memory_space<hbm>> -> memref<16x128xi32, #tpu.memory_space<hbm>>
          %dma_wait3A_788 = arith.constant 0 : i32
          %dma_wait3A_789 = tpu.memref_slice %arg4[%add3A, %dma_wait3A_788] : memref<2560x128xi32, #tpu.memory_space<hbm>> -> memref<16x128xi32, #tpu.memory_space<hbm>>
          tpu.wait_dma2 semaphore(%run_scoped3A_781 : memref<!tpu.dma_semaphore, #tpu.memory_space<semaphore_mem>>) src(%dma_wait3A_789 : memref<16x128xi32, #tpu.memory_space<hbm>>) dst(%arg11 : memref<16x128xi32, #tpu.memory_space<vmem>>)
          tpu.yield
        }) : () -> ()
        "tpu.region"() ({
          %run_scoped3A_781 = tpu.sem_alloc : memref<!tpu.dma_semaphore, #tpu.memory_space<semaphore_mem>>
          %dma_start3A_782 = arith.constant 0 : i32
          %dma_start3A_783 = tpu.memref_slice %arg5[%add3A, %dma_start3A_782] : memref<2560x128xi32, #tpu.memory_space<hbm>> -> memref<16x128xi32, #tpu.memory_space<hbm>>
          %dma_start3A_784 = arith.constant 0 : i32
          %dma_start3A_785 = tpu.memref_slice %arg5[%add3A, %dma_start3A_784] : memref<2560x128xi32, #tpu.memory_space<hbm>> -> memref<16x128xi32, #tpu.memory_space<hbm>>
          tpu.enqueue_dma source(%dma_start3A_785 : memref<16x128xi32, #tpu.memory_space<hbm>>) target(%arg12 : memref<16x128xi32, #tpu.memory_space<vmem>>) target_semaphore(%run_scoped3A_781 : memref<!tpu.dma_semaphore, #tpu.memory_space<semaphore_mem>>)
          %dma_wait3A_786 = arith.constant 0 : i32
          %dma_wait3A_787 = tpu.memref_slice %arg5[%add3A, %dma_wait3A_786] : memref<2560x128xi32, #tpu.memory_space<hbm>> -> memref<16x128xi32, #tpu.memory_space<hbm>>
          %dma_wait3A_788 = arith.constant 0 : i32
          %dma_wait3A_789 = tpu.memref_slice %arg5[%add3A, %dma_wait3A_788] : memref<2560x128xi32, #tpu.memory_space<hbm>> -> memref<16x128xi32, #tpu.memory_space<hbm>>
          tpu.wait_dma2 semaphore(%run_scoped3A_781 : memref<!tpu.dma_semaphore, #tpu.memory_space<semaphore_mem>>) src(%dma_wait3A_789 : memref<16x128xi32, #tpu.memory_space<hbm>>) dst(%arg12 : memref<16x128xi32, #tpu.memory_space<vmem>>)
          tpu.yield
        }) : () -> ()
        %dma_start3A = arith.constant 0 : i32
        %dma_start3A_32 = arith.constant 0 : i32
        %dma_start3A_33 = tpu.memref_slice %arg11[%dma_start3A, %dma_start3A_32] : memref<16x128xi32, #tpu.memory_space<vmem>> -> memref<1x128xi32, #tpu.memory_space<vmem>>
        %dma_start3A_34 = tpu.memref_squeeze %dma_start3A_33 : memref<1x128xi32, #tpu.memory_space<vmem>> -> memref<128xi32, #tpu.memory_space<vmem>>
        %dma_start3A_35 = arith.constant 0 : i32
        %dma_start3A_36 = arith.constant 0 : i32
        %dma_start3A_37 = tpu.memref_slice %arg2[%dma_start3A_35, %dma_start3A_36] : memref<10000x128xf32, #tpu.memory_space<hbm>> -> memref<10000x128xf32, #tpu.memory_space<hbm>>
        tpu.enqueue_indirect_dma source(%dma_start3A_37 : memref<10000x128xf32, #tpu.memory_space<hbm>>) target(%arg13 : memref<128x128xf32, #tpu.memory_space<vmem>>) offsets(%dma_start3A_34 : memref<128xi32, #tpu.memory_space<vmem>>) semaphore(%arg17 : memref<!tpu.dma_semaphore, #tpu.memory_space<semaphore_mem>>)
        %dma_start3A_38 = arith.constant 1 : i32
        %dma_start3A_39 = arith.constant 0 : i32
        %dma_start3A_40 = tpu.memref_slice %arg11[%dma_start3A_38, %dma_start3A_39] : memref<16x128xi32, #tpu.memory_space<vmem>> -> memref<1x128xi32, #tpu.memory_space<vmem>>
        %dma_start3A_41 = tpu.memref_squeeze %dma_start3A_40 : memref<1x128xi32, #tpu.memory_space<vmem>> -> memref<128xi32, #tpu.memory_space<vmem>>
        %dma_start3A_42 = arith.constant 0 : i32
        %dma_start3A_43 = arith.constant 0 : i32
        %dma_start3A_44 = tpu.memref_slice %arg2[%dma_start3A_42, %dma_start3A_43] : memref<10000x128xf32, #tpu.memory_space<hbm>> -> memref<10000x128xf32, #tpu.memory_space<hbm>>
        tpu.enqueue_indirect_dma source(%dma_start3A_44 : memref<10000x128xf32, #tpu.memory_space<hbm>>) target(%arg14 : memref<128x128xf32, #tpu.memory_space<vmem>>) offsets(%dma_start3A_41 : memref<128xi32, #tpu.memory_space<vmem>>) semaphore(%arg18 : memref<!tpu.dma_semaphore, #tpu.memory_space<semaphore_mem>>)
        %dma_wait3A = arith.constant 0 : i32
        %dma_wait3A_45 = arith.constant 0 : i32
        %dma_wait3A_46 = tpu.memref_slice %arg11[%dma_wait3A, %dma_wait3A_45] : memref<16x128xi32, #tpu.memory_space<vmem>> -> memref<1x128xi32, #tpu.memory_space<vmem>>
        %dma_wait3A_47 = tpu.memref_squeeze %dma_wait3A_46 : memref<1x128xi32, #tpu.memory_space<vmem>> -> memref<128xi32, #tpu.memory_space<vmem>>
        %dma_wait3A_48 = arith.constant 0 : i32
        %dma_wait3A_49 = arith.constant 0 : i32
        %dma_wait3A_50 = tpu.memref_slice %arg2[%dma_wait3A_48, %dma_wait3A_49] : memref<10000x128xf32, #tpu.memory_space<hbm>> -> memref<10000x128xf32, #tpu.memory_space<hbm>>
        tpu.wait_indirect_dma semaphore(%arg17 : memref<!tpu.dma_semaphore, #tpu.memory_space<semaphore_mem>>) src(%dma_wait3A_50 : memref<10000x128xf32, #tpu.memory_space<hbm>>) dst(%arg13 : memref<128x128xf32, #tpu.memory_space<vmem>>)
        %run_scoped3A = arith.constant 0 : i32
        "tpu.region"() ({
          %run_scoped3A_781 = tpu.sem_alloc : memref<!tpu.dma_semaphore, #tpu.memory_space<semaphore_mem>>
          %dma_start3A_782 = arith.constant 0 : i32
          %dma_start3A_783 = tpu.memref_slice %arg12[%run_scoped3A, %dma_start3A_782] : memref<16x128xi32, #tpu.memory_space<vmem>> -> memref<1x128xi32, #tpu.memory_space<vmem>>
          %dma_start3A_784 = tpu.memref_squeeze %dma_start3A_783 : memref<1x128xi32, #tpu.memory_space<vmem>> -> memref<128xi32, #tpu.memory_space<vmem>>
          %dma_start3A_785 = arith.constant 0 : i32
          %dma_start3A_786 = arith.constant 0 : i32
          %dma_start3A_787 = tpu.memref_slice %arg16[%dma_start3A_785, %dma_start3A_786] : memref<10112x128xf32, #tpu.memory_space<vmem_shared>> -> memref<10112x128xf32, #tpu.memory_space<vmem_shared>>
          tpu.enqueue_indirect_dma source(%arg13 : memref<128x128xf32, #tpu.memory_space<vmem>>) target(%dma_start3A_787 : memref<10112x128xf32, #tpu.memory_space<vmem_shared>>) offsets(%dma_start3A_784 : memref<128xi32, #tpu.memory_space<vmem>>) semaphore(%run_scoped3A_781 : memref<!tpu.dma_semaphore, #tpu.memory_space<semaphore_mem>>) {add = true}
          %dma_wait3A_788 = arith.constant 0 : i32
          %dma_wait3A_789 = tpu.memref_slice %arg12[%run_scoped3A, %dma_wait3A_788] : memref<16x128xi32, #tpu.memory_space<vmem>> -> memref<1x128xi32, #tpu.memory_space<vmem>>
          %dma_wait3A_790 = tpu.memref_squeeze %dma_wait3A_789 : memref<1x128xi32, #tpu.memory_space<vmem>> -> memref<128xi32, #tpu.memory_space<vmem>>
          %dma_wait3A_791 = arith.constant 0 : i32
          %dma_wait3A_792 = arith.constant 0 : i32
          %dma_wait3A_793 = tpu.memref_slice %arg16[%dma_wait3A_791, %dma_wait3A_792] : memref<10112x128xf32, #tpu.memory_space<vmem_shared>> -> memref<10112x128xf32, #tpu.memory_space<vmem_shared>>
          tpu.wait_indirect_dma semaphore(%run_scoped3A_781 : memref<!tpu.dma_semaphore, #tpu.memory_space<semaphore_mem>>) src(%arg13 : memref<128x128xf32, #tpu.memory_space<vmem>>) dst(%dma_wait3A_793 : memref<10112x128xf32, #tpu.memory_space<vmem_shared>>)
          tpu.yield
        }) : () -> ()
        %get3A = arith.constant 0 : i32
        %get3A_51 = arith.index_cast %get3A : i32 to index
        %get3A_52 = arith.constant 0 : index
        %get3A_53 = tpu.vector_load %arg12[%get3A_51, %get3A_52] {strides = array<i32>} : memref<16x128xi32, #tpu.memory_space<vmem>>, vector<16xi32>,
        tpu.vector_store_idx %arg15[%get3A_53], %broadcast_in_dim3A_1 {add = true} : memref<10112xf32, #tpu.memory_space<vmem>>[vector<16xi32>], vector<16xf32>,
        %get3A_54 = arith.constant 0 : i32
        %get3A_55 = arith.index_cast %get3A_54 : i32 to index
        %get3A_56 = arith.constant 16 : index
        %get3A_57 = tpu.vector_load %arg12[%get3A_55, %get3A_56] {strides = array<i32>} : memref<16x128xi32, #tpu.memory_space<vmem>>, vector<16xi32>,
        tpu.vector_store_idx %arg15[%get3A_57], %broadcast_in_dim3A_1 {add = true} : memref<10112xf32, #tpu.memory_space<vmem>>[vector<16xi32>], vector<16xf32>,
        %get3A_58 = arith.constant 0 : i32
        %get3A_59 = arith.index_cast %get3A_58 : i32 to index
        %get3A_60 = arith.constant 32 : index
        %get3A_61 = tpu.vector_load %arg12[%get3A_59, %get3A_60] {strides = array<i32>} : memref<16x128xi32, #tpu.memory_space<vmem>>, vector<16xi32>,
        tpu.vector_store_idx %arg15[%get3A_61], %broadcast_in_dim3A_1 {add = true} : memref<10112xf32, #tpu.memory_space<vmem>>[vector<16xi32>], vector<16xf32>,
        %get3A_62 = arith.constant 0 : i32
        %get3A_63 = arith.index_cast %get3A_62 : i32 to index
        %get3A_64 = arith.constant 48 : index
        %get3A_65 = tpu.vector_load %arg12[%get3A_63, %get3A_64] {strides = array<i32>} : memref<16x128xi32, #tpu.memory_space<vmem>>, vector<16xi32>,
        tpu.vector_store_idx %arg15[%get3A_65], %broadcast_in_dim3A_1 {add = true} : memref<10112xf32, #tpu.memory_space<vmem>>[vector<16xi32>], vector<16xf32>,
        %get3A_66 = arith.constant 0 : i32
        %get3A_67 = arith.index_cast %get3A_66 : i32 to index
        %get3A_68 = arith.constant 64 : index
        %get3A_69 = tpu.vector_load %arg12[%get3A_67, %get3A_68] {strides = array<i32>} : memref<16x128xi32, #tpu.memory_space<vmem>>, vector<16xi32>,
        tpu.vector_store_idx %arg15[%get3A_69], %broadcast_in_dim3A_1 {add = true} : memref<10112xf32, #tpu.memory_space<vmem>>[vector<16xi32>], vector<16xf32>,
        %get3A_70 = arith.constant 0 : i32
        %get3A_71 = arith.index_cast %get3A_70 : i32 to index
        %get3A_72 = arith.constant 80 : index
        %get3A_73 = tpu.vector_load %arg12[%get3A_71, %get3A_72] {strides = array<i32>} : memref<16x128xi32, #tpu.memory_space<vmem>>, vector<16xi32>,
        tpu.vector_store_idx %arg15[%get3A_73], %broadcast_in_dim3A_1 {add = true} : memref<10112xf32, #tpu.memory_space<vmem>>[vector<16xi32>], vector<16xf32>,
        %get3A_74 = arith.constant 0 : i32
        %get3A_75 = arith.index_cast %get3A_74 : i32 to index
        %get3A_76 = arith.constant 96 : index
        %get3A_77 = tpu.vector_load %arg12[%get3A_75, %get3A_76] {strides = array<i32>} : memref<16x128xi32, #tpu.memory_space<vmem>>, vector<16xi32>,
        tpu.vector_store_idx %arg15[%get3A_77], %broadcast_in_dim3A_1 {add = true} : memref<10112xf32, #tpu.memory_space<vmem>>[vector<16xi32>], vector<16xf32>,
        %get3A_78 = arith.constant 0 : i32
        %get3A_79 = arith.index_cast %get3A_78 : i32 to index
        %get3A_80 = arith.constant 112 : index
        %get3A_81 = tpu.vector_load %arg12[%get3A_79, %get3A_80] {strides = array<i32>} : memref<16x128xi32, #tpu.memory_space<vmem>>, vector<16xi32>,
        tpu.vector_store_idx %arg15[%get3A_81], %broadcast_in_dim3A_1 {add = true} : memref<10112xf32, #tpu.memory_space<vmem>>[vector<16xi32>], vector<16xf32>,
        %dma_start3A_82 = arith.constant 2 : i32
        %dma_start3A_83 = arith.constant 0 : i32
        %dma_start3A_84 = tpu.memref_slice %arg11[%dma_start3A_82, %dma_start3A_83] : memref<16x128xi32, #tpu.memory_space<vmem>> -> memref<1x128xi32, #tpu.memory_space<vmem>>
        %dma_start3A_85 = tpu.memref_squeeze %dma_start3A_84 : memref<1x128xi32, #tpu.memory_space<vmem>> -> memref<128xi32, #tpu.memory_space<vmem>>
        %dma_start3A_86 = arith.constant 0 : i32
        %dma_start3A_87 = arith.constant 0 : i32
        %dma_start3A_88 = tpu.memref_slice %arg2[%dma_start3A_86, %dma_start3A_87] : memref<10000x128xf32, #tpu.memory_space<hbm>> -> memref<10000x128xf32, #tpu.memory_space<hbm>>
        tpu.enqueue_indirect_dma source(%dma_start3A_88 : memref<10000x128xf32, #tpu.memory_space<hbm>>) target(%arg13 : memref<128x128xf32, #tpu.memory_space<vmem>>) offsets(%dma_start3A_85 : memref<128xi32, #tpu.memory_space<vmem>>) semaphore(%arg17 : memref<!tpu.dma_semaphore, #tpu.memory_space<semaphore_mem>>)
        %dma_wait3A_89 = arith.constant 1 : i32
        %dma_wait3A_90 = arith.constant 0 : i32
        %dma_wait3A_91 = tpu.memref_slice %arg11[%dma_wait3A_89, %dma_wait3A_90] : memref<16x128xi32, #tpu.memory_space<vmem>> -> memref<1x128xi32, #tpu.memory_space<vmem>>
        %dma_wait3A_92 = tpu.memref_squeeze %dma_wait3A_91 : memref<1x128xi32, #tpu.memory_space<vmem>> -> memref<128xi32, #tpu.memory_space<vmem>>
        %dma_wait3A_93 = arith.constant 0 : i32
        %dma_wait3A_94 = arith.constant 0 : i32
        %dma_wait3A_95 = tpu.memref_slice %arg2[%dma_wait3A_93, %dma_wait3A_94] : memref<10000x128xf32, #tpu.memory_space<hbm>> -> memref<10000x128xf32, #tpu.memory_space<hbm>>
        tpu.wait_indirect_dma semaphore(%arg18 : memref<!tpu.dma_semaphore, #tpu.memory_space<semaphore_mem>>) src(%dma_wait3A_95 : memref<10000x128xf32, #tpu.memory_space<hbm>>) dst(%arg14 : memref<128x128xf32, #tpu.memory_space<vmem>>)
        %run_scoped3A_96 = arith.constant 1 : i32
        "tpu.region"() ({
          %run_scoped3A_781 = tpu.sem_alloc : memref<!tpu.dma_semaphore, #tpu.memory_space<semaphore_mem>>
          %dma_start3A_782 = arith.constant 0 : i32
          %dma_start3A_783 = tpu.memref_slice %arg12[%run_scoped3A_96, %dma_start3A_782] : memref<16x128xi32, #tpu.memory_space<vmem>> -> memref<1x128xi32, #tpu.memory_space<vmem>>
          %dma_start3A_784 = tpu.memref_squeeze %dma_start3A_783 : memref<1x128xi32, #tpu.memory_space<vmem>> -> memref<128xi32, #tpu.memory_space<vmem>>
          %dma_start3A_785 = arith.constant 0 : i32
          %dma_start3A_786 = arith.constant 0 : i32
          %dma_start3A_787 = tpu.memref_slice %arg16[%dma_start3A_785, %dma_start3A_786] : memref<10112x128xf32, #tpu.memory_space<vmem_shared>> -> memref<10112x128xf32, #tpu.memory_space<vmem_shared>>
          tpu.enqueue_indirect_dma source(%arg14 : memref<128x128xf32, #tpu.memory_space<vmem>>) target(%dma_start3A_787 : memref<10112x128xf32, #tpu.memory_space<vmem_shared>>) offsets(%dma_start3A_784 : memref<128xi32, #tpu.memory_space<vmem>>) semaphore(%run_scoped3A_781 : memref<!tpu.dma_semaphore, #tpu.memory_space<semaphore_mem>>) {add = true}
          %dma_wait3A_788 = arith.constant 0 : i32
          %dma_wait3A_789 = tpu.memref_slice %arg12[%run_scoped3A_96, %dma_wait3A_788] : memref<16x128xi32, #tpu.memory_space<vmem>> -> memref<1x128xi32, #tpu.memory_space<vmem>>
          %dma_wait3A_790 = tpu.memref_squeeze %dma_wait3A_789 : memref<1x128xi32, #tpu.memory_space<vmem>> -> memref<128xi32, #tpu.memory_space<vmem>>
          %dma_wait3A_791 = arith.constant 0 : i32
          %dma_wait3A_792 = arith.constant 0 : i32
          %dma_wait3A_793 = tpu.memref_slice %arg16[%dma_wait3A_791, %dma_wait3A_792] : memref<10112x128xf32, #tpu.memory_space<vmem_shared>> -> memref<10112x128xf32, #tpu.memory_space<vmem_shared>>
          tpu.wait_indirect_dma semaphore(%run_scoped3A_781 : memref<!tpu.dma_semaphore, #tpu.memory_space<semaphore_mem>>) src(%arg14 : memref<128x128xf32, #tpu.memory_space<vmem>>) dst(%dma_wait3A_793 : memref<10112x128xf32, #tpu.memory_space<vmem_shared>>)
          tpu.yield
        }) : () -> ()
        %get3A_97 = arith.constant 1 : i32
        %get3A_98 = arith.index_cast %get3A_97 : i32 to index
        %get3A_99 = arith.constant 0 : index
        %get3A_100 = tpu.vector_load %arg12[%get3A_98, %get3A_99] {strides = array<i32>} : memref<16x128xi32, #tpu.memory_space<vmem>>, vector<16xi32>,
        tpu.vector_store_idx %arg15[%get3A_100], %broadcast_in_dim3A_1 {add = true} : memref<10112xf32, #tpu.memory_space<vmem>>[vector<16xi32>], vector<16xf32>,
        %get3A_101 = arith.constant 1 : i32
        %get3A_102 = arith.index_cast %get3A_101 : i32 to index
        %get3A_103 = arith.constant 16 : index
        %get3A_104 = tpu.vector_load %arg12[%get3A_102, %get3A_103] {strides = array<i32>} : memref<16x128xi32, #tpu.memory_space<vmem>>, vector<16xi32>,
        tpu.vector_store_idx %arg15[%get3A_104], %broadcast_in_dim3A_1 {add = true} : memref<10112xf32, #tpu.memory_space<vmem>>[vector<16xi32>], vector<16xf32>,
        %get3A_105 = arith.constant 1 : i32
        %get3A_106 = arith.index_cast %get3A_105 : i32 to index
        %get3A_107 = arith.constant 32 : index
        %get3A_108 = tpu.vector_load %arg12[%get3A_106, %get3A_107] {strides = array<i32>} : memref<16x128xi32, #tpu.memory_space<vmem>>, vector<16xi32>,
        tpu.vector_store_idx %arg15[%get3A_108], %broadcast_in_dim3A_1 {add = true} : memref<10112xf32, #tpu.memory_space<vmem>>[vector<16xi32>], vector<16xf32>,
        %get3A_109 = arith.constant 1 : i32
        %get3A_110 = arith.index_cast %get3A_109 : i32 to index
        %get3A_111 = arith.constant 48 : index
        %get3A_112 = tpu.vector_load %arg12[%get3A_110, %get3A_111] {strides = array<i32>} : memref<16x128xi32, #tpu.memory_space<vmem>>, vector<16xi32>,
        tpu.vector_store_idx %arg15[%get3A_112], %broadcast_in_dim3A_1 {add = true} : memref<10112xf32, #tpu.memory_space<vmem>>[vector<16xi32>], vector<16xf32>,
        %get3A_113 = arith.constant 1 : i32
        %get3A_114 = arith.index_cast %get3A_113 : i32 to index
        %get3A_115 = arith.constant 64 : index
        %get3A_116 = tpu.vector_load %arg12[%get3A_114, %get3A_115] {strides = array<i32>} : memref<16x128xi32, #tpu.memory_space<vmem>>, vector<16xi32>,
        tpu.vector_store_idx %arg15[%get3A_116], %broadcast_in_dim3A_1 {add = true} : memref<10112xf32, #tpu.memory_space<vmem>>[vector<16xi32>], vector<16xf32>,
        %get3A_117 = arith.constant 1 : i32
        %get3A_118 = arith.index_cast %get3A_117 : i32 to index
        %get3A_119 = arith.constant 80 : index
        %get3A_120 = tpu.vector_load %arg12[%get3A_118, %get3A_119] {strides = array<i32>} : memref<16x128xi32, #tpu.memory_space<vmem>>, vector<16xi32>,
        tpu.vector_store_idx %arg15[%get3A_120], %broadcast_in_dim3A_1 {add = true} : memref<10112xf32, #tpu.memory_space<vmem>>[vector<16xi32>], vector<16xf32>,
        %get3A_121 = arith.constant 1 : i32
        %get3A_122 = arith.index_cast %get3A_121 : i32 to index
        %get3A_123 = arith.constant 96 : index
        %get3A_124 = tpu.vector_load %arg12[%get3A_122, %get3A_123] {strides = array<i32>} : memref<16x128xi32, #tpu.memory_space<vmem>>, vector<16xi32>,
        tpu.vector_store_idx %arg15[%get3A_124], %broadcast_in_dim3A_1 {add = true} : memref<10112xf32, #tpu.memory_space<vmem>>[vector<16xi32>], vector<16xf32>,
        %get3A_125 = arith.constant 1 : i32
        %get3A_126 = arith.index_cast %get3A_125 : i32 to index
        %get3A_127 = arith.constant 112 : index
        %get3A_128 = tpu.vector_load %arg12[%get3A_126, %get3A_127] {strides = array<i32>} : memref<16x128xi32, #tpu.memory_space<vmem>>, vector<16xi32>,
        tpu.vector_store_idx %arg15[%get3A_128], %broadcast_in_dim3A_1 {add = true} : memref<10112xf32, #tpu.memory_space<vmem>>[vector<16xi32>], vector<16xf32>,
        %dma_start3A_129 = arith.constant 3 : i32
        %dma_start3A_130 = arith.constant 0 : i32
        %dma_start3A_131 = tpu.memref_slice %arg11[%dma_start3A_129, %dma_start3A_130] : memref<16x128xi32, #tpu.memory_space<vmem>> -> memref<1x128xi32, #tpu.memory_space<vmem>>
        %dma_start3A_132 = tpu.memref_squeeze %dma_start3A_131 : memref<1x128xi32, #tpu.memory_space<vmem>> -> memref<128xi32, #tpu.memory_space<vmem>>
        %dma_start3A_133 = arith.constant 0 : i32
        %dma_start3A_134 = arith.constant 0 : i32
        %dma_start3A_135 = tpu.memref_slice %arg2[%dma_start3A_133, %dma_start3A_134] : memref<10000x128xf32, #tpu.memory_space<hbm>> -> memref<10000x128xf32, #tpu.memory_space<hbm>>
        tpu.enqueue_indirect_dma source(%dma_start3A_135 : memref<10000x128xf32, #tpu.memory_space<hbm>>) target(%arg14 : memref<128x128xf32, #tpu.memory_space<vmem>>) offsets(%dma_start3A_132 : memref<128xi32, #tpu.memory_space<vmem>>) semaphore(%arg18 : memref<!tpu.dma_semaphore, #tpu.memory_space<semaphore_mem>>)
        %dma_wait3A_136 = arith.constant 2 : i32
        %dma_wait3A_137 = arith.constant 0 : i32
        %dma_wait3A_138 = tpu.memref_slice %arg11[%dma_wait3A_136, %dma_wait3A_137] : memref<16x128xi32, #tpu.memory_space<vmem>> -> memref<1x128xi32, #tpu.memory_space<vmem>>
        %dma_wait3A_139 = tpu.memref_squeeze %dma_wait3A_138 : memref<1x128xi32, #tpu.memory_space<vmem>> -> memref<128xi32, #tpu.memory_space<vmem>>
        %dma_wait3A_140 = arith.constant 0 : i32
        %dma_wait3A_141 = arith.constant 0 : i32
        %dma_wait3A_142 = tpu.memref_slice %arg2[%dma_wait3A_140, %dma_wait3A_141] : memref<10000x128xf32, #tpu.memory_space<hbm>> -> memref<10000x128xf32, #tpu.memory_space<hbm>>
        tpu.wait_indirect_dma semaphore(%arg17 : memref<!tpu.dma_semaphore, #tpu.memory_space<semaphore_mem>>) src(%dma_wait3A_142 : memref<10000x128xf32, #tpu.memory_space<hbm>>) dst(%arg13 : memref<128x128xf32, #tpu.memory_space<vmem>>)
        %run_scoped3A_143 = arith.constant 2 : i32
        "tpu.region"() ({
          %run_scoped3A_781 = tpu.sem_alloc : memref<!tpu.dma_semaphore, #tpu.memory_space<semaphore_mem>>
          %dma_start3A_782 = arith.constant 0 : i32
          %dma_start3A_783 = tpu.memref_slice %arg12[%run_scoped3A_143, %dma_start3A_782] : memref<16x128xi32, #tpu.memory_space<vmem>> -> memref<1x128xi32, #tpu.memory_space<vmem>>
          %dma_start3A_784 = tpu.memref_squeeze %dma_start3A_783 : memref<1x128xi32, #tpu.memory_space<vmem>> -> memref<128xi32, #tpu.memory_space<vmem>>
          %dma_start3A_785 = arith.constant 0 : i32
          %dma_start3A_786 = arith.constant 0 : i32
          %dma_start3A_787 = tpu.memref_slice %arg16[%dma_start3A_785, %dma_start3A_786] : memref<10112x128xf32, #tpu.memory_space<vmem_shared>> -> memref<10112x128xf32, #tpu.memory_space<vmem_shared>>
          tpu.enqueue_indirect_dma source(%arg13 : memref<128x128xf32, #tpu.memory_space<vmem>>) target(%dma_start3A_787 : memref<10112x128xf32, #tpu.memory_space<vmem_shared>>) offsets(%dma_start3A_784 : memref<128xi32, #tpu.memory_space<vmem>>) semaphore(%run_scoped3A_781 : memref<!tpu.dma_semaphore, #tpu.memory_space<semaphore_mem>>) {add = true}
          %dma_wait3A_788 = arith.constant 0 : i32
          %dma_wait3A_789 = tpu.memref_slice %arg12[%run_scoped3A_143, %dma_wait3A_788] : memref<16x128xi32, #tpu.memory_space<vmem>> -> memref<1x128xi32, #tpu.memory_space<vmem>>
          %dma_wait3A_790 = tpu.memref_squeeze %dma_wait3A_789 : memref<1x128xi32, #tpu.memory_space<vmem>> -> memref<128xi32, #tpu.memory_space<vmem>>
          %dma_wait3A_791 = arith.constant 0 : i32
          %dma_wait3A_792 = arith.constant 0 : i32
          %dma_wait3A_793 = tpu.memref_slice %arg16[%dma_wait3A_791, %dma_wait3A_792] : memref<10112x128xf32, #tpu.memory_space<vmem_shared>> -> memref<10112x128xf32, #tpu.memory_space<vmem_shared>>
          tpu.wait_indirect_dma semaphore(%run_scoped3A_781 : memref<!tpu.dma_semaphore, #tpu.memory_space<semaphore_mem>>) src(%arg13 : memref<128x128xf32, #tpu.memory_space<vmem>>) dst(%dma_wait3A_793 : memref<10112x128xf32, #tpu.memory_space<vmem_shared>>)
          tpu.yield
        }) : () -> ()
        %get3A_144 = arith.constant 2 : i32
        %get3A_145 = arith.index_cast %get3A_144 : i32 to index
        %get3A_146 = arith.constant 0 : index
        %get3A_147 = tpu.vector_load %arg12[%get3A_145, %get3A_146] {strides = array<i32>} : memref<16x128xi32, #tpu.memory_space<vmem>>, vector<16xi32>,
        tpu.vector_store_idx %arg15[%get3A_147], %broadcast_in_dim3A_1 {add = true} : memref<10112xf32, #tpu.memory_space<vmem>>[vector<16xi32>], vector<16xf32>,
        %get3A_148 = arith.constant 2 : i32
        %get3A_149 = arith.index_cast %get3A_148 : i32 to index
        %get3A_150 = arith.constant 16 : index
        %get3A_151 = tpu.vector_load %arg12[%get3A_149, %get3A_150] {strides = array<i32>} : memref<16x128xi32, #tpu.memory_space<vmem>>, vector<16xi32>,
        tpu.vector_store_idx %arg15[%get3A_151], %broadcast_in_dim3A_1 {add = true} : memref<10112xf32, #tpu.memory_space<vmem>>[vector<16xi32>], vector<16xf32>,
        %get3A_152 = arith.constant 2 : i32
        %get3A_153 = arith.index_cast %get3A_152 : i32 to index
        %get3A_154 = arith.constant 32 : index
        %get3A_155 = tpu.vector_load %arg12[%get3A_153, %get3A_154] {strides = array<i32>} : memref<16x128xi32, #tpu.memory_space<vmem>>, vector<16xi32>,
        tpu.vector_store_idx %arg15[%get3A_155], %broadcast_in_dim3A_1 {add = true} : memref<10112xf32, #tpu.memory_space<vmem>>[vector<16xi32>], vector<16xf32>,
        %get3A_156 = arith.constant 2 : i32
        %get3A_157 = arith.index_cast %get3A_156 : i32 to index
        %get3A_158 = arith.constant 48 : index
        %get3A_159 = tpu.vector_load %arg12[%get3A_157, %get3A_158] {strides = array<i32>} : memref<16x128xi32, #tpu.memory_space<vmem>>, vector<16xi32>,
        tpu.vector_store_idx %arg15[%get3A_159], %broadcast_in_dim3A_1 {add = true} : memref<10112xf32, #tpu.memory_space<vmem>>[vector<16xi32>], vector<16xf32>,
        %get3A_160 = arith.constant 2 : i32
        %get3A_161 = arith.index_cast %get3A_160 : i32 to index
        %get3A_162 = arith.constant 64 : index
        %get3A_163 = tpu.vector_load %arg12[%get3A_161, %get3A_162] {strides = array<i32>} : memref<16x128xi32, #tpu.memory_space<vmem>>, vector<16xi32>,
        tpu.vector_store_idx %arg15[%get3A_163], %broadcast_in_dim3A_1 {add = true} : memref<10112xf32, #tpu.memory_space<vmem>>[vector<16xi32>], vector<16xf32>,
        %get3A_164 = arith.constant 2 : i32
        %get3A_165 = arith.index_cast %get3A_164 : i32 to index
        %get3A_166 = arith.constant 80 : index
        %get3A_167 = tpu.vector_load %arg12[%get3A_165, %get3A_166] {strides = array<i32>} : memref<16x128xi32, #tpu.memory_space<vmem>>, vector<16xi32>,
        tpu.vector_store_idx %arg15[%get3A_167], %broadcast_in_dim3A_1 {add = true} : memref<10112xf32, #tpu.memory_space<vmem>>[vector<16xi32>], vector<16xf32>,
        %get3A_168 = arith.constant 2 : i32
        %get3A_169 = arith.index_cast %get3A_168 : i32 to index
        %get3A_170 = arith.constant 96 : index
        %get3A_171 = tpu.vector_load %arg12[%get3A_169, %get3A_170] {strides = array<i32>} : memref<16x128xi32, #tpu.memory_space<vmem>>, vector<16xi32>,
        tpu.vector_store_idx %arg15[%get3A_171], %broadcast_in_dim3A_1 {add = true} : memref<10112xf32, #tpu.memory_space<vmem>>[vector<16xi32>], vector<16xf32>,
        %get3A_172 = arith.constant 2 : i32
        %get3A_173 = arith.index_cast %get3A_172 : i32 to index
        %get3A_174 = arith.constant 112 : index
        %get3A_175 = tpu.vector_load %arg12[%get3A_173, %get3A_174] {strides = array<i32>} : memref<16x128xi32, #tpu.memory_space<vmem>>, vector<16xi32>,
        tpu.vector_store_idx %arg15[%get3A_175], %broadcast_in_dim3A_1 {add = true} : memref<10112xf32, #tpu.memory_space<vmem>>[vector<16xi32>], vector<16xf32>,
        %dma_start3A_176 = arith.constant 4 : i32
        %dma_start3A_177 = arith.constant 0 : i32
        %dma_start3A_178 = tpu.memref_slice %arg11[%dma_start3A_176, %dma_start3A_177] : memref<16x128xi32, #tpu.memory_space<vmem>> -> memref<1x128xi32, #tpu.memory_space<vmem>>
        %dma_start3A_179 = tpu.memref_squeeze %dma_start3A_178 : memref<1x128xi32, #tpu.memory_space<vmem>> -> memref<128xi32, #tpu.memory_space<vmem>>
        %dma_start3A_180 = arith.constant 0 : i32
        %dma_start3A_181 = arith.constant 0 : i32
        %dma_start3A_182 = tpu.memref_slice %arg2[%dma_start3A_180, %dma_start3A_181] : memref<10000x128xf32, #tpu.memory_space<hbm>> -> memref<10000x128xf32, #tpu.memory_space<hbm>>
        tpu.enqueue_indirect_dma source(%dma_start3A_182 : memref<10000x128xf32, #tpu.memory_space<hbm>>) target(%arg13 : memref<128x128xf32, #tpu.memory_space<vmem>>) offsets(%dma_start3A_179 : memref<128xi32, #tpu.memory_space<vmem>>) semaphore(%arg17 : memref<!tpu.dma_semaphore, #tpu.memory_space<semaphore_mem>>)
        %dma_wait3A_183 = arith.constant 3 : i32
        %dma_wait3A_184 = arith.constant 0 : i32
        %dma_wait3A_185 = tpu.memref_slice %arg11[%dma_wait3A_183, %dma_wait3A_184] : memref<16x128xi32, #tpu.memory_space<vmem>> -> memref<1x128xi32, #tpu.memory_space<vmem>>
        %dma_wait3A_186 = tpu.memref_squeeze %dma_wait3A_185 : memref<1x128xi32, #tpu.memory_space<vmem>> -> memref<128xi32, #tpu.memory_space<vmem>>
        %dma_wait3A_187 = arith.constant 0 : i32
        %dma_wait3A_188 = arith.constant 0 : i32
        %dma_wait3A_189 = tpu.memref_slice %arg2[%dma_wait3A_187, %dma_wait3A_188] : memref<10000x128xf32, #tpu.memory_space<hbm>> -> memref<10000x128xf32, #tpu.memory_space<hbm>>
        tpu.wait_indirect_dma semaphore(%arg18 : memref<!tpu.dma_semaphore, #tpu.memory_space<semaphore_mem>>) src(%dma_wait3A_189 : memref<10000x128xf32, #tpu.memory_space<hbm>>) dst(%arg14 : memref<128x128xf32, #tpu.memory_space<vmem>>)
        %run_scoped3A_190 = arith.constant 3 : i32
        "tpu.region"() ({
          %run_scoped3A_781 = tpu.sem_alloc : memref<!tpu.dma_semaphore, #tpu.memory_space<semaphore_mem>>
          %dma_start3A_782 = arith.constant 0 : i32
          %dma_start3A_783 = tpu.memref_slice %arg12[%run_scoped3A_190, %dma_start3A_782] : memref<16x128xi32, #tpu.memory_space<vmem>> -> memref<1x128xi32, #tpu.memory_space<vmem>>
          %dma_start3A_784 = tpu.memref_squeeze %dma_start3A_783 : memref<1x128xi32, #tpu.memory_space<vmem>> -> memref<128xi32, #tpu.memory_space<vmem>>
          %dma_start3A_785 = arith.constant 0 : i32
          %dma_start3A_786 = arith.constant 0 : i32
          %dma_start3A_787 = tpu.memref_slice %arg16[%dma_start3A_785, %dma_start3A_786] : memref<10112x128xf32, #tpu.memory_space<vmem_shared>> -> memref<10112x128xf32, #tpu.memory_space<vmem_shared>>
          tpu.enqueue_indirect_dma source(%arg14 : memref<128x128xf32, #tpu.memory_space<vmem>>) target(%dma_start3A_787 : memref<10112x128xf32, #tpu.memory_space<vmem_shared>>) offsets(%dma_start3A_784 : memref<128xi32, #tpu.memory_space<vmem>>) semaphore(%run_scoped3A_781 : memref<!tpu.dma_semaphore, #tpu.memory_space<semaphore_mem>>) {add = true}
          %dma_wait3A_788 = arith.constant 0 : i32
          %dma_wait3A_789 = tpu.memref_slice %arg12[%run_scoped3A_190, %dma_wait3A_788] : memref<16x128xi32, #tpu.memory_space<vmem>> -> memref<1x128xi32, #tpu.memory_space<vmem>>
          %dma_wait3A_790 = tpu.memref_squeeze %dma_wait3A_789 : memref<1x128xi32, #tpu.memory_space<vmem>> -> memref<128xi32, #tpu.memory_space<vmem>>
          %dma_wait3A_791 = arith.constant 0 : i32
          %dma_wait3A_792 = arith.constant 0 : i32
          %dma_wait3A_793 = tpu.memref_slice %arg16[%dma_wait3A_791, %dma_wait3A_792] : memref<10112x128xf32, #tpu.memory_space<vmem_shared>> -> memref<10112x128xf32, #tpu.memory_space<vmem_shared>>
          tpu.wait_indirect_dma semaphore(%run_scoped3A_781 : memref<!tpu.dma_semaphore, #tpu.memory_space<semaphore_mem>>) src(%arg14 : memref<128x128xf32, #tpu.memory_space<vmem>>) dst(%dma_wait3A_793 : memref<10112x128xf32, #tpu.memory_space<vmem_shared>>)
          tpu.yield
        }) : () -> ()
        %get3A_191 = arith.constant 3 : i32
        %get3A_192 = arith.index_cast %get3A_191 : i32 to index
        %get3A_193 = arith.constant 0 : index
        %get3A_194 = tpu.vector_load %arg12[%get3A_192, %get3A_193] {strides = array<i32>} : memref<16x128xi32, #tpu.memory_space<vmem>>, vector<16xi32>,
        tpu.vector_store_idx %arg15[%get3A_194], %broadcast_in_dim3A_1 {add = true} : memref<10112xf32, #tpu.memory_space<vmem>>[vector<16xi32>], vector<16xf32>,
        %get3A_195 = arith.constant 3 : i32
        %get3A_196 = arith.index_cast %get3A_195 : i32 to index
        %get3A_197 = arith.constant 16 : index
        %get3A_198 = tpu.vector_load %arg12[%get3A_196, %get3A_197] {strides = array<i32>} : memref<16x128xi32, #tpu.memory_space<vmem>>, vector<16xi32>,
        tpu.vector_store_idx %arg15[%get3A_198], %broadcast_in_dim3A_1 {add = true} : memref<10112xf32, #tpu.memory_space<vmem>>[vector<16xi32>], vector<16xf32>,
        %get3A_199 = arith.constant 3 : i32
        %get3A_200 = arith.index_cast %get3A_199 : i32 to index
        %get3A_201 = arith.constant 32 : index
        %get3A_202 = tpu.vector_load %arg12[%get3A_200, %get3A_201] {strides = array<i32>} : memref<16x128xi32, #tpu.memory_space<vmem>>, vector<16xi32>,
        tpu.vector_store_idx %arg15[%get3A_202], %broadcast_in_dim3A_1 {add = true} : memref<10112xf32, #tpu.memory_space<vmem>>[vector<16xi32>], vector<16xf32>,
        %get3A_203 = arith.constant 3 : i32
        %get3A_204 = arith.index_cast %get3A_203 : i32 to index
        %get3A_205 = arith.constant 48 : index
        %get3A_206 = tpu.vector_load %arg12[%get3A_204, %get3A_205] {strides = array<i32>} : memref<16x128xi32, #tpu.memory_space<vmem>>, vector<16xi32>,
        tpu.vector_store_idx %arg15[%get3A_206], %broadcast_in_dim3A_1 {add = true} : memref<10112xf32, #tpu.memory_space<vmem>>[vector<16xi32>], vector<16xf32>,
        %get3A_207 = arith.constant 3 : i32
        %get3A_208 = arith.index_cast %get3A_207 : i32 to index
        %get3A_209 = arith.constant 64 : index
        %get3A_210 = tpu.vector_load %arg12[%get3A_208, %get3A_209] {strides = array<i32>} : memref<16x128xi32, #tpu.memory_space<vmem>>, vector<16xi32>,
        tpu.vector_store_idx %arg15[%get3A_210], %broadcast_in_dim3A_1 {add = true} : memref<10112xf32, #tpu.memory_space<vmem>>[vector<16xi32>], vector<16xf32>,
        %get3A_211 = arith.constant 3 : i32
        %get3A_212 = arith.index_cast %get3A_211 : i32 to index
        %get3A_213 = arith.constant 80 : index
        %get3A_214 = tpu.vector_load %arg12[%get3A_212, %get3A_213] {strides = array<i32>} : memref<16x128xi32, #tpu.memory_space<vmem>>, vector<16xi32>,
        tpu.vector_store_idx %arg15[%get3A_214], %broadcast_in_dim3A_1 {add = true} : memref<10112xf32, #tpu.memory_space<vmem>>[vector<16xi32>], vector<16xf32>,
        %get3A_215 = arith.constant 3 : i32
        %get3A_216 = arith.index_cast %get3A_215 : i32 to index
        %get3A_217 = arith.constant 96 : index
        %get3A_218 = tpu.vector_load %arg12[%get3A_216, %get3A_217] {strides = array<i32>} : memref<16x128xi32, #tpu.memory_space<vmem>>, vector<16xi32>,
        tpu.vector_store_idx %arg15[%get3A_218], %broadcast_in_dim3A_1 {add = true} : memref<10112xf32, #tpu.memory_space<vmem>>[vector<16xi32>], vector<16xf32>,
        %get3A_219 = arith.constant 3 : i32
        %get3A_220 = arith.index_cast %get3A_219 : i32 to index
        %get3A_221 = arith.constant 112 : index
        %get3A_222 = tpu.vector_load %arg12[%get3A_220, %get3A_221] {strides = array<i32>} : memref<16x128xi32, #tpu.memory_space<vmem>>, vector<16xi32>,
        tpu.vector_store_idx %arg15[%get3A_222], %broadcast_in_dim3A_1 {add = true} : memref<10112xf32, #tpu.memory_space<vmem>>[vector<16xi32>], vector<16xf32>,
        %dma_start3A_223 = arith.constant 5 : i32
        %dma_start3A_224 = arith.constant 0 : i32
        %dma_start3A_225 = tpu.memref_slice %arg11[%dma_start3A_223, %dma_start3A_224] : memref<16x128xi32, #tpu.memory_space<vmem>> -> memref<1x128xi32, #tpu.memory_space<vmem>>
        %dma_start3A_226 = tpu.memref_squeeze %dma_start3A_225 : memref<1x128xi32, #tpu.memory_space<vmem>> -> memref<128xi32, #tpu.memory_space<vmem>>
        %dma_start3A_227 = arith.constant 0 : i32
        %dma_start3A_228 = arith.constant 0 : i32
        %dma_start3A_229 = tpu.memref_slice %arg2[%dma_start3A_227, %dma_start3A_228] : memref<10000x128xf32, #tpu.memory_space<hbm>> -> memref<10000x128xf32, #tpu.memory_space<hbm>>
        tpu.enqueue_indirect_dma source(%dma_start3A_229 : memref<10000x128xf32, #tpu.memory_space<hbm>>) target(%arg14 : memref<128x128xf32, #tpu.memory_space<vmem>>) offsets(%dma_start3A_226 : memref<128xi32, #tpu.memory_space<vmem>>) semaphore(%arg18 : memref<!tpu.dma_semaphore, #tpu.memory_space<semaphore_mem>>)
        %dma_wait3A_230 = arith.constant 4 : i32
        %dma_wait3A_231 = arith.constant 0 : i32
        %dma_wait3A_232 = tpu.memref_slice %arg11[%dma_wait3A_230, %dma_wait3A_231] : memref<16x128xi32, #tpu.memory_space<vmem>> -> memref<1x128xi32, #tpu.memory_space<vmem>>
        %dma_wait3A_233 = tpu.memref_squeeze %dma_wait3A_232 : memref<1x128xi32, #tpu.memory_space<vmem>> -> memref<128xi32, #tpu.memory_space<vmem>>
        %dma_wait3A_234 = arith.constant 0 : i32
        %dma_wait3A_235 = arith.constant 0 : i32
        %dma_wait3A_236 = tpu.memref_slice %arg2[%dma_wait3A_234, %dma_wait3A_235] : memref<10000x128xf32, #tpu.memory_space<hbm>> -> memref<10000x128xf32, #tpu.memory_space<hbm>>
        tpu.wait_indirect_dma semaphore(%arg17 : memref<!tpu.dma_semaphore, #tpu.memory_space<semaphore_mem>>) src(%dma_wait3A_236 : memref<10000x128xf32, #tpu.memory_space<hbm>>) dst(%arg13 : memref<128x128xf32, #tpu.memory_space<vmem>>)
        %run_scoped3A_237 = arith.constant 4 : i32
        "tpu.region"() ({
          %run_scoped3A_781 = tpu.sem_alloc : memref<!tpu.dma_semaphore, #tpu.memory_space<semaphore_mem>>
          %dma_start3A_782 = arith.constant 0 : i32
          %dma_start3A_783 = tpu.memref_slice %arg12[%run_scoped3A_237, %dma_start3A_782] : memref<16x128xi32, #tpu.memory_space<vmem>> -> memref<1x128xi32, #tpu.memory_space<vmem>>
          %dma_start3A_784 = tpu.memref_squeeze %dma_start3A_783 : memref<1x128xi32, #tpu.memory_space<vmem>> -> memref<128xi32, #tpu.memory_space<vmem>>
          %dma_start3A_785 = arith.constant 0 : i32
          %dma_start3A_786 = arith.constant 0 : i32
          %dma_start3A_787 = tpu.memref_slice %arg16[%dma_start3A_785, %dma_start3A_786] : memref<10112x128xf32, #tpu.memory_space<vmem_shared>> -> memref<10112x128xf32, #tpu.memory_space<vmem_shared>>
          tpu.enqueue_indirect_dma source(%arg13 : memref<128x128xf32, #tpu.memory_space<vmem>>) target(%dma_start3A_787 : memref<10112x128xf32, #tpu.memory_space<vmem_shared>>) offsets(%dma_start3A_784 : memref<128xi32, #tpu.memory_space<vmem>>) semaphore(%run_scoped3A_781 : memref<!tpu.dma_semaphore, #tpu.memory_space<semaphore_mem>>) {add = true}
          %dma_wait3A_788 = arith.constant 0 : i32
          %dma_wait3A_789 = tpu.memref_slice %arg12[%run_scoped3A_237, %dma_wait3A_788] : memref<16x128xi32, #tpu.memory_space<vmem>> -> memref<1x128xi32, #tpu.memory_space<vmem>>
          %dma_wait3A_790 = tpu.memref_squeeze %dma_wait3A_789 : memref<1x128xi32, #tpu.memory_space<vmem>> -> memref<128xi32, #tpu.memory_space<vmem>>
          %dma_wait3A_791 = arith.constant 0 : i32
          %dma_wait3A_792 = arith.constant 0 : i32
          %dma_wait3A_793 = tpu.memref_slice %arg16[%dma_wait3A_791, %dma_wait3A_792] : memref<10112x128xf32, #tpu.memory_space<vmem_shared>> -> memref<10112x128xf32, #tpu.memory_space<vmem_shared>>
          tpu.wait_indirect_dma semaphore(%run_scoped3A_781 : memref<!tpu.dma_semaphore, #tpu.memory_space<semaphore_mem>>) src(%arg13 : memref<128x128xf32, #tpu.memory_space<vmem>>) dst(%dma_wait3A_793 : memref<10112x128xf32, #tpu.memory_space<vmem_shared>>)
          tpu.yield
        }) : () -> ()
        %get3A_238 = arith.constant 4 : i32
        %get3A_239 = arith.index_cast %get3A_238 : i32 to index
        %get3A_240 = arith.constant 0 : index
        %get3A_241 = tpu.vector_load %arg12[%get3A_239, %get3A_240] {strides = array<i32>} : memref<16x128xi32, #tpu.memory_space<vmem>>, vector<16xi32>,
        tpu.vector_store_idx %arg15[%get3A_241], %broadcast_in_dim3A_1 {add = true} : memref<10112xf32, #tpu.memory_space<vmem>>[vector<16xi32>], vector<16xf32>,
        %get3A_242 = arith.constant 4 : i32
        %get3A_243 = arith.index_cast %get3A_242 : i32 to index
        %get3A_244 = arith.constant 16 : index
        %get3A_245 = tpu.vector_load %arg12[%get3A_243, %get3A_244] {strides = array<i32>} : memref<16x128xi32, #tpu.memory_space<vmem>>, vector<16xi32>,
        tpu.vector_store_idx %arg15[%get3A_245], %broadcast_in_dim3A_1 {add = true} : memref<10112xf32, #tpu.memory_space<vmem>>[vector<16xi32>], vector<16xf32>,
        %get3A_246 = arith.constant 4 : i32
        %get3A_247 = arith.index_cast %get3A_246 : i32 to index
        %get3A_248 = arith.constant 32 : index
        %get3A_249 = tpu.vector_load %arg12[%get3A_247, %get3A_248] {strides = array<i32>} : memref<16x128xi32, #tpu.memory_space<vmem>>, vector<16xi32>,
        tpu.vector_store_idx %arg15[%get3A_249], %broadcast_in_dim3A_1 {add = true} : memref<10112xf32, #tpu.memory_space<vmem>>[vector<16xi32>], vector<16xf32>,
        %get3A_250 = arith.constant 4 : i32
        %get3A_251 = arith.index_cast %get3A_250 : i32 to index
        %get3A_252 = arith.constant 48 : index
        %get3A_253 = tpu.vector_load %arg12[%get3A_251, %get3A_252] {strides = array<i32>} : memref<16x128xi32, #tpu.memory_space<vmem>>, vector<16xi32>,
        tpu.vector_store_idx %arg15[%get3A_253], %broadcast_in_dim3A_1 {add = true} : memref<10112xf32, #tpu.memory_space<vmem>>[vector<16xi32>], vector<16xf32>,
        %get3A_254 = arith.constant 4 : i32
        %get3A_255 = arith.index_cast %get3A_254 : i32 to index
        %get3A_256 = arith.constant 64 : index
        %get3A_257 = tpu.vector_load %arg12[%get3A_255, %get3A_256] {strides = array<i32>} : memref<16x128xi32, #tpu.memory_space<vmem>>, vector<16xi32>,
        tpu.vector_store_idx %arg15[%get3A_257], %broadcast_in_dim3A_1 {add = true} : memref<10112xf32, #tpu.memory_space<vmem>>[vector<16xi32>], vector<16xf32>,
        %get3A_258 = arith.constant 4 : i32
        %get3A_259 = arith.index_cast %get3A_258 : i32 to index
        %get3A_260 = arith.constant 80 : index
        %get3A_261 = tpu.vector_load %arg12[%get3A_259, %get3A_260] {strides = array<i32>} : memref<16x128xi32, #tpu.memory_space<vmem>>, vector<16xi32>,
        tpu.vector_store_idx %arg15[%get3A_261], %broadcast_in_dim3A_1 {add = true} : memref<10112xf32, #tpu.memory_space<vmem>>[vector<16xi32>], vector<16xf32>,
        %get3A_262 = arith.constant 4 : i32
        %get3A_263 = arith.index_cast %get3A_262 : i32 to index
        %get3A_264 = arith.constant 96 : index
        %get3A_265 = tpu.vector_load %arg12[%get3A_263, %get3A_264] {strides = array<i32>} : memref<16x128xi32, #tpu.memory_space<vmem>>, vector<16xi32>,
        tpu.vector_store_idx %arg15[%get3A_265], %broadcast_in_dim3A_1 {add = true} : memref<10112xf32, #tpu.memory_space<vmem>>[vector<16xi32>], vector<16xf32>,
        %get3A_266 = arith.constant 4 : i32
        %get3A_267 = arith.index_cast %get3A_266 : i32 to index
        %get3A_268 = arith.constant 112 : index
        %get3A_269 = tpu.vector_load %arg12[%get3A_267, %get3A_268] {strides = array<i32>} : memref<16x128xi32, #tpu.memory_space<vmem>>, vector<16xi32>,
        tpu.vector_store_idx %arg15[%get3A_269], %broadcast_in_dim3A_1 {add = true} : memref<10112xf32, #tpu.memory_space<vmem>>[vector<16xi32>], vector<16xf32>,
        %dma_start3A_270 = arith.constant 6 : i32
        %dma_start3A_271 = arith.constant 0 : i32
        %dma_start3A_272 = tpu.memref_slice %arg11[%dma_start3A_270, %dma_start3A_271] : memref<16x128xi32, #tpu.memory_space<vmem>> -> memref<1x128xi32, #tpu.memory_space<vmem>>
        %dma_start3A_273 = tpu.memref_squeeze %dma_start3A_272 : memref<1x128xi32, #tpu.memory_space<vmem>> -> memref<128xi32, #tpu.memory_space<vmem>>
        %dma_start3A_274 = arith.constant 0 : i32
        %dma_start3A_275 = arith.constant 0 : i32
        %dma_start3A_276 = tpu.memref_slice %arg2[%dma_start3A_274, %dma_start3A_275] : memref<10000x128xf32, #tpu.memory_space<hbm>> -> memref<10000x128xf32, #tpu.memory_space<hbm>>
        tpu.enqueue_indirect_dma source(%dma_start3A_276 : memref<10000x128xf32, #tpu.memory_space<hbm>>) target(%arg13 : memref<128x128xf32, #tpu.memory_space<vmem>>) offsets(%dma_start3A_273 : memref<128xi32, #tpu.memory_space<vmem>>) semaphore(%arg17 : memref<!tpu.dma_semaphore, #tpu.memory_space<semaphore_mem>>)
        %dma_wait3A_277 = arith.constant 5 : i32
        %dma_wait3A_278 = arith.constant 0 : i32
        %dma_wait3A_279 = tpu.memref_slice %arg11[%dma_wait3A_277, %dma_wait3A_278] : memref<16x128xi32, #tpu.memory_space<vmem>> -> memref<1x128xi32, #tpu.memory_space<vmem>>
        %dma_wait3A_280 = tpu.memref_squeeze %dma_wait3A_279 : memref<1x128xi32, #tpu.memory_space<vmem>> -> memref<128xi32, #tpu.memory_space<vmem>>
        %dma_wait3A_281 = arith.constant 0 : i32
        %dma_wait3A_282 = arith.constant 0 : i32
        %dma_wait3A_283 = tpu.memref_slice %arg2[%dma_wait3A_281, %dma_wait3A_282] : memref<10000x128xf32, #tpu.memory_space<hbm>> -> memref<10000x128xf32, #tpu.memory_space<hbm>>
        tpu.wait_indirect_dma semaphore(%arg18 : memref<!tpu.dma_semaphore, #tpu.memory_space<semaphore_mem>>) src(%dma_wait3A_283 : memref<10000x128xf32, #tpu.memory_space<hbm>>) dst(%arg14 : memref<128x128xf32, #tpu.memory_space<vmem>>)
        %run_scoped3A_284 = arith.constant 5 : i32
        "tpu.region"() ({
          %run_scoped3A_781 = tpu.sem_alloc : memref<!tpu.dma_semaphore, #tpu.memory_space<semaphore_mem>>
          %dma_start3A_782 = arith.constant 0 : i32
          %dma_start3A_783 = tpu.memref_slice %arg12[%run_scoped3A_284, %dma_start3A_782] : memref<16x128xi32, #tpu.memory_space<vmem>> -> memref<1x128xi32, #tpu.memory_space<vmem>>
          %dma_start3A_784 = tpu.memref_squeeze %dma_start3A_783 : memref<1x128xi32, #tpu.memory_space<vmem>> -> memref<128xi32, #tpu.memory_space<vmem>>
          %dma_start3A_785 = arith.constant 0 : i32
          %dma_start3A_786 = arith.constant 0 : i32
          %dma_start3A_787 = tpu.memref_slice %arg16[%dma_start3A_785, %dma_start3A_786] : memref<10112x128xf32, #tpu.memory_space<vmem_shared>> -> memref<10112x128xf32, #tpu.memory_space<vmem_shared>>
          tpu.enqueue_indirect_dma source(%arg14 : memref<128x128xf32, #tpu.memory_space<vmem>>) target(%dma_start3A_787 : memref<10112x128xf32, #tpu.memory_space<vmem_shared>>) offsets(%dma_start3A_784 : memref<128xi32, #tpu.memory_space<vmem>>) semaphore(%run_scoped3A_781 : memref<!tpu.dma_semaphore, #tpu.memory_space<semaphore_mem>>) {add = true}
          %dma_wait3A_788 = arith.constant 0 : i32
          %dma_wait3A_789 = tpu.memref_slice %arg12[%run_scoped3A_284, %dma_wait3A_788] : memref<16x128xi32, #tpu.memory_space<vmem>> -> memref<1x128xi32, #tpu.memory_space<vmem>>
          %dma_wait3A_790 = tpu.memref_squeeze %dma_wait3A_789 : memref<1x128xi32, #tpu.memory_space<vmem>> -> memref<128xi32, #tpu.memory_space<vmem>>
          %dma_wait3A_791 = arith.constant 0 : i32
          %dma_wait3A_792 = arith.constant 0 : i32
          %dma_wait3A_793 = tpu.memref_slice %arg16[%dma_wait3A_791, %dma_wait3A_792] : memref<10112x128xf32, #tpu.memory_space<vmem_shared>> -> memref<10112x128xf32, #tpu.memory_space<vmem_shared>>
          tpu.wait_indirect_dma semaphore(%run_scoped3A_781 : memref<!tpu.dma_semaphore, #tpu.memory_space<semaphore_mem>>) src(%arg14 : memref<128x128xf32, #tpu.memory_space<vmem>>) dst(%dma_wait3A_793 : memref<10112x128xf32, #tpu.memory_space<vmem_shared>>)
          tpu.yield
        }) : () -> ()
        %get3A_285 = arith.constant 5 : i32
        %get3A_286 = arith.index_cast %get3A_285 : i32 to index
        %get3A_287 = arith.constant 0 : index
        %get3A_288 = tpu.vector_load %arg12[%get3A_286, %get3A_287] {strides = array<i32>} : memref<16x128xi32, #tpu.memory_space<vmem>>, vector<16xi32>,
        tpu.vector_store_idx %arg15[%get3A_288], %broadcast_in_dim3A_1 {add = true} : memref<10112xf32, #tpu.memory_space<vmem>>[vector<16xi32>], vector<16xf32>,
        %get3A_289 = arith.constant 5 : i32
        %get3A_290 = arith.index_cast %get3A_289 : i32 to index
        %get3A_291 = arith.constant 16 : index
        %get3A_292 = tpu.vector_load %arg12[%get3A_290, %get3A_291] {strides = array<i32>} : memref<16x128xi32, #tpu.memory_space<vmem>>, vector<16xi32>,
        tpu.vector_store_idx %arg15[%get3A_292], %broadcast_in_dim3A_1 {add = true} : memref<10112xf32, #tpu.memory_space<vmem>>[vector<16xi32>], vector<16xf32>,
        %get3A_293 = arith.constant 5 : i32
        %get3A_294 = arith.index_cast %get3A_293 : i32 to index
        %get3A_295 = arith.constant 32 : index
        %get3A_296 = tpu.vector_load %arg12[%get3A_294, %get3A_295] {strides = array<i32>} : memref<16x128xi32, #tpu.memory_space<vmem>>, vector<16xi32>,
        tpu.vector_store_idx %arg15[%get3A_296], %broadcast_in_dim3A_1 {add = true} : memref<10112xf32, #tpu.memory_space<vmem>>[vector<16xi32>], vector<16xf32>,
        %get3A_297 = arith.constant 5 : i32
        %get3A_298 = arith.index_cast %get3A_297 : i32 to index
        %get3A_299 = arith.constant 48 : index
        %get3A_300 = tpu.vector_load %arg12[%get3A_298, %get3A_299] {strides = array<i32>} : memref<16x128xi32, #tpu.memory_space<vmem>>, vector<16xi32>,
        tpu.vector_store_idx %arg15[%get3A_300], %broadcast_in_dim3A_1 {add = true} : memref<10112xf32, #tpu.memory_space<vmem>>[vector<16xi32>], vector<16xf32>,
        %get3A_301 = arith.constant 5 : i32
        %get3A_302 = arith.index_cast %get3A_301 : i32 to index
        %get3A_303 = arith.constant 64 : index
        %get3A_304 = tpu.vector_load %arg12[%get3A_302, %get3A_303] {strides = array<i32>} : memref<16x128xi32, #tpu.memory_space<vmem>>, vector<16xi32>,
        tpu.vector_store_idx %arg15[%get3A_304], %broadcast_in_dim3A_1 {add = true} : memref<10112xf32, #tpu.memory_space<vmem>>[vector<16xi32>], vector<16xf32>,
        %get3A_305 = arith.constant 5 : i32
        %get3A_306 = arith.index_cast %get3A_305 : i32 to index
        %get3A_307 = arith.constant 80 : index
        %get3A_308 = tpu.vector_load %arg12[%get3A_306, %get3A_307] {strides = array<i32>} : memref<16x128xi32, #tpu.memory_space<vmem>>, vector<16xi32>,
        tpu.vector_store_idx %arg15[%get3A_308], %broadcast_in_dim3A_1 {add = true} : memref<10112xf32, #tpu.memory_space<vmem>>[vector<16xi32>], vector<16xf32>,
        %get3A_309 = arith.constant 5 : i32
        %get3A_310 = arith.index_cast %get3A_309 : i32 to index
        %get3A_311 = arith.constant 96 : index
        %get3A_312 = tpu.vector_load %arg12[%get3A_310, %get3A_311] {strides = array<i32>} : memref<16x128xi32, #tpu.memory_space<vmem>>, vector<16xi32>,
        tpu.vector_store_idx %arg15[%get3A_312], %broadcast_in_dim3A_1 {add = true} : memref<10112xf32, #tpu.memory_space<vmem>>[vector<16xi32>], vector<16xf32>,
        %get3A_313 = arith.constant 5 : i32
        %get3A_314 = arith.index_cast %get3A_313 : i32 to index
        %get3A_315 = arith.constant 112 : index
        %get3A_316 = tpu.vector_load %arg12[%get3A_314, %get3A_315] {strides = array<i32>} : memref<16x128xi32, #tpu.memory_space<vmem>>, vector<16xi32>,
        tpu.vector_store_idx %arg15[%get3A_316], %broadcast_in_dim3A_1 {add = true} : memref<10112xf32, #tpu.memory_space<vmem>>[vector<16xi32>], vector<16xf32>,
        %dma_start3A_317 = arith.constant 7 : i32
        %dma_start3A_318 = arith.constant 0 : i32
        %dma_start3A_319 = tpu.memref_slice %arg11[%dma_start3A_317, %dma_start3A_318] : memref<16x128xi32, #tpu.memory_space<vmem>> -> memref<1x128xi32, #tpu.memory_space<vmem>>
        %dma_start3A_320 = tpu.memref_squeeze %dma_start3A_319 : memref<1x128xi32, #tpu.memory_space<vmem>> -> memref<128xi32, #tpu.memory_space<vmem>>
        %dma_start3A_321 = arith.constant 0 : i32
        %dma_start3A_322 = arith.constant 0 : i32
        %dma_start3A_323 = tpu.memref_slice %arg2[%dma_start3A_321, %dma_start3A_322] : memref<10000x128xf32, #tpu.memory_space<hbm>> -> memref<10000x128xf32, #tpu.memory_space<hbm>>
        tpu.enqueue_indirect_dma source(%dma_start3A_323 : memref<10000x128xf32, #tpu.memory_space<hbm>>) target(%arg14 : memref<128x128xf32, #tpu.memory_space<vmem>>) offsets(%dma_start3A_320 : memref<128xi32, #tpu.memory_space<vmem>>) semaphore(%arg18 : memref<!tpu.dma_semaphore, #tpu.memory_space<semaphore_mem>>)
        %dma_wait3A_324 = arith.constant 6 : i32
        %dma_wait3A_325 = arith.constant 0 : i32
        %dma_wait3A_326 = tpu.memref_slice %arg11[%dma_wait3A_324, %dma_wait3A_325] : memref<16x128xi32, #tpu.memory_space<vmem>> -> memref<1x128xi32, #tpu.memory_space<vmem>>
        %dma_wait3A_327 = tpu.memref_squeeze %dma_wait3A_326 : memref<1x128xi32, #tpu.memory_space<vmem>> -> memref<128xi32, #tpu.memory_space<vmem>>
        %dma_wait3A_328 = arith.constant 0 : i32
        %dma_wait3A_329 = arith.constant 0 : i32
        %dma_wait3A_330 = tpu.memref_slice %arg2[%dma_wait3A_328, %dma_wait3A_329] : memref<10000x128xf32, #tpu.memory_space<hbm>> -> memref<10000x128xf32, #tpu.memory_space<hbm>>
        tpu.wait_indirect_dma semaphore(%arg17 : memref<!tpu.dma_semaphore, #tpu.memory_space<semaphore_mem>>) src(%dma_wait3A_330 : memref<10000x128xf32, #tpu.memory_space<hbm>>) dst(%arg13 : memref<128x128xf32, #tpu.memory_space<vmem>>)
        %run_scoped3A_331 = arith.constant 6 : i32
        "tpu.region"() ({
          %run_scoped3A_781 = tpu.sem_alloc : memref<!tpu.dma_semaphore, #tpu.memory_space<semaphore_mem>>
          %dma_start3A_782 = arith.constant 0 : i32
          %dma_start3A_783 = tpu.memref_slice %arg12[%run_scoped3A_331, %dma_start3A_782] : memref<16x128xi32, #tpu.memory_space<vmem>> -> memref<1x128xi32, #tpu.memory_space<vmem>>
          %dma_start3A_784 = tpu.memref_squeeze %dma_start3A_783 : memref<1x128xi32, #tpu.memory_space<vmem>> -> memref<128xi32, #tpu.memory_space<vmem>>
          %dma_start3A_785 = arith.constant 0 : i32
          %dma_start3A_786 = arith.constant 0 : i32
          %dma_start3A_787 = tpu.memref_slice %arg16[%dma_start3A_785, %dma_start3A_786] : memref<10112x128xf32, #tpu.memory_space<vmem_shared>> -> memref<10112x128xf32, #tpu.memory_space<vmem_shared>>
          tpu.enqueue_indirect_dma source(%arg13 : memref<128x128xf32, #tpu.memory_space<vmem>>) target(%dma_start3A_787 : memref<10112x128xf32, #tpu.memory_space<vmem_shared>>) offsets(%dma_start3A_784 : memref<128xi32, #tpu.memory_space<vmem>>) semaphore(%run_scoped3A_781 : memref<!tpu.dma_semaphore, #tpu.memory_space<semaphore_mem>>) {add = true}
          %dma_wait3A_788 = arith.constant 0 : i32
          %dma_wait3A_789 = tpu.memref_slice %arg12[%run_scoped3A_331, %dma_wait3A_788] : memref<16x128xi32, #tpu.memory_space<vmem>> -> memref<1x128xi32, #tpu.memory_space<vmem>>
          %dma_wait3A_790 = tpu.memref_squeeze %dma_wait3A_789 : memref<1x128xi32, #tpu.memory_space<vmem>> -> memref<128xi32, #tpu.memory_space<vmem>>
          %dma_wait3A_791 = arith.constant 0 : i32
          %dma_wait3A_792 = arith.constant 0 : i32
          %dma_wait3A_793 = tpu.memref_slice %arg16[%dma_wait3A_791, %dma_wait3A_792] : memref<10112x128xf32, #tpu.memory_space<vmem_shared>> -> memref<10112x128xf32, #tpu.memory_space<vmem_shared>>
          tpu.wait_indirect_dma semaphore(%run_scoped3A_781 : memref<!tpu.dma_semaphore, #tpu.memory_space<semaphore_mem>>) src(%arg13 : memref<128x128xf32, #tpu.memory_space<vmem>>) dst(%dma_wait3A_793 : memref<10112x128xf32, #tpu.memory_space<vmem_shared>>)
          tpu.yield
        }) : () -> ()
        %get3A_332 = arith.constant 6 : i32
        %get3A_333 = arith.index_cast %get3A_332 : i32 to index
        %get3A_334 = arith.constant 0 : index
        %get3A_335 = tpu.vector_load %arg12[%get3A_333, %get3A_334] {strides = array<i32>} : memref<16x128xi32, #tpu.memory_space<vmem>>, vector<16xi32>,
        tpu.vector_store_idx %arg15[%get3A_335], %broadcast_in_dim3A_1 {add = true} : memref<10112xf32, #tpu.memory_space<vmem>>[vector<16xi32>], vector<16xf32>,
        %get3A_336 = arith.constant 6 : i32
        %get3A_337 = arith.index_cast %get3A_336 : i32 to index
        %get3A_338 = arith.constant 16 : index
        %get3A_339 = tpu.vector_load %arg12[%get3A_337, %get3A_338] {strides = array<i32>} : memref<16x128xi32, #tpu.memory_space<vmem>>, vector<16xi32>,
        tpu.vector_store_idx %arg15[%get3A_339], %broadcast_in_dim3A_1 {add = true} : memref<10112xf32, #tpu.memory_space<vmem>>[vector<16xi32>], vector<16xf32>,
        %get3A_340 = arith.constant 6 : i32
        %get3A_341 = arith.index_cast %get3A_340 : i32 to index
        %get3A_342 = arith.constant 32 : index
        %get3A_343 = tpu.vector_load %arg12[%get3A_341, %get3A_342] {strides = array<i32>} : memref<16x128xi32, #tpu.memory_space<vmem>>, vector<16xi32>,
        tpu.vector_store_idx %arg15[%get3A_343], %broadcast_in_dim3A_1 {add = true} : memref<10112xf32, #tpu.memory_space<vmem>>[vector<16xi32>], vector<16xf32>,
        %get3A_344 = arith.constant 6 : i32
        %get3A_345 = arith.index_cast %get3A_344 : i32 to index
        %get3A_346 = arith.constant 48 : index
        %get3A_347 = tpu.vector_load %arg12[%get3A_345, %get3A_346] {strides = array<i32>} : memref<16x128xi32, #tpu.memory_space<vmem>>, vector<16xi32>,
        tpu.vector_store_idx %arg15[%get3A_347], %broadcast_in_dim3A_1 {add = true} : memref<10112xf32, #tpu.memory_space<vmem>>[vector<16xi32>], vector<16xf32>,
        %get3A_348 = arith.constant 6 : i32
        %get3A_349 = arith.index_cast %get3A_348 : i32 to index
        %get3A_350 = arith.constant 64 : index
        %get3A_351 = tpu.vector_load %arg12[%get3A_349, %get3A_350] {strides = array<i32>} : memref<16x128xi32, #tpu.memory_space<vmem>>, vector<16xi32>,
        tpu.vector_store_idx %arg15[%get3A_351], %broadcast_in_dim3A_1 {add = true} : memref<10112xf32, #tpu.memory_space<vmem>>[vector<16xi32>], vector<16xf32>,
        %get3A_352 = arith.constant 6 : i32
        %get3A_353 = arith.index_cast %get3A_352 : i32 to index
        %get3A_354 = arith.constant 80 : index
        %get3A_355 = tpu.vector_load %arg12[%get3A_353, %get3A_354] {strides = array<i32>} : memref<16x128xi32, #tpu.memory_space<vmem>>, vector<16xi32>,
        tpu.vector_store_idx %arg15[%get3A_355], %broadcast_in_dim3A_1 {add = true} : memref<10112xf32, #tpu.memory_space<vmem>>[vector<16xi32>], vector<16xf32>,
        %get3A_356 = arith.constant 6 : i32
        %get3A_357 = arith.index_cast %get3A_356 : i32 to index
        %get3A_358 = arith.constant 96 : index
        %get3A_359 = tpu.vector_load %arg12[%get3A_357, %get3A_358] {strides = array<i32>} : memref<16x128xi32, #tpu.memory_space<vmem>>, vector<16xi32>,
        tpu.vector_store_idx %arg15[%get3A_359], %broadcast_in_dim3A_1 {add = true} : memref<10112xf32, #tpu.memory_space<vmem>>[vector<16xi32>], vector<16xf32>,
        %get3A_360 = arith.constant 6 : i32
        %get3A_361 = arith.index_cast %get3A_360 : i32 to index
        %get3A_362 = arith.constant 112 : index
        %get3A_363 = tpu.vector_load %arg12[%get3A_361, %get3A_362] {strides = array<i32>} : memref<16x128xi32, #tpu.memory_space<vmem>>, vector<16xi32>,
        tpu.vector_store_idx %arg15[%get3A_363], %broadcast_in_dim3A_1 {add = true} : memref<10112xf32, #tpu.memory_space<vmem>>[vector<16xi32>], vector<16xf32>,
        %dma_start3A_364 = arith.constant 8 : i32
        %dma_start3A_365 = arith.constant 0 : i32
        %dma_start3A_366 = tpu.memref_slice %arg11[%dma_start3A_364, %dma_start3A_365] : memref<16x128xi32, #tpu.memory_space<vmem>> -> memref<1x128xi32, #tpu.memory_space<vmem>>
        %dma_start3A_367 = tpu.memref_squeeze %dma_start3A_366 : memref<1x128xi32, #tpu.memory_space<vmem>> -> memref<128xi32, #tpu.memory_space<vmem>>
        %dma_start3A_368 = arith.constant 0 : i32
        %dma_start3A_369 = arith.constant 0 : i32
        %dma_start3A_370 = tpu.memref_slice %arg2[%dma_start3A_368, %dma_start3A_369] : memref<10000x128xf32, #tpu.memory_space<hbm>> -> memref<10000x128xf32, #tpu.memory_space<hbm>>
        tpu.enqueue_indirect_dma source(%dma_start3A_370 : memref<10000x128xf32, #tpu.memory_space<hbm>>) target(%arg13 : memref<128x128xf32, #tpu.memory_space<vmem>>) offsets(%dma_start3A_367 : memref<128xi32, #tpu.memory_space<vmem>>) semaphore(%arg17 : memref<!tpu.dma_semaphore, #tpu.memory_space<semaphore_mem>>)
        %dma_wait3A_371 = arith.constant 7 : i32
        %dma_wait3A_372 = arith.constant 0 : i32
        %dma_wait3A_373 = tpu.memref_slice %arg11[%dma_wait3A_371, %dma_wait3A_372] : memref<16x128xi32, #tpu.memory_space<vmem>> -> memref<1x128xi32, #tpu.memory_space<vmem>>
        %dma_wait3A_374 = tpu.memref_squeeze %dma_wait3A_373 : memref<1x128xi32, #tpu.memory_space<vmem>> -> memref<128xi32, #tpu.memory_space<vmem>>
        %dma_wait3A_375 = arith.constant 0 : i32
        %dma_wait3A_376 = arith.constant 0 : i32
        %dma_wait3A_377 = tpu.memref_slice %arg2[%dma_wait3A_375, %dma_wait3A_376] : memref<10000x128xf32, #tpu.memory_space<hbm>> -> memref<10000x128xf32, #tpu.memory_space<hbm>>
        tpu.wait_indirect_dma semaphore(%arg18 : memref<!tpu.dma_semaphore, #tpu.memory_space<semaphore_mem>>) src(%dma_wait3A_377 : memref<10000x128xf32, #tpu.memory_space<hbm>>) dst(%arg14 : memref<128x128xf32, #tpu.memory_space<vmem>>)
        %run_scoped3A_378 = arith.constant 7 : i32
        "tpu.region"() ({
          %run_scoped3A_781 = tpu.sem_alloc : memref<!tpu.dma_semaphore, #tpu.memory_space<semaphore_mem>>
          %dma_start3A_782 = arith.constant 0 : i32
          %dma_start3A_783 = tpu.memref_slice %arg12[%run_scoped3A_378, %dma_start3A_782] : memref<16x128xi32, #tpu.memory_space<vmem>> -> memref<1x128xi32, #tpu.memory_space<vmem>>
          %dma_start3A_784 = tpu.memref_squeeze %dma_start3A_783 : memref<1x128xi32, #tpu.memory_space<vmem>> -> memref<128xi32, #tpu.memory_space<vmem>>
          %dma_start3A_785 = arith.constant 0 : i32
          %dma_start3A_786 = arith.constant 0 : i32
          %dma_start3A_787 = tpu.memref_slice %arg16[%dma_start3A_785, %dma_start3A_786] : memref<10112x128xf32, #tpu.memory_space<vmem_shared>> -> memref<10112x128xf32, #tpu.memory_space<vmem_shared>>
          tpu.enqueue_indirect_dma source(%arg14 : memref<128x128xf32, #tpu.memory_space<vmem>>) target(%dma_start3A_787 : memref<10112x128xf32, #tpu.memory_space<vmem_shared>>) offsets(%dma_start3A_784 : memref<128xi32, #tpu.memory_space<vmem>>) semaphore(%run_scoped3A_781 : memref<!tpu.dma_semaphore, #tpu.memory_space<semaphore_mem>>) {add = true}
          %dma_wait3A_788 = arith.constant 0 : i32
          %dma_wait3A_789 = tpu.memref_slice %arg12[%run_scoped3A_378, %dma_wait3A_788] : memref<16x128xi32, #tpu.memory_space<vmem>> -> memref<1x128xi32, #tpu.memory_space<vmem>>
          %dma_wait3A_790 = tpu.memref_squeeze %dma_wait3A_789 : memref<1x128xi32, #tpu.memory_space<vmem>> -> memref<128xi32, #tpu.memory_space<vmem>>
          %dma_wait3A_791 = arith.constant 0 : i32
          %dma_wait3A_792 = arith.constant 0 : i32
          %dma_wait3A_793 = tpu.memref_slice %arg16[%dma_wait3A_791, %dma_wait3A_792] : memref<10112x128xf32, #tpu.memory_space<vmem_shared>> -> memref<10112x128xf32, #tpu.memory_space<vmem_shared>>
          tpu.wait_indirect_dma semaphore(%run_scoped3A_781 : memref<!tpu.dma_semaphore, #tpu.memory_space<semaphore_mem>>) src(%arg14 : memref<128x128xf32, #tpu.memory_space<vmem>>) dst(%dma_wait3A_793 : memref<10112x128xf32, #tpu.memory_space<vmem_shared>>)
          tpu.yield
        }) : () -> ()
        %get3A_379 = arith.constant 7 : i32
        %get3A_380 = arith.index_cast %get3A_379 : i32 to index
        %get3A_381 = arith.constant 0 : index
        %get3A_382 = tpu.vector_load %arg12[%get3A_380, %get3A_381] {strides = array<i32>} : memref<16x128xi32, #tpu.memory_space<vmem>>, vector<16xi32>,
        tpu.vector_store_idx %arg15[%get3A_382], %broadcast_in_dim3A_1 {add = true} : memref<10112xf32, #tpu.memory_space<vmem>>[vector<16xi32>], vector<16xf32>,
        %get3A_383 = arith.constant 7 : i32
        %get3A_384 = arith.index_cast %get3A_383 : i32 to index
        %get3A_385 = arith.constant 16 : index
        %get3A_386 = tpu.vector_load %arg12[%get3A_384, %get3A_385] {strides = array<i32>} : memref<16x128xi32, #tpu.memory_space<vmem>>, vector<16xi32>,
        tpu.vector_store_idx %arg15[%get3A_386], %broadcast_in_dim3A_1 {add = true} : memref<10112xf32, #tpu.memory_space<vmem>>[vector<16xi32>], vector<16xf32>,
        %get3A_387 = arith.constant 7 : i32
        %get3A_388 = arith.index_cast %get3A_387 : i32 to index
        %get3A_389 = arith.constant 32 : index
        %get3A_390 = tpu.vector_load %arg12[%get3A_388, %get3A_389] {strides = array<i32>} : memref<16x128xi32, #tpu.memory_space<vmem>>, vector<16xi32>,
        tpu.vector_store_idx %arg15[%get3A_390], %broadcast_in_dim3A_1 {add = true} : memref<10112xf32, #tpu.memory_space<vmem>>[vector<16xi32>], vector<16xf32>,
        %get3A_391 = arith.constant 7 : i32
        %get3A_392 = arith.index_cast %get3A_391 : i32 to index
        %get3A_393 = arith.constant 48 : index
        %get3A_394 = tpu.vector_load %arg12[%get3A_392, %get3A_393] {strides = array<i32>} : memref<16x128xi32, #tpu.memory_space<vmem>>, vector<16xi32>,
        tpu.vector_store_idx %arg15[%get3A_394], %broadcast_in_dim3A_1 {add = true} : memref<10112xf32, #tpu.memory_space<vmem>>[vector<16xi32>], vector<16xf32>,
        %get3A_395 = arith.constant 7 : i32
        %get3A_396 = arith.index_cast %get3A_395 : i32 to index
        %get3A_397 = arith.constant 64 : index
        %get3A_398 = tpu.vector_load %arg12[%get3A_396, %get3A_397] {strides = array<i32>} : memref<16x128xi32, #tpu.memory_space<vmem>>, vector<16xi32>,
        tpu.vector_store_idx %arg15[%get3A_398], %broadcast_in_dim3A_1 {add = true} : memref<10112xf32, #tpu.memory_space<vmem>>[vector<16xi32>], vector<16xf32>,
        %get3A_399 = arith.constant 7 : i32
        %get3A_400 = arith.index_cast %get3A_399 : i32 to index
        %get3A_401 = arith.constant 80 : index
        %get3A_402 = tpu.vector_load %arg12[%get3A_400, %get3A_401] {strides = array<i32>} : memref<16x128xi32, #tpu.memory_space<vmem>>, vector<16xi32>,
        tpu.vector_store_idx %arg15[%get3A_402], %broadcast_in_dim3A_1 {add = true} : memref<10112xf32, #tpu.memory_space<vmem>>[vector<16xi32>], vector<16xf32>,
        %get3A_403 = arith.constant 7 : i32
        %get3A_404 = arith.index_cast %get3A_403 : i32 to index
        %get3A_405 = arith.constant 96 : index
        %get3A_406 = tpu.vector_load %arg12[%get3A_404, %get3A_405] {strides = array<i32>} : memref<16x128xi32, #tpu.memory_space<vmem>>, vector<16xi32>,
        tpu.vector_store_idx %arg15[%get3A_406], %broadcast_in_dim3A_1 {add = true} : memref<10112xf32, #tpu.memory_space<vmem>>[vector<16xi32>], vector<16xf32>,
        %get3A_407 = arith.constant 7 : i32
        %get3A_408 = arith.index_cast %get3A_407 : i32 to index
        %get3A_409 = arith.constant 112 : index
        %get3A_410 = tpu.vector_load %arg12[%get3A_408, %get3A_409] {strides = array<i32>} : memref<16x128xi32, #tpu.memory_space<vmem>>, vector<16xi32>,
        tpu.vector_store_idx %arg15[%get3A_410], %broadcast_in_dim3A_1 {add = true} : memref<10112xf32, #tpu.memory_space<vmem>>[vector<16xi32>], vector<16xf32>,
        %dma_start3A_411 = arith.constant 9 : i32
        %dma_start3A_412 = arith.constant 0 : i32
        %dma_start3A_413 = tpu.memref_slice %arg11[%dma_start3A_411, %dma_start3A_412] : memref<16x128xi32, #tpu.memory_space<vmem>> -> memref<1x128xi32, #tpu.memory_space<vmem>>
        %dma_start3A_414 = tpu.memref_squeeze %dma_start3A_413 : memref<1x128xi32, #tpu.memory_space<vmem>> -> memref<128xi32, #tpu.memory_space<vmem>>
        %dma_start3A_415 = arith.constant 0 : i32
        %dma_start3A_416 = arith.constant 0 : i32
        %dma_start3A_417 = tpu.memref_slice %arg2[%dma_start3A_415, %dma_start3A_416] : memref<10000x128xf32, #tpu.memory_space<hbm>> -> memref<10000x128xf32, #tpu.memory_space<hbm>>
        tpu.enqueue_indirect_dma source(%dma_start3A_417 : memref<10000x128xf32, #tpu.memory_space<hbm>>) target(%arg14 : memref<128x128xf32, #tpu.memory_space<vmem>>) offsets(%dma_start3A_414 : memref<128xi32, #tpu.memory_space<vmem>>) semaphore(%arg18 : memref<!tpu.dma_semaphore, #tpu.memory_space<semaphore_mem>>)
        %dma_wait3A_418 = arith.constant 8 : i32
        %dma_wait3A_419 = arith.constant 0 : i32
        %dma_wait3A_420 = tpu.memref_slice %arg11[%dma_wait3A_418, %dma_wait3A_419] : memref<16x128xi32, #tpu.memory_space<vmem>> -> memref<1x128xi32, #tpu.memory_space<vmem>>
        %dma_wait3A_421 = tpu.memref_squeeze %dma_wait3A_420 : memref<1x128xi32, #tpu.memory_space<vmem>> -> memref<128xi32, #tpu.memory_space<vmem>>
        %dma_wait3A_422 = arith.constant 0 : i32
        %dma_wait3A_423 = arith.constant 0 : i32
        %dma_wait3A_424 = tpu.memref_slice %arg2[%dma_wait3A_422, %dma_wait3A_423] : memref<10000x128xf32, #tpu.memory_space<hbm>> -> memref<10000x128xf32, #tpu.memory_space<hbm>>
        tpu.wait_indirect_dma semaphore(%arg17 : memref<!tpu.dma_semaphore, #tpu.memory_space<semaphore_mem>>) src(%dma_wait3A_424 : memref<10000x128xf32, #tpu.memory_space<hbm>>) dst(%arg13 : memref<128x128xf32, #tpu.memory_space<vmem>>)
        %run_scoped3A_425 = arith.constant 8 : i32
        "tpu.region"() ({
          %run_scoped3A_781 = tpu.sem_alloc : memref<!tpu.dma_semaphore, #tpu.memory_space<semaphore_mem>>
          %dma_start3A_782 = arith.constant 0 : i32
          %dma_start3A_783 = tpu.memref_slice %arg12[%run_scoped3A_425, %dma_start3A_782] : memref<16x128xi32, #tpu.memory_space<vmem>> -> memref<1x128xi32, #tpu.memory_space<vmem>>
          %dma_start3A_784 = tpu.memref_squeeze %dma_start3A_783 : memref<1x128xi32, #tpu.memory_space<vmem>> -> memref<128xi32, #tpu.memory_space<vmem>>
          %dma_start3A_785 = arith.constant 0 : i32
          %dma_start3A_786 = arith.constant 0 : i32
          %dma_start3A_787 = tpu.memref_slice %arg16[%dma_start3A_785, %dma_start3A_786] : memref<10112x128xf32, #tpu.memory_space<vmem_shared>> -> memref<10112x128xf32, #tpu.memory_space<vmem_shared>>
          tpu.enqueue_indirect_dma source(%arg13 : memref<128x128xf32, #tpu.memory_space<vmem>>) target(%dma_start3A_787 : memref<10112x128xf32, #tpu.memory_space<vmem_shared>>) offsets(%dma_start3A_784 : memref<128xi32, #tpu.memory_space<vmem>>) semaphore(%run_scoped3A_781 : memref<!tpu.dma_semaphore, #tpu.memory_space<semaphore_mem>>) {add = true}
          %dma_wait3A_788 = arith.constant 0 : i32
          %dma_wait3A_789 = tpu.memref_slice %arg12[%run_scoped3A_425, %dma_wait3A_788] : memref<16x128xi32, #tpu.memory_space<vmem>> -> memref<1x128xi32, #tpu.memory_space<vmem>>
          %dma_wait3A_790 = tpu.memref_squeeze %dma_wait3A_789 : memref<1x128xi32, #tpu.memory_space<vmem>> -> memref<128xi32, #tpu.memory_space<vmem>>
          %dma_wait3A_791 = arith.constant 0 : i32
          %dma_wait3A_792 = arith.constant 0 : i32
          %dma_wait3A_793 = tpu.memref_slice %arg16[%dma_wait3A_791, %dma_wait3A_792] : memref<10112x128xf32, #tpu.memory_space<vmem_shared>> -> memref<10112x128xf32, #tpu.memory_space<vmem_shared>>
          tpu.wait_indirect_dma semaphore(%run_scoped3A_781 : memref<!tpu.dma_semaphore, #tpu.memory_space<semaphore_mem>>) src(%arg13 : memref<128x128xf32, #tpu.memory_space<vmem>>) dst(%dma_wait3A_793 : memref<10112x128xf32, #tpu.memory_space<vmem_shared>>)
          tpu.yield
        }) : () -> ()
        %get3A_426 = arith.constant 8 : i32
        %get3A_427 = arith.index_cast %get3A_426 : i32 to index
        %get3A_428 = arith.constant 0 : index
        %get3A_429 = tpu.vector_load %arg12[%get3A_427, %get3A_428] {strides = array<i32>} : memref<16x128xi32, #tpu.memory_space<vmem>>, vector<16xi32>,
        tpu.vector_store_idx %arg15[%get3A_429], %broadcast_in_dim3A_1 {add = true} : memref<10112xf32, #tpu.memory_space<vmem>>[vector<16xi32>], vector<16xf32>,
        %get3A_430 = arith.constant 8 : i32
        %get3A_431 = arith.index_cast %get3A_430 : i32 to index
        %get3A_432 = arith.constant 16 : index
        %get3A_433 = tpu.vector_load %arg12[%get3A_431, %get3A_432] {strides = array<i32>} : memref<16x128xi32, #tpu.memory_space<vmem>>, vector<16xi32>,
        tpu.vector_store_idx %arg15[%get3A_433], %broadcast_in_dim3A_1 {add = true} : memref<10112xf32, #tpu.memory_space<vmem>>[vector<16xi32>], vector<16xf32>,
        %get3A_434 = arith.constant 8 : i32
        %get3A_435 = arith.index_cast %get3A_434 : i32 to index
        %get3A_436 = arith.constant 32 : index
        %get3A_437 = tpu.vector_load %arg12[%get3A_435, %get3A_436] {strides = array<i32>} : memref<16x128xi32, #tpu.memory_space<vmem>>, vector<16xi32>,
        tpu.vector_store_idx %arg15[%get3A_437], %broadcast_in_dim3A_1 {add = true} : memref<10112xf32, #tpu.memory_space<vmem>>[vector<16xi32>], vector<16xf32>,
        %get3A_438 = arith.constant 8 : i32
        %get3A_439 = arith.index_cast %get3A_438 : i32 to index
        %get3A_440 = arith.constant 48 : index
        %get3A_441 = tpu.vector_load %arg12[%get3A_439, %get3A_440] {strides = array<i32>} : memref<16x128xi32, #tpu.memory_space<vmem>>, vector<16xi32>,
        tpu.vector_store_idx %arg15[%get3A_441], %broadcast_in_dim3A_1 {add = true} : memref<10112xf32, #tpu.memory_space<vmem>>[vector<16xi32>], vector<16xf32>,
        %get3A_442 = arith.constant 8 : i32
        %get3A_443 = arith.index_cast %get3A_442 : i32 to index
        %get3A_444 = arith.constant 64 : index
        %get3A_445 = tpu.vector_load %arg12[%get3A_443, %get3A_444] {strides = array<i32>} : memref<16x128xi32, #tpu.memory_space<vmem>>, vector<16xi32>,
        tpu.vector_store_idx %arg15[%get3A_445], %broadcast_in_dim3A_1 {add = true} : memref<10112xf32, #tpu.memory_space<vmem>>[vector<16xi32>], vector<16xf32>,
        %get3A_446 = arith.constant 8 : i32
        %get3A_447 = arith.index_cast %get3A_446 : i32 to index
        %get3A_448 = arith.constant 80 : index
        %get3A_449 = tpu.vector_load %arg12[%get3A_447, %get3A_448] {strides = array<i32>} : memref<16x128xi32, #tpu.memory_space<vmem>>, vector<16xi32>,
        tpu.vector_store_idx %arg15[%get3A_449], %broadcast_in_dim3A_1 {add = true} : memref<10112xf32, #tpu.memory_space<vmem>>[vector<16xi32>], vector<16xf32>,
        %get3A_450 = arith.constant 8 : i32
        %get3A_451 = arith.index_cast %get3A_450 : i32 to index
        %get3A_452 = arith.constant 96 : index
        %get3A_453 = tpu.vector_load %arg12[%get3A_451, %get3A_452] {strides = array<i32>} : memref<16x128xi32, #tpu.memory_space<vmem>>, vector<16xi32>,
        tpu.vector_store_idx %arg15[%get3A_453], %broadcast_in_dim3A_1 {add = true} : memref<10112xf32, #tpu.memory_space<vmem>>[vector<16xi32>], vector<16xf32>,
        %get3A_454 = arith.constant 8 : i32
        %get3A_455 = arith.index_cast %get3A_454 : i32 to index
        %get3A_456 = arith.constant 112 : index
        %get3A_457 = tpu.vector_load %arg12[%get3A_455, %get3A_456] {strides = array<i32>} : memref<16x128xi32, #tpu.memory_space<vmem>>, vector<16xi32>,
        tpu.vector_store_idx %arg15[%get3A_457], %broadcast_in_dim3A_1 {add = true} : memref<10112xf32, #tpu.memory_space<vmem>>[vector<16xi32>], vector<16xf32>,
        %dma_start3A_458 = arith.constant 10 : i32
        %dma_start3A_459 = arith.constant 0 : i32
        %dma_start3A_460 = tpu.memref_slice %arg11[%dma_start3A_458, %dma_start3A_459] : memref<16x128xi32, #tpu.memory_space<vmem>> -> memref<1x128xi32, #tpu.memory_space<vmem>>
        %dma_start3A_461 = tpu.memref_squeeze %dma_start3A_460 : memref<1x128xi32, #tpu.memory_space<vmem>> -> memref<128xi32, #tpu.memory_space<vmem>>
        %dma_start3A_462 = arith.constant 0 : i32
        %dma_start3A_463 = arith.constant 0 : i32
        %dma_start3A_464 = tpu.memref_slice %arg2[%dma_start3A_462, %dma_start3A_463] : memref<10000x128xf32, #tpu.memory_space<hbm>> -> memref<10000x128xf32, #tpu.memory_space<hbm>>
        tpu.enqueue_indirect_dma source(%dma_start3A_464 : memref<10000x128xf32, #tpu.memory_space<hbm>>) target(%arg13 : memref<128x128xf32, #tpu.memory_space<vmem>>) offsets(%dma_start3A_461 : memref<128xi32, #tpu.memory_space<vmem>>) semaphore(%arg17 : memref<!tpu.dma_semaphore, #tpu.memory_space<semaphore_mem>>)
        %dma_wait3A_465 = arith.constant 9 : i32
        %dma_wait3A_466 = arith.constant 0 : i32
        %dma_wait3A_467 = tpu.memref_slice %arg11[%dma_wait3A_465, %dma_wait3A_466] : memref<16x128xi32, #tpu.memory_space<vmem>> -> memref<1x128xi32, #tpu.memory_space<vmem>>
        %dma_wait3A_468 = tpu.memref_squeeze %dma_wait3A_467 : memref<1x128xi32, #tpu.memory_space<vmem>> -> memref<128xi32, #tpu.memory_space<vmem>>
        %dma_wait3A_469 = arith.constant 0 : i32
        %dma_wait3A_470 = arith.constant 0 : i32
        %dma_wait3A_471 = tpu.memref_slice %arg2[%dma_wait3A_469, %dma_wait3A_470] : memref<10000x128xf32, #tpu.memory_space<hbm>> -> memref<10000x128xf32, #tpu.memory_space<hbm>>
        tpu.wait_indirect_dma semaphore(%arg18 : memref<!tpu.dma_semaphore, #tpu.memory_space<semaphore_mem>>) src(%dma_wait3A_471 : memref<10000x128xf32, #tpu.memory_space<hbm>>) dst(%arg14 : memref<128x128xf32, #tpu.memory_space<vmem>>)
        %run_scoped3A_472 = arith.constant 9 : i32
        "tpu.region"() ({
          %run_scoped3A_781 = tpu.sem_alloc : memref<!tpu.dma_semaphore, #tpu.memory_space<semaphore_mem>>
          %dma_start3A_782 = arith.constant 0 : i32
          %dma_start3A_783 = tpu.memref_slice %arg12[%run_scoped3A_472, %dma_start3A_782] : memref<16x128xi32, #tpu.memory_space<vmem>> -> memref<1x128xi32, #tpu.memory_space<vmem>>
          %dma_start3A_784 = tpu.memref_squeeze %dma_start3A_783 : memref<1x128xi32, #tpu.memory_space<vmem>> -> memref<128xi32, #tpu.memory_space<vmem>>
          %dma_start3A_785 = arith.constant 0 : i32
          %dma_start3A_786 = arith.constant 0 : i32
          %dma_start3A_787 = tpu.memref_slice %arg16[%dma_start3A_785, %dma_start3A_786] : memref<10112x128xf32, #tpu.memory_space<vmem_shared>> -> memref<10112x128xf32, #tpu.memory_space<vmem_shared>>
          tpu.enqueue_indirect_dma source(%arg14 : memref<128x128xf32, #tpu.memory_space<vmem>>) target(%dma_start3A_787 : memref<10112x128xf32, #tpu.memory_space<vmem_shared>>) offsets(%dma_start3A_784 : memref<128xi32, #tpu.memory_space<vmem>>) semaphore(%run_scoped3A_781 : memref<!tpu.dma_semaphore, #tpu.memory_space<semaphore_mem>>) {add = true}
          %dma_wait3A_788 = arith.constant 0 : i32
          %dma_wait3A_789 = tpu.memref_slice %arg12[%run_scoped3A_472, %dma_wait3A_788] : memref<16x128xi32, #tpu.memory_space<vmem>> -> memref<1x128xi32, #tpu.memory_space<vmem>>
          %dma_wait3A_790 = tpu.memref_squeeze %dma_wait3A_789 : memref<1x128xi32, #tpu.memory_space<vmem>> -> memref<128xi32, #tpu.memory_space<vmem>>
          %dma_wait3A_791 = arith.constant 0 : i32
          %dma_wait3A_792 = arith.constant 0 : i32
          %dma_wait3A_793 = tpu.memref_slice %arg16[%dma_wait3A_791, %dma_wait3A_792] : memref<10112x128xf32, #tpu.memory_space<vmem_shared>> -> memref<10112x128xf32, #tpu.memory_space<vmem_shared>>
          tpu.wait_indirect_dma semaphore(%run_scoped3A_781 : memref<!tpu.dma_semaphore, #tpu.memory_space<semaphore_mem>>) src(%arg14 : memref<128x128xf32, #tpu.memory_space<vmem>>) dst(%dma_wait3A_793 : memref<10112x128xf32, #tpu.memory_space<vmem_shared>>)
          tpu.yield
        }) : () -> ()
        %get3A_473 = arith.constant 9 : i32
        %get3A_474 = arith.index_cast %get3A_473 : i32 to index
        %get3A_475 = arith.constant 0 : index
        %get3A_476 = tpu.vector_load %arg12[%get3A_474, %get3A_475] {strides = array<i32>} : memref<16x128xi32, #tpu.memory_space<vmem>>, vector<16xi32>,
        tpu.vector_store_idx %arg15[%get3A_476], %broadcast_in_dim3A_1 {add = true} : memref<10112xf32, #tpu.memory_space<vmem>>[vector<16xi32>], vector<16xf32>,
        %get3A_477 = arith.constant 9 : i32
        %get3A_478 = arith.index_cast %get3A_477 : i32 to index
        %get3A_479 = arith.constant 16 : index
        %get3A_480 = tpu.vector_load %arg12[%get3A_478, %get3A_479] {strides = array<i32>} : memref<16x128xi32, #tpu.memory_space<vmem>>, vector<16xi32>,
        tpu.vector_store_idx %arg15[%get3A_480], %broadcast_in_dim3A_1 {add = true} : memref<10112xf32, #tpu.memory_space<vmem>>[vector<16xi32>], vector<16xf32>,
        %get3A_481 = arith.constant 9 : i32
        %get3A_482 = arith.index_cast %get3A_481 : i32 to index
        %get3A_483 = arith.constant 32 : index
        %get3A_484 = tpu.vector_load %arg12[%get3A_482, %get3A_483] {strides = array<i32>} : memref<16x128xi32, #tpu.memory_space<vmem>>, vector<16xi32>,
        tpu.vector_store_idx %arg15[%get3A_484], %broadcast_in_dim3A_1 {add = true} : memref<10112xf32, #tpu.memory_space<vmem>>[vector<16xi32>], vector<16xf32>,
        %get3A_485 = arith.constant 9 : i32
        %get3A_486 = arith.index_cast %get3A_485 : i32 to index
        %get3A_487 = arith.constant 48 : index
        %get3A_488 = tpu.vector_load %arg12[%get3A_486, %get3A_487] {strides = array<i32>} : memref<16x128xi32, #tpu.memory_space<vmem>>, vector<16xi32>,
        tpu.vector_store_idx %arg15[%get3A_488], %broadcast_in_dim3A_1 {add = true} : memref<10112xf32, #tpu.memory_space<vmem>>[vector<16xi32>], vector<16xf32>,
        %get3A_489 = arith.constant 9 : i32
        %get3A_490 = arith.index_cast %get3A_489 : i32 to index
        %get3A_491 = arith.constant 64 : index
        %get3A_492 = tpu.vector_load %arg12[%get3A_490, %get3A_491] {strides = array<i32>} : memref<16x128xi32, #tpu.memory_space<vmem>>, vector<16xi32>,
        tpu.vector_store_idx %arg15[%get3A_492], %broadcast_in_dim3A_1 {add = true} : memref<10112xf32, #tpu.memory_space<vmem>>[vector<16xi32>], vector<16xf32>,
        %get3A_493 = arith.constant 9 : i32
        %get3A_494 = arith.index_cast %get3A_493 : i32 to index
        %get3A_495 = arith.constant 80 : index
        %get3A_496 = tpu.vector_load %arg12[%get3A_494, %get3A_495] {strides = array<i32>} : memref<16x128xi32, #tpu.memory_space<vmem>>, vector<16xi32>,
        tpu.vector_store_idx %arg15[%get3A_496], %broadcast_in_dim3A_1 {add = true} : memref<10112xf32, #tpu.memory_space<vmem>>[vector<16xi32>], vector<16xf32>,
        %get3A_497 = arith.constant 9 : i32
        %get3A_498 = arith.index_cast %get3A_497 : i32 to index
        %get3A_499 = arith.constant 96 : index
        %get3A_500 = tpu.vector_load %arg12[%get3A_498, %get3A_499] {strides = array<i32>} : memref<16x128xi32, #tpu.memory_space<vmem>>, vector<16xi32>,
        tpu.vector_store_idx %arg15[%get3A_500], %broadcast_in_dim3A_1 {add = true} : memref<10112xf32, #tpu.memory_space<vmem>>[vector<16xi32>], vector<16xf32>,
        %get3A_501 = arith.constant 9 : i32
        %get3A_502 = arith.index_cast %get3A_501 : i32 to index
        %get3A_503 = arith.constant 112 : index
        %get3A_504 = tpu.vector_load %arg12[%get3A_502, %get3A_503] {strides = array<i32>} : memref<16x128xi32, #tpu.memory_space<vmem>>, vector<16xi32>,
        tpu.vector_store_idx %arg15[%get3A_504], %broadcast_in_dim3A_1 {add = true} : memref<10112xf32, #tpu.memory_space<vmem>>[vector<16xi32>], vector<16xf32>,
        %dma_start3A_505 = arith.constant 11 : i32
        %dma_start3A_506 = arith.constant 0 : i32
        %dma_start3A_507 = tpu.memref_slice %arg11[%dma_start3A_505, %dma_start3A_506] : memref<16x128xi32, #tpu.memory_space<vmem>> -> memref<1x128xi32, #tpu.memory_space<vmem>>
        %dma_start3A_508 = tpu.memref_squeeze %dma_start3A_507 : memref<1x128xi32, #tpu.memory_space<vmem>> -> memref<128xi32, #tpu.memory_space<vmem>>
        %dma_start3A_509 = arith.constant 0 : i32
        %dma_start3A_510 = arith.constant 0 : i32
        %dma_start3A_511 = tpu.memref_slice %arg2[%dma_start3A_509, %dma_start3A_510] : memref<10000x128xf32, #tpu.memory_space<hbm>> -> memref<10000x128xf32, #tpu.memory_space<hbm>>
        tpu.enqueue_indirect_dma source(%dma_start3A_511 : memref<10000x128xf32, #tpu.memory_space<hbm>>) target(%arg14 : memref<128x128xf32, #tpu.memory_space<vmem>>) offsets(%dma_start3A_508 : memref<128xi32, #tpu.memory_space<vmem>>) semaphore(%arg18 : memref<!tpu.dma_semaphore, #tpu.memory_space<semaphore_mem>>)
        %dma_wait3A_512 = arith.constant 10 : i32
        %dma_wait3A_513 = arith.constant 0 : i32
        %dma_wait3A_514 = tpu.memref_slice %arg11[%dma_wait3A_512, %dma_wait3A_513] : memref<16x128xi32, #tpu.memory_space<vmem>> -> memref<1x128xi32, #tpu.memory_space<vmem>>
        %dma_wait3A_515 = tpu.memref_squeeze %dma_wait3A_514 : memref<1x128xi32, #tpu.memory_space<vmem>> -> memref<128xi32, #tpu.memory_space<vmem>>
        %dma_wait3A_516 = arith.constant 0 : i32
        %dma_wait3A_517 = arith.constant 0 : i32
        %dma_wait3A_518 = tpu.memref_slice %arg2[%dma_wait3A_516, %dma_wait3A_517] : memref<10000x128xf32, #tpu.memory_space<hbm>> -> memref<10000x128xf32, #tpu.memory_space<hbm>>
        tpu.wait_indirect_dma semaphore(%arg17 : memref<!tpu.dma_semaphore, #tpu.memory_space<semaphore_mem>>) src(%dma_wait3A_518 : memref<10000x128xf32, #tpu.memory_space<hbm>>) dst(%arg13 : memref<128x128xf32, #tpu.memory_space<vmem>>)
        %run_scoped3A_519 = arith.constant 10 : i32
        "tpu.region"() ({
          %run_scoped3A_781 = tpu.sem_alloc : memref<!tpu.dma_semaphore, #tpu.memory_space<semaphore_mem>>
          %dma_start3A_782 = arith.constant 0 : i32
          %dma_start3A_783 = tpu.memref_slice %arg12[%run_scoped3A_519, %dma_start3A_782] : memref<16x128xi32, #tpu.memory_space<vmem>> -> memref<1x128xi32, #tpu.memory_space<vmem>>
          %dma_start3A_784 = tpu.memref_squeeze %dma_start3A_783 : memref<1x128xi32, #tpu.memory_space<vmem>> -> memref<128xi32, #tpu.memory_space<vmem>>
          %dma_start3A_785 = arith.constant 0 : i32
          %dma_start3A_786 = arith.constant 0 : i32
          %dma_start3A_787 = tpu.memref_slice %arg16[%dma_start3A_785, %dma_start3A_786] : memref<10112x128xf32, #tpu.memory_space<vmem_shared>> -> memref<10112x128xf32, #tpu.memory_space<vmem_shared>>
          tpu.enqueue_indirect_dma source(%arg13 : memref<128x128xf32, #tpu.memory_space<vmem>>) target(%dma_start3A_787 : memref<10112x128xf32, #tpu.memory_space<vmem_shared>>) offsets(%dma_start3A_784 : memref<128xi32, #tpu.memory_space<vmem>>) semaphore(%run_scoped3A_781 : memref<!tpu.dma_semaphore, #tpu.memory_space<semaphore_mem>>) {add = true}
          %dma_wait3A_788 = arith.constant 0 : i32
          %dma_wait3A_789 = tpu.memref_slice %arg12[%run_scoped3A_519, %dma_wait3A_788] : memref<16x128xi32, #tpu.memory_space<vmem>> -> memref<1x128xi32, #tpu.memory_space<vmem>>
          %dma_wait3A_790 = tpu.memref_squeeze %dma_wait3A_789 : memref<1x128xi32, #tpu.memory_space<vmem>> -> memref<128xi32, #tpu.memory_space<vmem>>
          %dma_wait3A_791 = arith.constant 0 : i32
          %dma_wait3A_792 = arith.constant 0 : i32
          %dma_wait3A_793 = tpu.memref_slice %arg16[%dma_wait3A_791, %dma_wait3A_792] : memref<10112x128xf32, #tpu.memory_space<vmem_shared>> -> memref<10112x128xf32, #tpu.memory_space<vmem_shared>>
          tpu.wait_indirect_dma semaphore(%run_scoped3A_781 : memref<!tpu.dma_semaphore, #tpu.memory_space<semaphore_mem>>) src(%arg13 : memref<128x128xf32, #tpu.memory_space<vmem>>) dst(%dma_wait3A_793 : memref<10112x128xf32, #tpu.memory_space<vmem_shared>>)
          tpu.yield
        }) : () -> ()
        %get3A_520 = arith.constant 10 : i32
        %get3A_521 = arith.index_cast %get3A_520 : i32 to index
        %get3A_522 = arith.constant 0 : index
        %get3A_523 = tpu.vector_load %arg12[%get3A_521, %get3A_522] {strides = array<i32>} : memref<16x128xi32, #tpu.memory_space<vmem>>, vector<16xi32>,
        tpu.vector_store_idx %arg15[%get3A_523], %broadcast_in_dim3A_1 {add = true} : memref<10112xf32, #tpu.memory_space<vmem>>[vector<16xi32>], vector<16xf32>,
        %get3A_524 = arith.constant 10 : i32
        %get3A_525 = arith.index_cast %get3A_524 : i32 to index
        %get3A_526 = arith.constant 16 : index
        %get3A_527 = tpu.vector_load %arg12[%get3A_525, %get3A_526] {strides = array<i32>} : memref<16x128xi32, #tpu.memory_space<vmem>>, vector<16xi32>,
        tpu.vector_store_idx %arg15[%get3A_527], %broadcast_in_dim3A_1 {add = true} : memref<10112xf32, #tpu.memory_space<vmem>>[vector<16xi32>], vector<16xf32>,
        %get3A_528 = arith.constant 10 : i32
        %get3A_529 = arith.index_cast %get3A_528 : i32 to index
        %get3A_530 = arith.constant 32 : index
        %get3A_531 = tpu.vector_load %arg12[%get3A_529, %get3A_530] {strides = array<i32>} : memref<16x128xi32, #tpu.memory_space<vmem>>, vector<16xi32>,
        tpu.vector_store_idx %arg15[%get3A_531], %broadcast_in_dim3A_1 {add = true} : memref<10112xf32, #tpu.memory_space<vmem>>[vector<16xi32>], vector<16xf32>,
        %get3A_532 = arith.constant 10 : i32
        %get3A_533 = arith.index_cast %get3A_532 : i32 to index
        %get3A_534 = arith.constant 48 : index
        %get3A_535 = tpu.vector_load %arg12[%get3A_533, %get3A_534] {strides = array<i32>} : memref<16x128xi32, #tpu.memory_space<vmem>>, vector<16xi32>,
        tpu.vector_store_idx %arg15[%get3A_535], %broadcast_in_dim3A_1 {add = true} : memref<10112xf32, #tpu.memory_space<vmem>>[vector<16xi32>], vector<16xf32>,
        %get3A_536 = arith.constant 10 : i32
        %get3A_537 = arith.index_cast %get3A_536 : i32 to index
        %get3A_538 = arith.constant 64 : index
        %get3A_539 = tpu.vector_load %arg12[%get3A_537, %get3A_538] {strides = array<i32>} : memref<16x128xi32, #tpu.memory_space<vmem>>, vector<16xi32>,
        tpu.vector_store_idx %arg15[%get3A_539], %broadcast_in_dim3A_1 {add = true} : memref<10112xf32, #tpu.memory_space<vmem>>[vector<16xi32>], vector<16xf32>,
        %get3A_540 = arith.constant 10 : i32
        %get3A_541 = arith.index_cast %get3A_540 : i32 to index
        %get3A_542 = arith.constant 80 : index
        %get3A_543 = tpu.vector_load %arg12[%get3A_541, %get3A_542] {strides = array<i32>} : memref<16x128xi32, #tpu.memory_space<vmem>>, vector<16xi32>,
        tpu.vector_store_idx %arg15[%get3A_543], %broadcast_in_dim3A_1 {add = true} : memref<10112xf32, #tpu.memory_space<vmem>>[vector<16xi32>], vector<16xf32>,
        %get3A_544 = arith.constant 10 : i32
        %get3A_545 = arith.index_cast %get3A_544 : i32 to index
        %get3A_546 = arith.constant 96 : index
        %get3A_547 = tpu.vector_load %arg12[%get3A_545, %get3A_546] {strides = array<i32>} : memref<16x128xi32, #tpu.memory_space<vmem>>, vector<16xi32>,
        tpu.vector_store_idx %arg15[%get3A_547], %broadcast_in_dim3A_1 {add = true} : memref<10112xf32, #tpu.memory_space<vmem>>[vector<16xi32>], vector<16xf32>,
        %get3A_548 = arith.constant 10 : i32
        %get3A_549 = arith.index_cast %get3A_548 : i32 to index
        %get3A_550 = arith.constant 112 : index
        %get3A_551 = tpu.vector_load %arg12[%get3A_549, %get3A_550] {strides = array<i32>} : memref<16x128xi32, #tpu.memory_space<vmem>>, vector<16xi32>,
        tpu.vector_store_idx %arg15[%get3A_551], %broadcast_in_dim3A_1 {add = true} : memref<10112xf32, #tpu.memory_space<vmem>>[vector<16xi32>], vector<16xf32>,
        %dma_start3A_552 = arith.constant 12 : i32
        %dma_start3A_553 = arith.constant 0 : i32
        %dma_start3A_554 = tpu.memref_slice %arg11[%dma_start3A_552, %dma_start3A_553] : memref<16x128xi32, #tpu.memory_space<vmem>> -> memref<1x128xi32, #tpu.memory_space<vmem>>
        %dma_start3A_555 = tpu.memref_squeeze %dma_start3A_554 : memref<1x128xi32, #tpu.memory_space<vmem>> -> memref<128xi32, #tpu.memory_space<vmem>>
        %dma_start3A_556 = arith.constant 0 : i32
        %dma_start3A_557 = arith.constant 0 : i32
        %dma_start3A_558 = tpu.memref_slice %arg2[%dma_start3A_556, %dma_start3A_557] : memref<10000x128xf32, #tpu.memory_space<hbm>> -> memref<10000x128xf32, #tpu.memory_space<hbm>>
        tpu.enqueue_indirect_dma source(%dma_start3A_558 : memref<10000x128xf32, #tpu.memory_space<hbm>>) target(%arg13 : memref<128x128xf32, #tpu.memory_space<vmem>>) offsets(%dma_start3A_555 : memref<128xi32, #tpu.memory_space<vmem>>) semaphore(%arg17 : memref<!tpu.dma_semaphore, #tpu.memory_space<semaphore_mem>>)
        %dma_wait3A_559 = arith.constant 11 : i32
        %dma_wait3A_560 = arith.constant 0 : i32
        %dma_wait3A_561 = tpu.memref_slice %arg11[%dma_wait3A_559, %dma_wait3A_560] : memref<16x128xi32, #tpu.memory_space<vmem>> -> memref<1x128xi32, #tpu.memory_space<vmem>>
        %dma_wait3A_562 = tpu.memref_squeeze %dma_wait3A_561 : memref<1x128xi32, #tpu.memory_space<vmem>> -> memref<128xi32, #tpu.memory_space<vmem>>
        %dma_wait3A_563 = arith.constant 0 : i32
        %dma_wait3A_564 = arith.constant 0 : i32
        %dma_wait3A_565 = tpu.memref_slice %arg2[%dma_wait3A_563, %dma_wait3A_564] : memref<10000x128xf32, #tpu.memory_space<hbm>> -> memref<10000x128xf32, #tpu.memory_space<hbm>>
        tpu.wait_indirect_dma semaphore(%arg18 : memref<!tpu.dma_semaphore, #tpu.memory_space<semaphore_mem>>) src(%dma_wait3A_565 : memref<10000x128xf32, #tpu.memory_space<hbm>>) dst(%arg14 : memref<128x128xf32, #tpu.memory_space<vmem>>)
        %run_scoped3A_566 = arith.constant 11 : i32
        "tpu.region"() ({
          %run_scoped3A_781 = tpu.sem_alloc : memref<!tpu.dma_semaphore, #tpu.memory_space<semaphore_mem>>
          %dma_start3A_782 = arith.constant 0 : i32
          %dma_start3A_783 = tpu.memref_slice %arg12[%run_scoped3A_566, %dma_start3A_782] : memref<16x128xi32, #tpu.memory_space<vmem>> -> memref<1x128xi32, #tpu.memory_space<vmem>>
          %dma_start3A_784 = tpu.memref_squeeze %dma_start3A_783 : memref<1x128xi32, #tpu.memory_space<vmem>> -> memref<128xi32, #tpu.memory_space<vmem>>
          %dma_start3A_785 = arith.constant 0 : i32
          %dma_start3A_786 = arith.constant 0 : i32
          %dma_start3A_787 = tpu.memref_slice %arg16[%dma_start3A_785, %dma_start3A_786] : memref<10112x128xf32, #tpu.memory_space<vmem_shared>> -> memref<10112x128xf32, #tpu.memory_space<vmem_shared>>
          tpu.enqueue_indirect_dma source(%arg14 : memref<128x128xf32, #tpu.memory_space<vmem>>) target(%dma_start3A_787 : memref<10112x128xf32, #tpu.memory_space<vmem_shared>>) offsets(%dma_start3A_784 : memref<128xi32, #tpu.memory_space<vmem>>) semaphore(%run_scoped3A_781 : memref<!tpu.dma_semaphore, #tpu.memory_space<semaphore_mem>>) {add = true}
          %dma_wait3A_788 = arith.constant 0 : i32
          %dma_wait3A_789 = tpu.memref_slice %arg12[%run_scoped3A_566, %dma_wait3A_788] : memref<16x128xi32, #tpu.memory_space<vmem>> -> memref<1x128xi32, #tpu.memory_space<vmem>>
          %dma_wait3A_790 = tpu.memref_squeeze %dma_wait3A_789 : memref<1x128xi32, #tpu.memory_space<vmem>> -> memref<128xi32, #tpu.memory_space<vmem>>
          %dma_wait3A_791 = arith.constant 0 : i32
          %dma_wait3A_792 = arith.constant 0 : i32
          %dma_wait3A_793 = tpu.memref_slice %arg16[%dma_wait3A_791, %dma_wait3A_792] : memref<10112x128xf32, #tpu.memory_space<vmem_shared>> -> memref<10112x128xf32, #tpu.memory_space<vmem_shared>>
          tpu.wait_indirect_dma semaphore(%run_scoped3A_781 : memref<!tpu.dma_semaphore, #tpu.memory_space<semaphore_mem>>) src(%arg14 : memref<128x128xf32, #tpu.memory_space<vmem>>) dst(%dma_wait3A_793 : memref<10112x128xf32, #tpu.memory_space<vmem_shared>>)
          tpu.yield
        }) : () -> ()
        %get3A_567 = arith.constant 11 : i32
        %get3A_568 = arith.index_cast %get3A_567 : i32 to index
        %get3A_569 = arith.constant 0 : index
        %get3A_570 = tpu.vector_load %arg12[%get3A_568, %get3A_569] {strides = array<i32>} : memref<16x128xi32, #tpu.memory_space<vmem>>, vector<16xi32>,
        tpu.vector_store_idx %arg15[%get3A_570], %broadcast_in_dim3A_1 {add = true} : memref<10112xf32, #tpu.memory_space<vmem>>[vector<16xi32>], vector<16xf32>,
        %get3A_571 = arith.constant 11 : i32
        %get3A_572 = arith.index_cast %get3A_571 : i32 to index
        %get3A_573 = arith.constant 16 : index
        %get3A_574 = tpu.vector_load %arg12[%get3A_572, %get3A_573] {strides = array<i32>} : memref<16x128xi32, #tpu.memory_space<vmem>>, vector<16xi32>,
        tpu.vector_store_idx %arg15[%get3A_574], %broadcast_in_dim3A_1 {add = true} : memref<10112xf32, #tpu.memory_space<vmem>>[vector<16xi32>], vector<16xf32>,
        %get3A_575 = arith.constant 11 : i32
        %get3A_576 = arith.index_cast %get3A_575 : i32 to index
        %get3A_577 = arith.constant 32 : index
        %get3A_578 = tpu.vector_load %arg12[%get3A_576, %get3A_577] {strides = array<i32>} : memref<16x128xi32, #tpu.memory_space<vmem>>, vector<16xi32>,
        tpu.vector_store_idx %arg15[%get3A_578], %broadcast_in_dim3A_1 {add = true} : memref<10112xf32, #tpu.memory_space<vmem>>[vector<16xi32>], vector<16xf32>,
        %get3A_579 = arith.constant 11 : i32
        %get3A_580 = arith.index_cast %get3A_579 : i32 to index
        %get3A_581 = arith.constant 48 : index
        %get3A_582 = tpu.vector_load %arg12[%get3A_580, %get3A_581] {strides = array<i32>} : memref<16x128xi32, #tpu.memory_space<vmem>>, vector<16xi32>,
        tpu.vector_store_idx %arg15[%get3A_582], %broadcast_in_dim3A_1 {add = true} : memref<10112xf32, #tpu.memory_space<vmem>>[vector<16xi32>], vector<16xf32>,
        %get3A_583 = arith.constant 11 : i32
        %get3A_584 = arith.index_cast %get3A_583 : i32 to index
        %get3A_585 = arith.constant 64 : index
        %get3A_586 = tpu.vector_load %arg12[%get3A_584, %get3A_585] {strides = array<i32>} : memref<16x128xi32, #tpu.memory_space<vmem>>, vector<16xi32>,
        tpu.vector_store_idx %arg15[%get3A_586], %broadcast_in_dim3A_1 {add = true} : memref<10112xf32, #tpu.memory_space<vmem>>[vector<16xi32>], vector<16xf32>,
        %get3A_587 = arith.constant 11 : i32
        %get3A_588 = arith.index_cast %get3A_587 : i32 to index
        %get3A_589 = arith.constant 80 : index
        %get3A_590 = tpu.vector_load %arg12[%get3A_588, %get3A_589] {strides = array<i32>} : memref<16x128xi32, #tpu.memory_space<vmem>>, vector<16xi32>,
        tpu.vector_store_idx %arg15[%get3A_590], %broadcast_in_dim3A_1 {add = true} : memref<10112xf32, #tpu.memory_space<vmem>>[vector<16xi32>], vector<16xf32>,
        %get3A_591 = arith.constant 11 : i32
        %get3A_592 = arith.index_cast %get3A_591 : i32 to index
        %get3A_593 = arith.constant 96 : index
        %get3A_594 = tpu.vector_load %arg12[%get3A_592, %get3A_593] {strides = array<i32>} : memref<16x128xi32, #tpu.memory_space<vmem>>, vector<16xi32>,
        tpu.vector_store_idx %arg15[%get3A_594], %broadcast_in_dim3A_1 {add = true} : memref<10112xf32, #tpu.memory_space<vmem>>[vector<16xi32>], vector<16xf32>,
        %get3A_595 = arith.constant 11 : i32
        %get3A_596 = arith.index_cast %get3A_595 : i32 to index
        %get3A_597 = arith.constant 112 : index
        %get3A_598 = tpu.vector_load %arg12[%get3A_596, %get3A_597] {strides = array<i32>} : memref<16x128xi32, #tpu.memory_space<vmem>>, vector<16xi32>,
        tpu.vector_store_idx %arg15[%get3A_598], %broadcast_in_dim3A_1 {add = true} : memref<10112xf32, #tpu.memory_space<vmem>>[vector<16xi32>], vector<16xf32>,
        %dma_start3A_599 = arith.constant 13 : i32
        %dma_start3A_600 = arith.constant 0 : i32
        %dma_start3A_601 = tpu.memref_slice %arg11[%dma_start3A_599, %dma_start3A_600] : memref<16x128xi32, #tpu.memory_space<vmem>> -> memref<1x128xi32, #tpu.memory_space<vmem>>
        %dma_start3A_602 = tpu.memref_squeeze %dma_start3A_601 : memref<1x128xi32, #tpu.memory_space<vmem>> -> memref<128xi32, #tpu.memory_space<vmem>>
        %dma_start3A_603 = arith.constant 0 : i32
        %dma_start3A_604 = arith.constant 0 : i32
        %dma_start3A_605 = tpu.memref_slice %arg2[%dma_start3A_603, %dma_start3A_604] : memref<10000x128xf32, #tpu.memory_space<hbm>> -> memref<10000x128xf32, #tpu.memory_space<hbm>>
        tpu.enqueue_indirect_dma source(%dma_start3A_605 : memref<10000x128xf32, #tpu.memory_space<hbm>>) target(%arg14 : memref<128x128xf32, #tpu.memory_space<vmem>>) offsets(%dma_start3A_602 : memref<128xi32, #tpu.memory_space<vmem>>) semaphore(%arg18 : memref<!tpu.dma_semaphore, #tpu.memory_space<semaphore_mem>>)
        %dma_wait3A_606 = arith.constant 12 : i32
        %dma_wait3A_607 = arith.constant 0 : i32
        %dma_wait3A_608 = tpu.memref_slice %arg11[%dma_wait3A_606, %dma_wait3A_607] : memref<16x128xi32, #tpu.memory_space<vmem>> -> memref<1x128xi32, #tpu.memory_space<vmem>>
        %dma_wait3A_609 = tpu.memref_squeeze %dma_wait3A_608 : memref<1x128xi32, #tpu.memory_space<vmem>> -> memref<128xi32, #tpu.memory_space<vmem>>
        %dma_wait3A_610 = arith.constant 0 : i32
        %dma_wait3A_611 = arith.constant 0 : i32
        %dma_wait3A_612 = tpu.memref_slice %arg2[%dma_wait3A_610, %dma_wait3A_611] : memref<10000x128xf32, #tpu.memory_space<hbm>> -> memref<10000x128xf32, #tpu.memory_space<hbm>>
        tpu.wait_indirect_dma semaphore(%arg17 : memref<!tpu.dma_semaphore, #tpu.memory_space<semaphore_mem>>) src(%dma_wait3A_612 : memref<10000x128xf32, #tpu.memory_space<hbm>>) dst(%arg13 : memref<128x128xf32, #tpu.memory_space<vmem>>)
        %run_scoped3A_613 = arith.constant 12 : i32
        "tpu.region"() ({
          %run_scoped3A_781 = tpu.sem_alloc : memref<!tpu.dma_semaphore, #tpu.memory_space<semaphore_mem>>
          %dma_start3A_782 = arith.constant 0 : i32
          %dma_start3A_783 = tpu.memref_slice %arg12[%run_scoped3A_613, %dma_start3A_782] : memref<16x128xi32, #tpu.memory_space<vmem>> -> memref<1x128xi32, #tpu.memory_space<vmem>>
          %dma_start3A_784 = tpu.memref_squeeze %dma_start3A_783 : memref<1x128xi32, #tpu.memory_space<vmem>> -> memref<128xi32, #tpu.memory_space<vmem>>
          %dma_start3A_785 = arith.constant 0 : i32
          %dma_start3A_786 = arith.constant 0 : i32
          %dma_start3A_787 = tpu.memref_slice %arg16[%dma_start3A_785, %dma_start3A_786] : memref<10112x128xf32, #tpu.memory_space<vmem_shared>> -> memref<10112x128xf32, #tpu.memory_space<vmem_shared>>
          tpu.enqueue_indirect_dma source(%arg13 : memref<128x128xf32, #tpu.memory_space<vmem>>) target(%dma_start3A_787 : memref<10112x128xf32, #tpu.memory_space<vmem_shared>>) offsets(%dma_start3A_784 : memref<128xi32, #tpu.memory_space<vmem>>) semaphore(%run_scoped3A_781 : memref<!tpu.dma_semaphore, #tpu.memory_space<semaphore_mem>>) {add = true}
          %dma_wait3A_788 = arith.constant 0 : i32
          %dma_wait3A_789 = tpu.memref_slice %arg12[%run_scoped3A_613, %dma_wait3A_788] : memref<16x128xi32, #tpu.memory_space<vmem>> -> memref<1x128xi32, #tpu.memory_space<vmem>>
          %dma_wait3A_790 = tpu.memref_squeeze %dma_wait3A_789 : memref<1x128xi32, #tpu.memory_space<vmem>> -> memref<128xi32, #tpu.memory_space<vmem>>
          %dma_wait3A_791 = arith.constant 0 : i32
          %dma_wait3A_792 = arith.constant 0 : i32
          %dma_wait3A_793 = tpu.memref_slice %arg16[%dma_wait3A_791, %dma_wait3A_792] : memref<10112x128xf32, #tpu.memory_space<vmem_shared>> -> memref<10112x128xf32, #tpu.memory_space<vmem_shared>>
          tpu.wait_indirect_dma semaphore(%run_scoped3A_781 : memref<!tpu.dma_semaphore, #tpu.memory_space<semaphore_mem>>) src(%arg13 : memref<128x128xf32, #tpu.memory_space<vmem>>) dst(%dma_wait3A_793 : memref<10112x128xf32, #tpu.memory_space<vmem_shared>>)
          tpu.yield
        }) : () -> ()
        %get3A_614 = arith.constant 12 : i32
        %get3A_615 = arith.index_cast %get3A_614 : i32 to index
        %get3A_616 = arith.constant 0 : index
        %get3A_617 = tpu.vector_load %arg12[%get3A_615, %get3A_616] {strides = array<i32>} : memref<16x128xi32, #tpu.memory_space<vmem>>, vector<16xi32>,
        tpu.vector_store_idx %arg15[%get3A_617], %broadcast_in_dim3A_1 {add = true} : memref<10112xf32, #tpu.memory_space<vmem>>[vector<16xi32>], vector<16xf32>,
        %get3A_618 = arith.constant 12 : i32
        %get3A_619 = arith.index_cast %get3A_618 : i32 to index
        %get3A_620 = arith.constant 16 : index
        %get3A_621 = tpu.vector_load %arg12[%get3A_619, %get3A_620] {strides = array<i32>} : memref<16x128xi32, #tpu.memory_space<vmem>>, vector<16xi32>,
        tpu.vector_store_idx %arg15[%get3A_621], %broadcast_in_dim3A_1 {add = true} : memref<10112xf32, #tpu.memory_space<vmem>>[vector<16xi32>], vector<16xf32>,
        %get3A_622 = arith.constant 12 : i32
        %get3A_623 = arith.index_cast %get3A_622 : i32 to index
        %get3A_624 = arith.constant 32 : index
        %get3A_625 = tpu.vector_load %arg12[%get3A_623, %get3A_624] {strides = array<i32>} : memref<16x128xi32, #tpu.memory_space<vmem>>, vector<16xi32>,
        tpu.vector_store_idx %arg15[%get3A_625], %broadcast_in_dim3A_1 {add = true} : memref<10112xf32, #tpu.memory_space<vmem>>[vector<16xi32>], vector<16xf32>,
        %get3A_626 = arith.constant 12 : i32
        %get3A_627 = arith.index_cast %get3A_626 : i32 to index
        %get3A_628 = arith.constant 48 : index
        %get3A_629 = tpu.vector_load %arg12[%get3A_627, %get3A_628] {strides = array<i32>} : memref<16x128xi32, #tpu.memory_space<vmem>>, vector<16xi32>,
        tpu.vector_store_idx %arg15[%get3A_629], %broadcast_in_dim3A_1 {add = true} : memref<10112xf32, #tpu.memory_space<vmem>>[vector<16xi32>], vector<16xf32>,
        %get3A_630 = arith.constant 12 : i32
        %get3A_631 = arith.index_cast %get3A_630 : i32 to index
        %get3A_632 = arith.constant 64 : index
        %get3A_633 = tpu.vector_load %arg12[%get3A_631, %get3A_632] {strides = array<i32>} : memref<16x128xi32, #tpu.memory_space<vmem>>, vector<16xi32>,
        tpu.vector_store_idx %arg15[%get3A_633], %broadcast_in_dim3A_1 {add = true} : memref<10112xf32, #tpu.memory_space<vmem>>[vector<16xi32>], vector<16xf32>,
        %get3A_634 = arith.constant 12 : i32
        %get3A_635 = arith.index_cast %get3A_634 : i32 to index
        %get3A_636 = arith.constant 80 : index
        %get3A_637 = tpu.vector_load %arg12[%get3A_635, %get3A_636] {strides = array<i32>} : memref<16x128xi32, #tpu.memory_space<vmem>>, vector<16xi32>,
        tpu.vector_store_idx %arg15[%get3A_637], %broadcast_in_dim3A_1 {add = true} : memref<10112xf32, #tpu.memory_space<vmem>>[vector<16xi32>], vector<16xf32>,
        %get3A_638 = arith.constant 12 : i32
        %get3A_639 = arith.index_cast %get3A_638 : i32 to index
        %get3A_640 = arith.constant 96 : index
        %get3A_641 = tpu.vector_load %arg12[%get3A_639, %get3A_640] {strides = array<i32>} : memref<16x128xi32, #tpu.memory_space<vmem>>, vector<16xi32>,
        tpu.vector_store_idx %arg15[%get3A_641], %broadcast_in_dim3A_1 {add = true} : memref<10112xf32, #tpu.memory_space<vmem>>[vector<16xi32>], vector<16xf32>,
        %get3A_642 = arith.constant 12 : i32
        %get3A_643 = arith.index_cast %get3A_642 : i32 to index
        %get3A_644 = arith.constant 112 : index
        %get3A_645 = tpu.vector_load %arg12[%get3A_643, %get3A_644] {strides = array<i32>} : memref<16x128xi32, #tpu.memory_space<vmem>>, vector<16xi32>,
        tpu.vector_store_idx %arg15[%get3A_645], %broadcast_in_dim3A_1 {add = true} : memref<10112xf32, #tpu.memory_space<vmem>>[vector<16xi32>], vector<16xf32>,
        %dma_start3A_646 = arith.constant 14 : i32
        %dma_start3A_647 = arith.constant 0 : i32
        %dma_start3A_648 = tpu.memref_slice %arg11[%dma_start3A_646, %dma_start3A_647] : memref<16x128xi32, #tpu.memory_space<vmem>> -> memref<1x128xi32, #tpu.memory_space<vmem>>
        %dma_start3A_649 = tpu.memref_squeeze %dma_start3A_648 : memref<1x128xi32, #tpu.memory_space<vmem>> -> memref<128xi32, #tpu.memory_space<vmem>>
        %dma_start3A_650 = arith.constant 0 : i32
        %dma_start3A_651 = arith.constant 0 : i32
        %dma_start3A_652 = tpu.memref_slice %arg2[%dma_start3A_650, %dma_start3A_651] : memref<10000x128xf32, #tpu.memory_space<hbm>> -> memref<10000x128xf32, #tpu.memory_space<hbm>>
        tpu.enqueue_indirect_dma source(%dma_start3A_652 : memref<10000x128xf32, #tpu.memory_space<hbm>>) target(%arg13 : memref<128x128xf32, #tpu.memory_space<vmem>>) offsets(%dma_start3A_649 : memref<128xi32, #tpu.memory_space<vmem>>) semaphore(%arg17 : memref<!tpu.dma_semaphore, #tpu.memory_space<semaphore_mem>>)
        %dma_wait3A_653 = arith.constant 13 : i32
        %dma_wait3A_654 = arith.constant 0 : i32
        %dma_wait3A_655 = tpu.memref_slice %arg11[%dma_wait3A_653, %dma_wait3A_654] : memref<16x128xi32, #tpu.memory_space<vmem>> -> memref<1x128xi32, #tpu.memory_space<vmem>>
        %dma_wait3A_656 = tpu.memref_squeeze %dma_wait3A_655 : memref<1x128xi32, #tpu.memory_space<vmem>> -> memref<128xi32, #tpu.memory_space<vmem>>
        %dma_wait3A_657 = arith.constant 0 : i32
        %dma_wait3A_658 = arith.constant 0 : i32
        %dma_wait3A_659 = tpu.memref_slice %arg2[%dma_wait3A_657, %dma_wait3A_658] : memref<10000x128xf32, #tpu.memory_space<hbm>> -> memref<10000x128xf32, #tpu.memory_space<hbm>>
        tpu.wait_indirect_dma semaphore(%arg18 : memref<!tpu.dma_semaphore, #tpu.memory_space<semaphore_mem>>) src(%dma_wait3A_659 : memref<10000x128xf32, #tpu.memory_space<hbm>>) dst(%arg14 : memref<128x128xf32, #tpu.memory_space<vmem>>)
        %run_scoped3A_660 = arith.constant 13 : i32
        "tpu.region"() ({
          %run_scoped3A_781 = tpu.sem_alloc : memref<!tpu.dma_semaphore, #tpu.memory_space<semaphore_mem>>
          %dma_start3A_782 = arith.constant 0 : i32
          %dma_start3A_783 = tpu.memref_slice %arg12[%run_scoped3A_660, %dma_start3A_782] : memref<16x128xi32, #tpu.memory_space<vmem>> -> memref<1x128xi32, #tpu.memory_space<vmem>>
          %dma_start3A_784 = tpu.memref_squeeze %dma_start3A_783 : memref<1x128xi32, #tpu.memory_space<vmem>> -> memref<128xi32, #tpu.memory_space<vmem>>
          %dma_start3A_785 = arith.constant 0 : i32
          %dma_start3A_786 = arith.constant 0 : i32
          %dma_start3A_787 = tpu.memref_slice %arg16[%dma_start3A_785, %dma_start3A_786] : memref<10112x128xf32, #tpu.memory_space<vmem_shared>> -> memref<10112x128xf32, #tpu.memory_space<vmem_shared>>
          tpu.enqueue_indirect_dma source(%arg14 : memref<128x128xf32, #tpu.memory_space<vmem>>) target(%dma_start3A_787 : memref<10112x128xf32, #tpu.memory_space<vmem_shared>>) offsets(%dma_start3A_784 : memref<128xi32, #tpu.memory_space<vmem>>) semaphore(%run_scoped3A_781 : memref<!tpu.dma_semaphore, #tpu.memory_space<semaphore_mem>>) {add = true}
          %dma_wait3A_788 = arith.constant 0 : i32
          %dma_wait3A_789 = tpu.memref_slice %arg12[%run_scoped3A_660, %dma_wait3A_788] : memref<16x128xi32, #tpu.memory_space<vmem>> -> memref<1x128xi32, #tpu.memory_space<vmem>>
          %dma_wait3A_790 = tpu.memref_squeeze %dma_wait3A_789 : memref<1x128xi32, #tpu.memory_space<vmem>> -> memref<128xi32, #tpu.memory_space<vmem>>
          %dma_wait3A_791 = arith.constant 0 : i32
          %dma_wait3A_792 = arith.constant 0 : i32
          %dma_wait3A_793 = tpu.memref_slice %arg16[%dma_wait3A_791, %dma_wait3A_792] : memref<10112x128xf32, #tpu.memory_space<vmem_shared>> -> memref<10112x128xf32, #tpu.memory_space<vmem_shared>>
          tpu.wait_indirect_dma semaphore(%run_scoped3A_781 : memref<!tpu.dma_semaphore, #tpu.memory_space<semaphore_mem>>) src(%arg14 : memref<128x128xf32, #tpu.memory_space<vmem>>) dst(%dma_wait3A_793 : memref<10112x128xf32, #tpu.memory_space<vmem_shared>>)
          tpu.yield
        }) : () -> ()
        %get3A_661 = arith.constant 13 : i32
        %get3A_662 = arith.index_cast %get3A_661 : i32 to index
        %get3A_663 = arith.constant 0 : index
        %get3A_664 = tpu.vector_load %arg12[%get3A_662, %get3A_663] {strides = array<i32>} : memref<16x128xi32, #tpu.memory_space<vmem>>, vector<16xi32>,
        tpu.vector_store_idx %arg15[%get3A_664], %broadcast_in_dim3A_1 {add = true} : memref<10112xf32, #tpu.memory_space<vmem>>[vector<16xi32>], vector<16xf32>,
        %get3A_665 = arith.constant 13 : i32
        %get3A_666 = arith.index_cast %get3A_665 : i32 to index
        %get3A_667 = arith.constant 16 : index
        %get3A_668 = tpu.vector_load %arg12[%get3A_666, %get3A_667] {strides = array<i32>} : memref<16x128xi32, #tpu.memory_space<vmem>>, vector<16xi32>,
        tpu.vector_store_idx %arg15[%get3A_668], %broadcast_in_dim3A_1 {add = true} : memref<10112xf32, #tpu.memory_space<vmem>>[vector<16xi32>], vector<16xf32>,
        %get3A_669 = arith.constant 13 : i32
        %get3A_670 = arith.index_cast %get3A_669 : i32 to index
        %get3A_671 = arith.constant 32 : index
        %get3A_672 = tpu.vector_load %arg12[%get3A_670, %get3A_671] {strides = array<i32>} : memref<16x128xi32, #tpu.memory_space<vmem>>, vector<16xi32>,
        tpu.vector_store_idx %arg15[%get3A_672], %broadcast_in_dim3A_1 {add = true} : memref<10112xf32, #tpu.memory_space<vmem>>[vector<16xi32>], vector<16xf32>,
        %get3A_673 = arith.constant 13 : i32
        %get3A_674 = arith.index_cast %get3A_673 : i32 to index
        %get3A_675 = arith.constant 48 : index
        %get3A_676 = tpu.vector_load %arg12[%get3A_674, %get3A_675] {strides = array<i32>} : memref<16x128xi32, #tpu.memory_space<vmem>>, vector<16xi32>,
        tpu.vector_store_idx %arg15[%get3A_676], %broadcast_in_dim3A_1 {add = true} : memref<10112xf32, #tpu.memory_space<vmem>>[vector<16xi32>], vector<16xf32>,
        %get3A_677 = arith.constant 13 : i32
        %get3A_678 = arith.index_cast %get3A_677 : i32 to index
        %get3A_679 = arith.constant 64 : index
        %get3A_680 = tpu.vector_load %arg12[%get3A_678, %get3A_679] {strides = array<i32>} : memref<16x128xi32, #tpu.memory_space<vmem>>, vector<16xi32>,
        tpu.vector_store_idx %arg15[%get3A_680], %broadcast_in_dim3A_1 {add = true} : memref<10112xf32, #tpu.memory_space<vmem>>[vector<16xi32>], vector<16xf32>,
        %get3A_681 = arith.constant 13 : i32
        %get3A_682 = arith.index_cast %get3A_681 : i32 to index
        %get3A_683 = arith.constant 80 : index
        %get3A_684 = tpu.vector_load %arg12[%get3A_682, %get3A_683] {strides = array<i32>} : memref<16x128xi32, #tpu.memory_space<vmem>>, vector<16xi32>,
        tpu.vector_store_idx %arg15[%get3A_684], %broadcast_in_dim3A_1 {add = true} : memref<10112xf32, #tpu.memory_space<vmem>>[vector<16xi32>], vector<16xf32>,
        %get3A_685 = arith.constant 13 : i32
        %get3A_686 = arith.index_cast %get3A_685 : i32 to index
        %get3A_687 = arith.constant 96 : index
        %get3A_688 = tpu.vector_load %arg12[%get3A_686, %get3A_687] {strides = array<i32>} : memref<16x128xi32, #tpu.memory_space<vmem>>, vector<16xi32>,
        tpu.vector_store_idx %arg15[%get3A_688], %broadcast_in_dim3A_1 {add = true} : memref<10112xf32, #tpu.memory_space<vmem>>[vector<16xi32>], vector<16xf32>,
        %get3A_689 = arith.constant 13 : i32
        %get3A_690 = arith.index_cast %get3A_689 : i32 to index
        %get3A_691 = arith.constant 112 : index
        %get3A_692 = tpu.vector_load %arg12[%get3A_690, %get3A_691] {strides = array<i32>} : memref<16x128xi32, #tpu.memory_space<vmem>>, vector<16xi32>,
        tpu.vector_store_idx %arg15[%get3A_692], %broadcast_in_dim3A_1 {add = true} : memref<10112xf32, #tpu.memory_space<vmem>>[vector<16xi32>], vector<16xf32>,
        %dma_start3A_693 = arith.constant 15 : i32
        %dma_start3A_694 = arith.constant 0 : i32
        %dma_start3A_695 = tpu.memref_slice %arg11[%dma_start3A_693, %dma_start3A_694] : memref<16x128xi32, #tpu.memory_space<vmem>> -> memref<1x128xi32, #tpu.memory_space<vmem>>
        %dma_start3A_696 = tpu.memref_squeeze %dma_start3A_695 : memref<1x128xi32, #tpu.memory_space<vmem>> -> memref<128xi32, #tpu.memory_space<vmem>>
        %dma_start3A_697 = arith.constant 0 : i32
        %dma_start3A_698 = arith.constant 0 : i32
        %dma_start3A_699 = tpu.memref_slice %arg2[%dma_start3A_697, %dma_start3A_698] : memref<10000x128xf32, #tpu.memory_space<hbm>> -> memref<10000x128xf32, #tpu.memory_space<hbm>>
        tpu.enqueue_indirect_dma source(%dma_start3A_699 : memref<10000x128xf32, #tpu.memory_space<hbm>>) target(%arg14 : memref<128x128xf32, #tpu.memory_space<vmem>>) offsets(%dma_start3A_696 : memref<128xi32, #tpu.memory_space<vmem>>) semaphore(%arg18 : memref<!tpu.dma_semaphore, #tpu.memory_space<semaphore_mem>>)
        %dma_wait3A_700 = arith.constant 14 : i32
        %dma_wait3A_701 = arith.constant 0 : i32
        %dma_wait3A_702 = tpu.memref_slice %arg11[%dma_wait3A_700, %dma_wait3A_701] : memref<16x128xi32, #tpu.memory_space<vmem>> -> memref<1x128xi32, #tpu.memory_space<vmem>>
        %dma_wait3A_703 = tpu.memref_squeeze %dma_wait3A_702 : memref<1x128xi32, #tpu.memory_space<vmem>> -> memref<128xi32, #tpu.memory_space<vmem>>
        %dma_wait3A_704 = arith.constant 0 : i32
        %dma_wait3A_705 = arith.constant 0 : i32
        %dma_wait3A_706 = tpu.memref_slice %arg2[%dma_wait3A_704, %dma_wait3A_705] : memref<10000x128xf32, #tpu.memory_space<hbm>> -> memref<10000x128xf32, #tpu.memory_space<hbm>>
        tpu.wait_indirect_dma semaphore(%arg17 : memref<!tpu.dma_semaphore, #tpu.memory_space<semaphore_mem>>) src(%dma_wait3A_706 : memref<10000x128xf32, #tpu.memory_space<hbm>>) dst(%arg13 : memref<128x128xf32, #tpu.memory_space<vmem>>)
        %run_scoped3A_707 = arith.constant 14 : i32
        "tpu.region"() ({
          %run_scoped3A_781 = tpu.sem_alloc : memref<!tpu.dma_semaphore, #tpu.memory_space<semaphore_mem>>
          %dma_start3A_782 = arith.constant 0 : i32
          %dma_start3A_783 = tpu.memref_slice %arg12[%run_scoped3A_707, %dma_start3A_782] : memref<16x128xi32, #tpu.memory_space<vmem>> -> memref<1x128xi32, #tpu.memory_space<vmem>>
          %dma_start3A_784 = tpu.memref_squeeze %dma_start3A_783 : memref<1x128xi32, #tpu.memory_space<vmem>> -> memref<128xi32, #tpu.memory_space<vmem>>
          %dma_start3A_785 = arith.constant 0 : i32
          %dma_start3A_786 = arith.constant 0 : i32
          %dma_start3A_787 = tpu.memref_slice %arg16[%dma_start3A_785, %dma_start3A_786] : memref<10112x128xf32, #tpu.memory_space<vmem_shared>> -> memref<10112x128xf32, #tpu.memory_space<vmem_shared>>
          tpu.enqueue_indirect_dma source(%arg13 : memref<128x128xf32, #tpu.memory_space<vmem>>) target(%dma_start3A_787 : memref<10112x128xf32, #tpu.memory_space<vmem_shared>>) offsets(%dma_start3A_784 : memref<128xi32, #tpu.memory_space<vmem>>) semaphore(%run_scoped3A_781 : memref<!tpu.dma_semaphore, #tpu.memory_space<semaphore_mem>>) {add = true}
          %dma_wait3A_788 = arith.constant 0 : i32
          %dma_wait3A_789 = tpu.memref_slice %arg12[%run_scoped3A_707, %dma_wait3A_788] : memref<16x128xi32, #tpu.memory_space<vmem>> -> memref<1x128xi32, #tpu.memory_space<vmem>>
          %dma_wait3A_790 = tpu.memref_squeeze %dma_wait3A_789 : memref<1x128xi32, #tpu.memory_space<vmem>> -> memref<128xi32, #tpu.memory_space<vmem>>
          %dma_wait3A_791 = arith.constant 0 : i32
          %dma_wait3A_792 = arith.constant 0 : i32
          %dma_wait3A_793 = tpu.memref_slice %arg16[%dma_wait3A_791, %dma_wait3A_792] : memref<10112x128xf32, #tpu.memory_space<vmem_shared>> -> memref<10112x128xf32, #tpu.memory_space<vmem_shared>>
          tpu.wait_indirect_dma semaphore(%run_scoped3A_781 : memref<!tpu.dma_semaphore, #tpu.memory_space<semaphore_mem>>) src(%arg13 : memref<128x128xf32, #tpu.memory_space<vmem>>) dst(%dma_wait3A_793 : memref<10112x128xf32, #tpu.memory_space<vmem_shared>>)
          tpu.yield
        }) : () -> ()
        %get3A_708 = arith.constant 14 : i32
        %get3A_709 = arith.index_cast %get3A_708 : i32 to index
        %get3A_710 = arith.constant 0 : index
        %get3A_711 = tpu.vector_load %arg12[%get3A_709, %get3A_710] {strides = array<i32>} : memref<16x128xi32, #tpu.memory_space<vmem>>, vector<16xi32>,
        tpu.vector_store_idx %arg15[%get3A_711], %broadcast_in_dim3A_1 {add = true} : memref<10112xf32, #tpu.memory_space<vmem>>[vector<16xi32>], vector<16xf32>,
        %get3A_712 = arith.constant 14 : i32
        %get3A_713 = arith.index_cast %get3A_712 : i32 to index
        %get3A_714 = arith.constant 16 : index
        %get3A_715 = tpu.vector_load %arg12[%get3A_713, %get3A_714] {strides = array<i32>} : memref<16x128xi32, #tpu.memory_space<vmem>>, vector<16xi32>,
        tpu.vector_store_idx %arg15[%get3A_715], %broadcast_in_dim3A_1 {add = true} : memref<10112xf32, #tpu.memory_space<vmem>>[vector<16xi32>], vector<16xf32>,
        %get3A_716 = arith.constant 14 : i32
        %get3A_717 = arith.index_cast %get3A_716 : i32 to index
        %get3A_718 = arith.constant 32 : index
        %get3A_719 = tpu.vector_load %arg12[%get3A_717, %get3A_718] {strides = array<i32>} : memref<16x128xi32, #tpu.memory_space<vmem>>, vector<16xi32>,
        tpu.vector_store_idx %arg15[%get3A_719], %broadcast_in_dim3A_1 {add = true} : memref<10112xf32, #tpu.memory_space<vmem>>[vector<16xi32>], vector<16xf32>,
        %get3A_720 = arith.constant 14 : i32
        %get3A_721 = arith.index_cast %get3A_720 : i32 to index
        %get3A_722 = arith.constant 48 : index
        %get3A_723 = tpu.vector_load %arg12[%get3A_721, %get3A_722] {strides = array<i32>} : memref<16x128xi32, #tpu.memory_space<vmem>>, vector<16xi32>,
        tpu.vector_store_idx %arg15[%get3A_723], %broadcast_in_dim3A_1 {add = true} : memref<10112xf32, #tpu.memory_space<vmem>>[vector<16xi32>], vector<16xf32>,
        %get3A_724 = arith.constant 14 : i32
        %get3A_725 = arith.index_cast %get3A_724 : i32 to index
        %get3A_726 = arith.constant 64 : index
        %get3A_727 = tpu.vector_load %arg12[%get3A_725, %get3A_726] {strides = array<i32>} : memref<16x128xi32, #tpu.memory_space<vmem>>, vector<16xi32>,
        tpu.vector_store_idx %arg15[%get3A_727], %broadcast_in_dim3A_1 {add = true} : memref<10112xf32, #tpu.memory_space<vmem>>[vector<16xi32>], vector<16xf32>,
        %get3A_728 = arith.constant 14 : i32
        %get3A_729 = arith.index_cast %get3A_728 : i32 to index
        %get3A_730 = arith.constant 80 : index
        %get3A_731 = tpu.vector_load %arg12[%get3A_729, %get3A_730] {strides = array<i32>} : memref<16x128xi32, #tpu.memory_space<vmem>>, vector<16xi32>,
        tpu.vector_store_idx %arg15[%get3A_731], %broadcast_in_dim3A_1 {add = true} : memref<10112xf32, #tpu.memory_space<vmem>>[vector<16xi32>], vector<16xf32>,
        %get3A_732 = arith.constant 14 : i32
        %get3A_733 = arith.index_cast %get3A_732 : i32 to index
        %get3A_734 = arith.constant 96 : index
        %get3A_735 = tpu.vector_load %arg12[%get3A_733, %get3A_734] {strides = array<i32>} : memref<16x128xi32, #tpu.memory_space<vmem>>, vector<16xi32>,
        tpu.vector_store_idx %arg15[%get3A_735], %broadcast_in_dim3A_1 {add = true} : memref<10112xf32, #tpu.memory_space<vmem>>[vector<16xi32>], vector<16xf32>,
        %get3A_736 = arith.constant 14 : i32
        %get3A_737 = arith.index_cast %get3A_736 : i32 to index
        %get3A_738 = arith.constant 112 : index
        %get3A_739 = tpu.vector_load %arg12[%get3A_737, %get3A_738] {strides = array<i32>} : memref<16x128xi32, #tpu.memory_space<vmem>>, vector<16xi32>,
        tpu.vector_store_idx %arg15[%get3A_739], %broadcast_in_dim3A_1 {add = true} : memref<10112xf32, #tpu.memory_space<vmem>>[vector<16xi32>], vector<16xf32>,
        %dma_wait3A_740 = arith.constant 15 : i32
        %dma_wait3A_741 = arith.constant 0 : i32
        %dma_wait3A_742 = tpu.memref_slice %arg11[%dma_wait3A_740, %dma_wait3A_741] : memref<16x128xi32, #tpu.memory_space<vmem>> -> memref<1x128xi32, #tpu.memory_space<vmem>>
        %dma_wait3A_743 = tpu.memref_squeeze %dma_wait3A_742 : memref<1x128xi32, #tpu.memory_space<vmem>> -> memref<128xi32, #tpu.memory_space<vmem>>
        %dma_wait3A_744 = arith.constant 0 : i32
        %dma_wait3A_745 = arith.constant 0 : i32
        %dma_wait3A_746 = tpu.memref_slice %arg2[%dma_wait3A_744, %dma_wait3A_745] : memref<10000x128xf32, #tpu.memory_space<hbm>> -> memref<10000x128xf32, #tpu.memory_space<hbm>>
        tpu.wait_indirect_dma semaphore(%arg18 : memref<!tpu.dma_semaphore, #tpu.memory_space<semaphore_mem>>) src(%dma_wait3A_746 : memref<10000x128xf32, #tpu.memory_space<hbm>>) dst(%arg14 : memref<128x128xf32, #tpu.memory_space<vmem>>)
        %run_scoped3A_747 = arith.constant 15 : i32
        "tpu.region"() ({
          %run_scoped3A_781 = tpu.sem_alloc : memref<!tpu.dma_semaphore, #tpu.memory_space<semaphore_mem>>
          %dma_start3A_782 = arith.constant 0 : i32
          %dma_start3A_783 = tpu.memref_slice %arg12[%run_scoped3A_747, %dma_start3A_782] : memref<16x128xi32, #tpu.memory_space<vmem>> -> memref<1x128xi32, #tpu.memory_space<vmem>>
          %dma_start3A_784 = tpu.memref_squeeze %dma_start3A_783 : memref<1x128xi32, #tpu.memory_space<vmem>> -> memref<128xi32, #tpu.memory_space<vmem>>
          %dma_start3A_785 = arith.constant 0 : i32
          %dma_start3A_786 = arith.constant 0 : i32
          %dma_start3A_787 = tpu.memref_slice %arg16[%dma_start3A_785, %dma_start3A_786] : memref<10112x128xf32, #tpu.memory_space<vmem_shared>> -> memref<10112x128xf32, #tpu.memory_space<vmem_shared>>
          tpu.enqueue_indirect_dma source(%arg14 : memref<128x128xf32, #tpu.memory_space<vmem>>) target(%dma_start3A_787 : memref<10112x128xf32, #tpu.memory_space<vmem_shared>>) offsets(%dma_start3A_784 : memref<128xi32, #tpu.memory_space<vmem>>) semaphore(%run_scoped3A_781 : memref<!tpu.dma_semaphore, #tpu.memory_space<semaphore_mem>>) {add = true}
          %dma_wait3A_788 = arith.constant 0 : i32
          %dma_wait3A_789 = tpu.memref_slice %arg12[%run_scoped3A_747, %dma_wait3A_788] : memref<16x128xi32, #tpu.memory_space<vmem>> -> memref<1x128xi32, #tpu.memory_space<vmem>>
          %dma_wait3A_790 = tpu.memref_squeeze %dma_wait3A_789 : memref<1x128xi32, #tpu.memory_space<vmem>> -> memref<128xi32, #tpu.memory_space<vmem>>
          %dma_wait3A_791 = arith.constant 0 : i32
          %dma_wait3A_792 = arith.constant 0 : i32
          %dma_wait3A_793 = tpu.memref_slice %arg16[%dma_wait3A_791, %dma_wait3A_792] : memref<10112x128xf32, #tpu.memory_space<vmem_shared>> -> memref<10112x128xf32, #tpu.memory_space<vmem_shared>>
          tpu.wait_indirect_dma semaphore(%run_scoped3A_781 : memref<!tpu.dma_semaphore, #tpu.memory_space<semaphore_mem>>) src(%arg14 : memref<128x128xf32, #tpu.memory_space<vmem>>) dst(%dma_wait3A_793 : memref<10112x128xf32, #tpu.memory_space<vmem_shared>>)
          tpu.yield
        }) : () -> ()
        %get3A_748 = arith.constant 15 : i32
        %get3A_749 = arith.index_cast %get3A_748 : i32 to index
        %get3A_750 = arith.constant 0 : index
        %get3A_751 = tpu.vector_load %arg12[%get3A_749, %get3A_750] {strides = array<i32>} : memref<16x128xi32, #tpu.memory_space<vmem>>, vector<16xi32>,
        tpu.vector_store_idx %arg15[%get3A_751], %broadcast_in_dim3A_1 {add = true} : memref<10112xf32, #tpu.memory_space<vmem>>[vector<16xi32>], vector<16xf32>,
        %get3A_752 = arith.constant 15 : i32
        %get3A_753 = arith.index_cast %get3A_752 : i32 to index
        %get3A_754 = arith.constant 16 : index
        %get3A_755 = tpu.vector_load %arg12[%get3A_753, %get3A_754] {strides = array<i32>} : memref<16x128xi32, #tpu.memory_space<vmem>>, vector<16xi32>,
        tpu.vector_store_idx %arg15[%get3A_755], %broadcast_in_dim3A_1 {add = true} : memref<10112xf32, #tpu.memory_space<vmem>>[vector<16xi32>], vector<16xf32>,
        %get3A_756 = arith.constant 15 : i32
        %get3A_757 = arith.index_cast %get3A_756 : i32 to index
        %get3A_758 = arith.constant 32 : index
        %get3A_759 = tpu.vector_load %arg12[%get3A_757, %get3A_758] {strides = array<i32>} : memref<16x128xi32, #tpu.memory_space<vmem>>, vector<16xi32>,
        tpu.vector_store_idx %arg15[%get3A_759], %broadcast_in_dim3A_1 {add = true} : memref<10112xf32, #tpu.memory_space<vmem>>[vector<16xi32>], vector<16xf32>,
        %get3A_760 = arith.constant 15 : i32
        %get3A_761 = arith.index_cast %get3A_760 : i32 to index
        %get3A_762 = arith.constant 48 : index
        %get3A_763 = tpu.vector_load %arg12[%get3A_761, %get3A_762] {strides = array<i32>} : memref<16x128xi32, #tpu.memory_space<vmem>>, vector<16xi32>,
        tpu.vector_store_idx %arg15[%get3A_763], %broadcast_in_dim3A_1 {add = true} : memref<10112xf32, #tpu.memory_space<vmem>>[vector<16xi32>], vector<16xf32>,
        %get3A_764 = arith.constant 15 : i32
        %get3A_765 = arith.index_cast %get3A_764 : i32 to index
        %get3A_766 = arith.constant 64 : index
        %get3A_767 = tpu.vector_load %arg12[%get3A_765, %get3A_766] {strides = array<i32>} : memref<16x128xi32, #tpu.memory_space<vmem>>, vector<16xi32>,
        tpu.vector_store_idx %arg15[%get3A_767], %broadcast_in_dim3A_1 {add = true} : memref<10112xf32, #tpu.memory_space<vmem>>[vector<16xi32>], vector<16xf32>,
        %get3A_768 = arith.constant 15 : i32
        %get3A_769 = arith.index_cast %get3A_768 : i32 to index
        %get3A_770 = arith.constant 80 : index
        %get3A_771 = tpu.vector_load %arg12[%get3A_769, %get3A_770] {strides = array<i32>} : memref<16x128xi32, #tpu.memory_space<vmem>>, vector<16xi32>,
        tpu.vector_store_idx %arg15[%get3A_771], %broadcast_in_dim3A_1 {add = true} : memref<10112xf32, #tpu.memory_space<vmem>>[vector<16xi32>], vector<16xf32>,
        %get3A_772 = arith.constant 15 : i32
        %get3A_773 = arith.index_cast %get3A_772 : i32 to index
        %get3A_774 = arith.constant 96 : index
        %get3A_775 = tpu.vector_load %arg12[%get3A_773, %get3A_774] {strides = array<i32>} : memref<16x128xi32, #tpu.memory_space<vmem>>, vector<16xi32>,
        tpu.vector_store_idx %arg15[%get3A_775], %broadcast_in_dim3A_1 {add = true} : memref<10112xf32, #tpu.memory_space<vmem>>[vector<16xi32>], vector<16xf32>,
        %get3A_776 = arith.constant 15 : i32
        %get3A_777 = arith.index_cast %get3A_776 : i32 to index
        %get3A_778 = arith.constant 112 : index
        %get3A_779 = tpu.vector_load %arg12[%get3A_777, %get3A_778] {strides = array<i32>} : memref<16x128xi32, #tpu.memory_space<vmem>>, vector<16xi32>,
        tpu.vector_store_idx %arg15[%get3A_779], %broadcast_in_dim3A_1 {add = true} : memref<10112xf32, #tpu.memory_space<vmem>>[vector<16xi32>], vector<16xf32>,
        %scan3A_780 = arith.constant 0 : i32
        scf.yield %scan3A_780 : i32
      }
      %scan3A_25 = arith.constant 10 : i32
    } else {
    }
    %eq3A_4 = arith.constant 1 : i32
    %eq3A_5 = arith.cmpi eq, %arg0, %eq3A_4 : i32
    %convert_element_type3A_6 = arith.extui %eq3A_5 : i1 to i32
    %cond3A_7 = arith.constant 0 : i32
    %cond3A_8 = arith.cmpi ne, %convert_element_type3A_6, %cond3A_7 : i32
    scf.if %cond3A_8 {
      %scan3A = arith.constant 0 : i32
      %scan3A_20 = arith.constant 0 : i32
      %scan3A_21 = arith.constant 10 : i32
      %scan3A_22 = arith.addi %scan3A_20, %scan3A_21 : i32
      %scan3A_23 = arith.constant 1 : i32
      %scan3A_24 = scf.for %scan3A_26 = %scan3A_20 to %scan3A_22 step %scan3A_23 iter_args(%scan3A_27 = %scan3A) -> (i32)  : i32 {
        %mul3A_28 = arith.constant 160 : i32
        %mul3A_29 = arith.muli %arg1, %mul3A_28 : i32
        %mul3A_30 = arith.constant 16 : i32
        %mul3A_31 = arith.muli %scan3A_26, %mul3A_30 : i32
        %add3A = arith.addi %mul3A_29, %mul3A_31 : i32
        "tpu.region"() ({
          %run_scoped3A_270 = tpu.sem_alloc : memref<!tpu.dma_semaphore, #tpu.memory_space<semaphore_mem>>
          %dma_start3A_271 = arith.constant 0 : i32
          %dma_start3A_272 = tpu.memref_slice %arg4[%add3A, %dma_start3A_271] : memref<2560x128xi32, #tpu.memory_space<hbm>> -> memref<16x128xi32, #tpu.memory_space<hbm>>
          %dma_start3A_273 = arith.constant 0 : i32
          %dma_start3A_274 = tpu.memref_slice %arg4[%add3A, %dma_start3A_273] : memref<2560x128xi32, #tpu.memory_space<hbm>> -> memref<16x128xi32, #tpu.memory_space<hbm>>
          tpu.enqueue_dma source(%dma_start3A_274 : memref<16x128xi32, #tpu.memory_space<hbm>>) target(%arg11 : memref<16x128xi32, #tpu.memory_space<vmem>>) target_semaphore(%run_scoped3A_270 : memref<!tpu.dma_semaphore, #tpu.memory_space<semaphore_mem>>)
          %dma_wait3A_275 = arith.constant 0 : i32
          %dma_wait3A_276 = tpu.memref_slice %arg4[%add3A, %dma_wait3A_275] : memref<2560x128xi32, #tpu.memory_space<hbm>> -> memref<16x128xi32, #tpu.memory_space<hbm>>
          %dma_wait3A_277 = arith.constant 0 : i32
          %dma_wait3A_278 = tpu.memref_slice %arg4[%add3A, %dma_wait3A_277] : memref<2560x128xi32, #tpu.memory_space<hbm>> -> memref<16x128xi32, #tpu.memory_space<hbm>>
          tpu.wait_dma2 semaphore(%run_scoped3A_270 : memref<!tpu.dma_semaphore, #tpu.memory_space<semaphore_mem>>) src(%dma_wait3A_278 : memref<16x128xi32, #tpu.memory_space<hbm>>) dst(%arg11 : memref<16x128xi32, #tpu.memory_space<vmem>>)
          tpu.yield
        }) : () -> ()
        "tpu.region"() ({
          %run_scoped3A_270 = tpu.sem_alloc : memref<!tpu.dma_semaphore, #tpu.memory_space<semaphore_mem>>
          %dma_start3A_271 = arith.constant 0 : i32
          %dma_start3A_272 = tpu.memref_slice %arg5[%add3A, %dma_start3A_271] : memref<2560x128xi32, #tpu.memory_space<hbm>> -> memref<16x128xi32, #tpu.memory_space<hbm>>
          %dma_start3A_273 = arith.constant 0 : i32
          %dma_start3A_274 = tpu.memref_slice %arg5[%add3A, %dma_start3A_273] : memref<2560x128xi32, #tpu.memory_space<hbm>> -> memref<16x128xi32, #tpu.memory_space<hbm>>
          tpu.enqueue_dma source(%dma_start3A_274 : memref<16x128xi32, #tpu.memory_space<hbm>>) target(%arg12 : memref<16x128xi32, #tpu.memory_space<vmem>>) target_semaphore(%run_scoped3A_270 : memref<!tpu.dma_semaphore, #tpu.memory_space<semaphore_mem>>)
          %dma_wait3A_275 = arith.constant 0 : i32
          %dma_wait3A_276 = tpu.memref_slice %arg5[%add3A, %dma_wait3A_275] : memref<2560x128xi32, #tpu.memory_space<hbm>> -> memref<16x128xi32, #tpu.memory_space<hbm>>
          %dma_wait3A_277 = arith.constant 0 : i32
          %dma_wait3A_278 = tpu.memref_slice %arg5[%add3A, %dma_wait3A_277] : memref<2560x128xi32, #tpu.memory_space<hbm>> -> memref<16x128xi32, #tpu.memory_space<hbm>>
          tpu.wait_dma2 semaphore(%run_scoped3A_270 : memref<!tpu.dma_semaphore, #tpu.memory_space<semaphore_mem>>) src(%dma_wait3A_278 : memref<16x128xi32, #tpu.memory_space<hbm>>) dst(%arg12 : memref<16x128xi32, #tpu.memory_space<vmem>>)
          tpu.yield
        }) : () -> ()
        %dma_start3A = arith.constant 0 : i32
        %dma_start3A_32 = arith.constant 0 : i32
        %dma_start3A_33 = tpu.memref_slice %arg11[%dma_start3A, %dma_start3A_32] : memref<16x128xi32, #tpu.memory_space<vmem>> -> memref<1x128xi32, #tpu.memory_space<vmem>>
        %dma_start3A_34 = tpu.memref_squeeze %dma_start3A_33 : memref<1x128xi32, #tpu.memory_space<vmem>> -> memref<128xi32, #tpu.memory_space<vmem>>
        %dma_start3A_35 = arith.constant 0 : i32
        %dma_start3A_36 = arith.constant 0 : i32
        %dma_start3A_37 = tpu.memref_slice %arg3[%dma_start3A_35, %dma_start3A_36] : memref<10000x128xf32, #tpu.memory_space<hbm>> -> memref<10000x128xf32, #tpu.memory_space<hbm>>
        tpu.enqueue_indirect_dma source(%dma_start3A_37 : memref<10000x128xf32, #tpu.memory_space<hbm>>) target(%arg13 : memref<128x128xf32, #tpu.memory_space<vmem>>) offsets(%dma_start3A_34 : memref<128xi32, #tpu.memory_space<vmem>>) semaphore(%arg17 : memref<!tpu.dma_semaphore, #tpu.memory_space<semaphore_mem>>)
        %dma_start3A_38 = arith.constant 1 : i32
        %dma_start3A_39 = arith.constant 0 : i32
        %dma_start3A_40 = tpu.memref_slice %arg11[%dma_start3A_38, %dma_start3A_39] : memref<16x128xi32, #tpu.memory_space<vmem>> -> memref<1x128xi32, #tpu.memory_space<vmem>>
        %dma_start3A_41 = tpu.memref_squeeze %dma_start3A_40 : memref<1x128xi32, #tpu.memory_space<vmem>> -> memref<128xi32, #tpu.memory_space<vmem>>
        %dma_start3A_42 = arith.constant 0 : i32
        %dma_start3A_43 = arith.constant 0 : i32
        %dma_start3A_44 = tpu.memref_slice %arg3[%dma_start3A_42, %dma_start3A_43] : memref<10000x128xf32, #tpu.memory_space<hbm>> -> memref<10000x128xf32, #tpu.memory_space<hbm>>
        tpu.enqueue_indirect_dma source(%dma_start3A_44 : memref<10000x128xf32, #tpu.memory_space<hbm>>) target(%arg14 : memref<128x128xf32, #tpu.memory_space<vmem>>) offsets(%dma_start3A_41 : memref<128xi32, #tpu.memory_space<vmem>>) semaphore(%arg18 : memref<!tpu.dma_semaphore, #tpu.memory_space<semaphore_mem>>)
        %dma_wait3A = arith.constant 0 : i32
        %dma_wait3A_45 = arith.constant 0 : i32
        %dma_wait3A_46 = tpu.memref_slice %arg11[%dma_wait3A, %dma_wait3A_45] : memref<16x128xi32, #tpu.memory_space<vmem>> -> memref<1x128xi32, #tpu.memory_space<vmem>>
        %dma_wait3A_47 = tpu.memref_squeeze %dma_wait3A_46 : memref<1x128xi32, #tpu.memory_space<vmem>> -> memref<128xi32, #tpu.memory_space<vmem>>
        %dma_wait3A_48 = arith.constant 0 : i32
        %dma_wait3A_49 = arith.constant 0 : i32
        %dma_wait3A_50 = tpu.memref_slice %arg3[%dma_wait3A_48, %dma_wait3A_49] : memref<10000x128xf32, #tpu.memory_space<hbm>> -> memref<10000x128xf32, #tpu.memory_space<hbm>>
        tpu.wait_indirect_dma semaphore(%arg17 : memref<!tpu.dma_semaphore, #tpu.memory_space<semaphore_mem>>) src(%dma_wait3A_50 : memref<10000x128xf32, #tpu.memory_space<hbm>>) dst(%arg13 : memref<128x128xf32, #tpu.memory_space<vmem>>)
        %run_scoped3A = arith.constant 0 : i32
        "tpu.region"() ({
          %run_scoped3A_270 = tpu.sem_alloc : memref<!tpu.dma_semaphore, #tpu.memory_space<semaphore_mem>>
          %dma_start3A_271 = arith.constant 0 : i32
          %dma_start3A_272 = tpu.memref_slice %arg12[%run_scoped3A, %dma_start3A_271] : memref<16x128xi32, #tpu.memory_space<vmem>> -> memref<1x128xi32, #tpu.memory_space<vmem>>
          %dma_start3A_273 = tpu.memref_squeeze %dma_start3A_272 : memref<1x128xi32, #tpu.memory_space<vmem>> -> memref<128xi32, #tpu.memory_space<vmem>>
          %dma_start3A_274 = arith.constant 0 : i32
          %dma_start3A_275 = arith.constant 0 : i32
          %dma_start3A_276 = tpu.memref_slice %arg16[%dma_start3A_274, %dma_start3A_275] : memref<10112x128xf32, #tpu.memory_space<vmem_shared>> -> memref<10112x128xf32, #tpu.memory_space<vmem_shared>>
          tpu.enqueue_indirect_dma source(%arg13 : memref<128x128xf32, #tpu.memory_space<vmem>>) target(%dma_start3A_276 : memref<10112x128xf32, #tpu.memory_space<vmem_shared>>) offsets(%dma_start3A_273 : memref<128xi32, #tpu.memory_space<vmem>>) semaphore(%run_scoped3A_270 : memref<!tpu.dma_semaphore, #tpu.memory_space<semaphore_mem>>) {add = true}
          %dma_wait3A_277 = arith.constant 0 : i32
          %dma_wait3A_278 = tpu.memref_slice %arg12[%run_scoped3A, %dma_wait3A_277] : memref<16x128xi32, #tpu.memory_space<vmem>> -> memref<1x128xi32, #tpu.memory_space<vmem>>
          %dma_wait3A_279 = tpu.memref_squeeze %dma_wait3A_278 : memref<1x128xi32, #tpu.memory_space<vmem>> -> memref<128xi32, #tpu.memory_space<vmem>>
          %dma_wait3A_280 = arith.constant 0 : i32
          %dma_wait3A_281 = arith.constant 0 : i32
          %dma_wait3A_282 = tpu.memref_slice %arg16[%dma_wait3A_280, %dma_wait3A_281] : memref<10112x128xf32, #tpu.memory_space<vmem_shared>> -> memref<10112x128xf32, #tpu.memory_space<vmem_shared>>
          tpu.wait_indirect_dma semaphore(%run_scoped3A_270 : memref<!tpu.dma_semaphore, #tpu.memory_space<semaphore_mem>>) src(%arg13 : memref<128x128xf32, #tpu.memory_space<vmem>>) dst(%dma_wait3A_282 : memref<10112x128xf32, #tpu.memory_space<vmem_shared>>)
          tpu.yield
        }) : () -> ()
        %dma_start3A_51 = arith.constant 2 : i32
        %dma_start3A_52 = arith.constant 0 : i32
        %dma_start3A_53 = tpu.memref_slice %arg11[%dma_start3A_51, %dma_start3A_52] : memref<16x128xi32, #tpu.memory_space<vmem>> -> memref<1x128xi32, #tpu.memory_space<vmem>>
        %dma_start3A_54 = tpu.memref_squeeze %dma_start3A_53 : memref<1x128xi32, #tpu.memory_space<vmem>> -> memref<128xi32, #tpu.memory_space<vmem>>
        %dma_start3A_55 = arith.constant 0 : i32
        %dma_start3A_56 = arith.constant 0 : i32
        %dma_start3A_57 = tpu.memref_slice %arg3[%dma_start3A_55, %dma_start3A_56] : memref<10000x128xf32, #tpu.memory_space<hbm>> -> memref<10000x128xf32, #tpu.memory_space<hbm>>
        tpu.enqueue_indirect_dma source(%dma_start3A_57 : memref<10000x128xf32, #tpu.memory_space<hbm>>) target(%arg13 : memref<128x128xf32, #tpu.memory_space<vmem>>) offsets(%dma_start3A_54 : memref<128xi32, #tpu.memory_space<vmem>>) semaphore(%arg17 : memref<!tpu.dma_semaphore, #tpu.memory_space<semaphore_mem>>)
        %dma_wait3A_58 = arith.constant 1 : i32
        %dma_wait3A_59 = arith.constant 0 : i32
        %dma_wait3A_60 = tpu.memref_slice %arg11[%dma_wait3A_58, %dma_wait3A_59] : memref<16x128xi32, #tpu.memory_space<vmem>> -> memref<1x128xi32, #tpu.memory_space<vmem>>
        %dma_wait3A_61 = tpu.memref_squeeze %dma_wait3A_60 : memref<1x128xi32, #tpu.memory_space<vmem>> -> memref<128xi32, #tpu.memory_space<vmem>>
        %dma_wait3A_62 = arith.constant 0 : i32
        %dma_wait3A_63 = arith.constant 0 : i32
        %dma_wait3A_64 = tpu.memref_slice %arg3[%dma_wait3A_62, %dma_wait3A_63] : memref<10000x128xf32, #tpu.memory_space<hbm>> -> memref<10000x128xf32, #tpu.memory_space<hbm>>
        tpu.wait_indirect_dma semaphore(%arg18 : memref<!tpu.dma_semaphore, #tpu.memory_space<semaphore_mem>>) src(%dma_wait3A_64 : memref<10000x128xf32, #tpu.memory_space<hbm>>) dst(%arg14 : memref<128x128xf32, #tpu.memory_space<vmem>>)
        %run_scoped3A_65 = arith.constant 1 : i32
        "tpu.region"() ({
          %run_scoped3A_270 = tpu.sem_alloc : memref<!tpu.dma_semaphore, #tpu.memory_space<semaphore_mem>>
          %dma_start3A_271 = arith.constant 0 : i32
          %dma_start3A_272 = tpu.memref_slice %arg12[%run_scoped3A_65, %dma_start3A_271] : memref<16x128xi32, #tpu.memory_space<vmem>> -> memref<1x128xi32, #tpu.memory_space<vmem>>
          %dma_start3A_273 = tpu.memref_squeeze %dma_start3A_272 : memref<1x128xi32, #tpu.memory_space<vmem>> -> memref<128xi32, #tpu.memory_space<vmem>>
          %dma_start3A_274 = arith.constant 0 : i32
          %dma_start3A_275 = arith.constant 0 : i32
          %dma_start3A_276 = tpu.memref_slice %arg16[%dma_start3A_274, %dma_start3A_275] : memref<10112x128xf32, #tpu.memory_space<vmem_shared>> -> memref<10112x128xf32, #tpu.memory_space<vmem_shared>>
          tpu.enqueue_indirect_dma source(%arg14 : memref<128x128xf32, #tpu.memory_space<vmem>>) target(%dma_start3A_276 : memref<10112x128xf32, #tpu.memory_space<vmem_shared>>) offsets(%dma_start3A_273 : memref<128xi32, #tpu.memory_space<vmem>>) semaphore(%run_scoped3A_270 : memref<!tpu.dma_semaphore, #tpu.memory_space<semaphore_mem>>) {add = true}
          %dma_wait3A_277 = arith.constant 0 : i32
          %dma_wait3A_278 = tpu.memref_slice %arg12[%run_scoped3A_65, %dma_wait3A_277] : memref<16x128xi32, #tpu.memory_space<vmem>> -> memref<1x128xi32, #tpu.memory_space<vmem>>
          %dma_wait3A_279 = tpu.memref_squeeze %dma_wait3A_278 : memref<1x128xi32, #tpu.memory_space<vmem>> -> memref<128xi32, #tpu.memory_space<vmem>>
          %dma_wait3A_280 = arith.constant 0 : i32
          %dma_wait3A_281 = arith.constant 0 : i32
          %dma_wait3A_282 = tpu.memref_slice %arg16[%dma_wait3A_280, %dma_wait3A_281] : memref<10112x128xf32, #tpu.memory_space<vmem_shared>> -> memref<10112x128xf32, #tpu.memory_space<vmem_shared>>
          tpu.wait_indirect_dma semaphore(%run_scoped3A_270 : memref<!tpu.dma_semaphore, #tpu.memory_space<semaphore_mem>>) src(%arg14 : memref<128x128xf32, #tpu.memory_space<vmem>>) dst(%dma_wait3A_282 : memref<10112x128xf32, #tpu.memory_space<vmem_shared>>)
          tpu.yield
        }) : () -> ()
        %dma_start3A_66 = arith.constant 3 : i32
        %dma_start3A_67 = arith.constant 0 : i32
        %dma_start3A_68 = tpu.memref_slice %arg11[%dma_start3A_66, %dma_start3A_67] : memref<16x128xi32, #tpu.memory_space<vmem>> -> memref<1x128xi32, #tpu.memory_space<vmem>>
        %dma_start3A_69 = tpu.memref_squeeze %dma_start3A_68 : memref<1x128xi32, #tpu.memory_space<vmem>> -> memref<128xi32, #tpu.memory_space<vmem>>
        %dma_start3A_70 = arith.constant 0 : i32
        %dma_start3A_71 = arith.constant 0 : i32
        %dma_start3A_72 = tpu.memref_slice %arg3[%dma_start3A_70, %dma_start3A_71] : memref<10000x128xf32, #tpu.memory_space<hbm>> -> memref<10000x128xf32, #tpu.memory_space<hbm>>
        tpu.enqueue_indirect_dma source(%dma_start3A_72 : memref<10000x128xf32, #tpu.memory_space<hbm>>) target(%arg14 : memref<128x128xf32, #tpu.memory_space<vmem>>) offsets(%dma_start3A_69 : memref<128xi32, #tpu.memory_space<vmem>>) semaphore(%arg18 : memref<!tpu.dma_semaphore, #tpu.memory_space<semaphore_mem>>)
        %dma_wait3A_73 = arith.constant 2 : i32
        %dma_wait3A_74 = arith.constant 0 : i32
        %dma_wait3A_75 = tpu.memref_slice %arg11[%dma_wait3A_73, %dma_wait3A_74] : memref<16x128xi32, #tpu.memory_space<vmem>> -> memref<1x128xi32, #tpu.memory_space<vmem>>
        %dma_wait3A_76 = tpu.memref_squeeze %dma_wait3A_75 : memref<1x128xi32, #tpu.memory_space<vmem>> -> memref<128xi32, #tpu.memory_space<vmem>>
        %dma_wait3A_77 = arith.constant 0 : i32
        %dma_wait3A_78 = arith.constant 0 : i32
        %dma_wait3A_79 = tpu.memref_slice %arg3[%dma_wait3A_77, %dma_wait3A_78] : memref<10000x128xf32, #tpu.memory_space<hbm>> -> memref<10000x128xf32, #tpu.memory_space<hbm>>
        tpu.wait_indirect_dma semaphore(%arg17 : memref<!tpu.dma_semaphore, #tpu.memory_space<semaphore_mem>>) src(%dma_wait3A_79 : memref<10000x128xf32, #tpu.memory_space<hbm>>) dst(%arg13 : memref<128x128xf32, #tpu.memory_space<vmem>>)
        %run_scoped3A_80 = arith.constant 2 : i32
        "tpu.region"() ({
          %run_scoped3A_270 = tpu.sem_alloc : memref<!tpu.dma_semaphore, #tpu.memory_space<semaphore_mem>>
          %dma_start3A_271 = arith.constant 0 : i32
          %dma_start3A_272 = tpu.memref_slice %arg12[%run_scoped3A_80, %dma_start3A_271] : memref<16x128xi32, #tpu.memory_space<vmem>> -> memref<1x128xi32, #tpu.memory_space<vmem>>
          %dma_start3A_273 = tpu.memref_squeeze %dma_start3A_272 : memref<1x128xi32, #tpu.memory_space<vmem>> -> memref<128xi32, #tpu.memory_space<vmem>>
          %dma_start3A_274 = arith.constant 0 : i32
          %dma_start3A_275 = arith.constant 0 : i32
          %dma_start3A_276 = tpu.memref_slice %arg16[%dma_start3A_274, %dma_start3A_275] : memref<10112x128xf32, #tpu.memory_space<vmem_shared>> -> memref<10112x128xf32, #tpu.memory_space<vmem_shared>>
          tpu.enqueue_indirect_dma source(%arg13 : memref<128x128xf32, #tpu.memory_space<vmem>>) target(%dma_start3A_276 : memref<10112x128xf32, #tpu.memory_space<vmem_shared>>) offsets(%dma_start3A_273 : memref<128xi32, #tpu.memory_space<vmem>>) semaphore(%run_scoped3A_270 : memref<!tpu.dma_semaphore, #tpu.memory_space<semaphore_mem>>) {add = true}
          %dma_wait3A_277 = arith.constant 0 : i32
          %dma_wait3A_278 = tpu.memref_slice %arg12[%run_scoped3A_80, %dma_wait3A_277] : memref<16x128xi32, #tpu.memory_space<vmem>> -> memref<1x128xi32, #tpu.memory_space<vmem>>
          %dma_wait3A_279 = tpu.memref_squeeze %dma_wait3A_278 : memref<1x128xi32, #tpu.memory_space<vmem>> -> memref<128xi32, #tpu.memory_space<vmem>>
          %dma_wait3A_280 = arith.constant 0 : i32
          %dma_wait3A_281 = arith.constant 0 : i32
          %dma_wait3A_282 = tpu.memref_slice %arg16[%dma_wait3A_280, %dma_wait3A_281] : memref<10112x128xf32, #tpu.memory_space<vmem_shared>> -> memref<10112x128xf32, #tpu.memory_space<vmem_shared>>
          tpu.wait_indirect_dma semaphore(%run_scoped3A_270 : memref<!tpu.dma_semaphore, #tpu.memory_space<semaphore_mem>>) src(%arg13 : memref<128x128xf32, #tpu.memory_space<vmem>>) dst(%dma_wait3A_282 : memref<10112x128xf32, #tpu.memory_space<vmem_shared>>)
          tpu.yield
        }) : () -> ()
        %dma_start3A_81 = arith.constant 4 : i32
        %dma_start3A_82 = arith.constant 0 : i32
        %dma_start3A_83 = tpu.memref_slice %arg11[%dma_start3A_81, %dma_start3A_82] : memref<16x128xi32, #tpu.memory_space<vmem>> -> memref<1x128xi32, #tpu.memory_space<vmem>>
        %dma_start3A_84 = tpu.memref_squeeze %dma_start3A_83 : memref<1x128xi32, #tpu.memory_space<vmem>> -> memref<128xi32, #tpu.memory_space<vmem>>
        %dma_start3A_85 = arith.constant 0 : i32
        %dma_start3A_86 = arith.constant 0 : i32
        %dma_start3A_87 = tpu.memref_slice %arg3[%dma_start3A_85, %dma_start3A_86] : memref<10000x128xf32, #tpu.memory_space<hbm>> -> memref<10000x128xf32, #tpu.memory_space<hbm>>
        tpu.enqueue_indirect_dma source(%dma_start3A_87 : memref<10000x128xf32, #tpu.memory_space<hbm>>) target(%arg13 : memref<128x128xf32, #tpu.memory_space<vmem>>) offsets(%dma_start3A_84 : memref<128xi32, #tpu.memory_space<vmem>>) semaphore(%arg17 : memref<!tpu.dma_semaphore, #tpu.memory_space<semaphore_mem>>)
        %dma_wait3A_88 = arith.constant 3 : i32
        %dma_wait3A_89 = arith.constant 0 : i32
        %dma_wait3A_90 = tpu.memref_slice %arg11[%dma_wait3A_88, %dma_wait3A_89] : memref<16x128xi32, #tpu.memory_space<vmem>> -> memref<1x128xi32, #tpu.memory_space<vmem>>
        %dma_wait3A_91 = tpu.memref_squeeze %dma_wait3A_90 : memref<1x128xi32, #tpu.memory_space<vmem>> -> memref<128xi32, #tpu.memory_space<vmem>>
        %dma_wait3A_92 = arith.constant 0 : i32
        %dma_wait3A_93 = arith.constant 0 : i32
        %dma_wait3A_94 = tpu.memref_slice %arg3[%dma_wait3A_92, %dma_wait3A_93] : memref<10000x128xf32, #tpu.memory_space<hbm>> -> memref<10000x128xf32, #tpu.memory_space<hbm>>
        tpu.wait_indirect_dma semaphore(%arg18 : memref<!tpu.dma_semaphore, #tpu.memory_space<semaphore_mem>>) src(%dma_wait3A_94 : memref<10000x128xf32, #tpu.memory_space<hbm>>) dst(%arg14 : memref<128x128xf32, #tpu.memory_space<vmem>>)
        %run_scoped3A_95 = arith.constant 3 : i32
        "tpu.region"() ({
          %run_scoped3A_270 = tpu.sem_alloc : memref<!tpu.dma_semaphore, #tpu.memory_space<semaphore_mem>>
          %dma_start3A_271 = arith.constant 0 : i32
          %dma_start3A_272 = tpu.memref_slice %arg12[%run_scoped3A_95, %dma_start3A_271] : memref<16x128xi32, #tpu.memory_space<vmem>> -> memref<1x128xi32, #tpu.memory_space<vmem>>
          %dma_start3A_273 = tpu.memref_squeeze %dma_start3A_272 : memref<1x128xi32, #tpu.memory_space<vmem>> -> memref<128xi32, #tpu.memory_space<vmem>>
          %dma_start3A_274 = arith.constant 0 : i32
          %dma_start3A_275 = arith.constant 0 : i32
          %dma_start3A_276 = tpu.memref_slice %arg16[%dma_start3A_274, %dma_start3A_275] : memref<10112x128xf32, #tpu.memory_space<vmem_shared>> -> memref<10112x128xf32, #tpu.memory_space<vmem_shared>>
          tpu.enqueue_indirect_dma source(%arg14 : memref<128x128xf32, #tpu.memory_space<vmem>>) target(%dma_start3A_276 : memref<10112x128xf32, #tpu.memory_space<vmem_shared>>) offsets(%dma_start3A_273 : memref<128xi32, #tpu.memory_space<vmem>>) semaphore(%run_scoped3A_270 : memref<!tpu.dma_semaphore, #tpu.memory_space<semaphore_mem>>) {add = true}
          %dma_wait3A_277 = arith.constant 0 : i32
          %dma_wait3A_278 = tpu.memref_slice %arg12[%run_scoped3A_95, %dma_wait3A_277] : memref<16x128xi32, #tpu.memory_space<vmem>> -> memref<1x128xi32, #tpu.memory_space<vmem>>
          %dma_wait3A_279 = tpu.memref_squeeze %dma_wait3A_278 : memref<1x128xi32, #tpu.memory_space<vmem>> -> memref<128xi32, #tpu.memory_space<vmem>>
          %dma_wait3A_280 = arith.constant 0 : i32
          %dma_wait3A_281 = arith.constant 0 : i32
          %dma_wait3A_282 = tpu.memref_slice %arg16[%dma_wait3A_280, %dma_wait3A_281] : memref<10112x128xf32, #tpu.memory_space<vmem_shared>> -> memref<10112x128xf32, #tpu.memory_space<vmem_shared>>
          tpu.wait_indirect_dma semaphore(%run_scoped3A_270 : memref<!tpu.dma_semaphore, #tpu.memory_space<semaphore_mem>>) src(%arg14 : memref<128x128xf32, #tpu.memory_space<vmem>>) dst(%dma_wait3A_282 : memref<10112x128xf32, #tpu.memory_space<vmem_shared>>)
          tpu.yield
        }) : () -> ()
        %dma_start3A_96 = arith.constant 5 : i32
        %dma_start3A_97 = arith.constant 0 : i32
        %dma_start3A_98 = tpu.memref_slice %arg11[%dma_start3A_96, %dma_start3A_97] : memref<16x128xi32, #tpu.memory_space<vmem>> -> memref<1x128xi32, #tpu.memory_space<vmem>>
        %dma_start3A_99 = tpu.memref_squeeze %dma_start3A_98 : memref<1x128xi32, #tpu.memory_space<vmem>> -> memref<128xi32, #tpu.memory_space<vmem>>
        %dma_start3A_100 = arith.constant 0 : i32
        %dma_start3A_101 = arith.constant 0 : i32
        %dma_start3A_102 = tpu.memref_slice %arg3[%dma_start3A_100, %dma_start3A_101] : memref<10000x128xf32, #tpu.memory_space<hbm>> -> memref<10000x128xf32, #tpu.memory_space<hbm>>
        tpu.enqueue_indirect_dma source(%dma_start3A_102 : memref<10000x128xf32, #tpu.memory_space<hbm>>) target(%arg14 : memref<128x128xf32, #tpu.memory_space<vmem>>) offsets(%dma_start3A_99 : memref<128xi32, #tpu.memory_space<vmem>>) semaphore(%arg18 : memref<!tpu.dma_semaphore, #tpu.memory_space<semaphore_mem>>)
        %dma_wait3A_103 = arith.constant 4 : i32
        %dma_wait3A_104 = arith.constant 0 : i32
        %dma_wait3A_105 = tpu.memref_slice %arg11[%dma_wait3A_103, %dma_wait3A_104] : memref<16x128xi32, #tpu.memory_space<vmem>> -> memref<1x128xi32, #tpu.memory_space<vmem>>
        %dma_wait3A_106 = tpu.memref_squeeze %dma_wait3A_105 : memref<1x128xi32, #tpu.memory_space<vmem>> -> memref<128xi32, #tpu.memory_space<vmem>>
        %dma_wait3A_107 = arith.constant 0 : i32
        %dma_wait3A_108 = arith.constant 0 : i32
        %dma_wait3A_109 = tpu.memref_slice %arg3[%dma_wait3A_107, %dma_wait3A_108] : memref<10000x128xf32, #tpu.memory_space<hbm>> -> memref<10000x128xf32, #tpu.memory_space<hbm>>
        tpu.wait_indirect_dma semaphore(%arg17 : memref<!tpu.dma_semaphore, #tpu.memory_space<semaphore_mem>>) src(%dma_wait3A_109 : memref<10000x128xf32, #tpu.memory_space<hbm>>) dst(%arg13 : memref<128x128xf32, #tpu.memory_space<vmem>>)
        %run_scoped3A_110 = arith.constant 4 : i32
        "tpu.region"() ({
          %run_scoped3A_270 = tpu.sem_alloc : memref<!tpu.dma_semaphore, #tpu.memory_space<semaphore_mem>>
          %dma_start3A_271 = arith.constant 0 : i32
          %dma_start3A_272 = tpu.memref_slice %arg12[%run_scoped3A_110, %dma_start3A_271] : memref<16x128xi32, #tpu.memory_space<vmem>> -> memref<1x128xi32, #tpu.memory_space<vmem>>
          %dma_start3A_273 = tpu.memref_squeeze %dma_start3A_272 : memref<1x128xi32, #tpu.memory_space<vmem>> -> memref<128xi32, #tpu.memory_space<vmem>>
          %dma_start3A_274 = arith.constant 0 : i32
          %dma_start3A_275 = arith.constant 0 : i32
          %dma_start3A_276 = tpu.memref_slice %arg16[%dma_start3A_274, %dma_start3A_275] : memref<10112x128xf32, #tpu.memory_space<vmem_shared>> -> memref<10112x128xf32, #tpu.memory_space<vmem_shared>>
          tpu.enqueue_indirect_dma source(%arg13 : memref<128x128xf32, #tpu.memory_space<vmem>>) target(%dma_start3A_276 : memref<10112x128xf32, #tpu.memory_space<vmem_shared>>) offsets(%dma_start3A_273 : memref<128xi32, #tpu.memory_space<vmem>>) semaphore(%run_scoped3A_270 : memref<!tpu.dma_semaphore, #tpu.memory_space<semaphore_mem>>) {add = true}
          %dma_wait3A_277 = arith.constant 0 : i32
          %dma_wait3A_278 = tpu.memref_slice %arg12[%run_scoped3A_110, %dma_wait3A_277] : memref<16x128xi32, #tpu.memory_space<vmem>> -> memref<1x128xi32, #tpu.memory_space<vmem>>
          %dma_wait3A_279 = tpu.memref_squeeze %dma_wait3A_278 : memref<1x128xi32, #tpu.memory_space<vmem>> -> memref<128xi32, #tpu.memory_space<vmem>>
          %dma_wait3A_280 = arith.constant 0 : i32
          %dma_wait3A_281 = arith.constant 0 : i32
          %dma_wait3A_282 = tpu.memref_slice %arg16[%dma_wait3A_280, %dma_wait3A_281] : memref<10112x128xf32, #tpu.memory_space<vmem_shared>> -> memref<10112x128xf32, #tpu.memory_space<vmem_shared>>
          tpu.wait_indirect_dma semaphore(%run_scoped3A_270 : memref<!tpu.dma_semaphore, #tpu.memory_space<semaphore_mem>>) src(%arg13 : memref<128x128xf32, #tpu.memory_space<vmem>>) dst(%dma_wait3A_282 : memref<10112x128xf32, #tpu.memory_space<vmem_shared>>)
          tpu.yield
        }) : () -> ()
        %dma_start3A_111 = arith.constant 6 : i32
        %dma_start3A_112 = arith.constant 0 : i32
        %dma_start3A_113 = tpu.memref_slice %arg11[%dma_start3A_111, %dma_start3A_112] : memref<16x128xi32, #tpu.memory_space<vmem>> -> memref<1x128xi32, #tpu.memory_space<vmem>>
        %dma_start3A_114 = tpu.memref_squeeze %dma_start3A_113 : memref<1x128xi32, #tpu.memory_space<vmem>> -> memref<128xi32, #tpu.memory_space<vmem>>
        %dma_start3A_115 = arith.constant 0 : i32
        %dma_start3A_116 = arith.constant 0 : i32
        %dma_start3A_117 = tpu.memref_slice %arg3[%dma_start3A_115, %dma_start3A_116] : memref<10000x128xf32, #tpu.memory_space<hbm>> -> memref<10000x128xf32, #tpu.memory_space<hbm>>
        tpu.enqueue_indirect_dma source(%dma_start3A_117 : memref<10000x128xf32, #tpu.memory_space<hbm>>) target(%arg13 : memref<128x128xf32, #tpu.memory_space<vmem>>) offsets(%dma_start3A_114 : memref<128xi32, #tpu.memory_space<vmem>>) semaphore(%arg17 : memref<!tpu.dma_semaphore, #tpu.memory_space<semaphore_mem>>)
        %dma_wait3A_118 = arith.constant 5 : i32
        %dma_wait3A_119 = arith.constant 0 : i32
        %dma_wait3A_120 = tpu.memref_slice %arg11[%dma_wait3A_118, %dma_wait3A_119] : memref<16x128xi32, #tpu.memory_space<vmem>> -> memref<1x128xi32, #tpu.memory_space<vmem>>
        %dma_wait3A_121 = tpu.memref_squeeze %dma_wait3A_120 : memref<1x128xi32, #tpu.memory_space<vmem>> -> memref<128xi32, #tpu.memory_space<vmem>>
        %dma_wait3A_122 = arith.constant 0 : i32
        %dma_wait3A_123 = arith.constant 0 : i32
        %dma_wait3A_124 = tpu.memref_slice %arg3[%dma_wait3A_122, %dma_wait3A_123] : memref<10000x128xf32, #tpu.memory_space<hbm>> -> memref<10000x128xf32, #tpu.memory_space<hbm>>
        tpu.wait_indirect_dma semaphore(%arg18 : memref<!tpu.dma_semaphore, #tpu.memory_space<semaphore_mem>>) src(%dma_wait3A_124 : memref<10000x128xf32, #tpu.memory_space<hbm>>) dst(%arg14 : memref<128x128xf32, #tpu.memory_space<vmem>>)
        %run_scoped3A_125 = arith.constant 5 : i32
        "tpu.region"() ({
          %run_scoped3A_270 = tpu.sem_alloc : memref<!tpu.dma_semaphore, #tpu.memory_space<semaphore_mem>>
          %dma_start3A_271 = arith.constant 0 : i32
          %dma_start3A_272 = tpu.memref_slice %arg12[%run_scoped3A_125, %dma_start3A_271] : memref<16x128xi32, #tpu.memory_space<vmem>> -> memref<1x128xi32, #tpu.memory_space<vmem>>
          %dma_start3A_273 = tpu.memref_squeeze %dma_start3A_272 : memref<1x128xi32, #tpu.memory_space<vmem>> -> memref<128xi32, #tpu.memory_space<vmem>>
          %dma_start3A_274 = arith.constant 0 : i32
          %dma_start3A_275 = arith.constant 0 : i32
          %dma_start3A_276 = tpu.memref_slice %arg16[%dma_start3A_274, %dma_start3A_275] : memref<10112x128xf32, #tpu.memory_space<vmem_shared>> -> memref<10112x128xf32, #tpu.memory_space<vmem_shared>>
          tpu.enqueue_indirect_dma source(%arg14 : memref<128x128xf32, #tpu.memory_space<vmem>>) target(%dma_start3A_276 : memref<10112x128xf32, #tpu.memory_space<vmem_shared>>) offsets(%dma_start3A_273 : memref<128xi32, #tpu.memory_space<vmem>>) semaphore(%run_scoped3A_270 : memref<!tpu.dma_semaphore, #tpu.memory_space<semaphore_mem>>) {add = true}
          %dma_wait3A_277 = arith.constant 0 : i32
          %dma_wait3A_278 = tpu.memref_slice %arg12[%run_scoped3A_125, %dma_wait3A_277] : memref<16x128xi32, #tpu.memory_space<vmem>> -> memref<1x128xi32, #tpu.memory_space<vmem>>
          %dma_wait3A_279 = tpu.memref_squeeze %dma_wait3A_278 : memref<1x128xi32, #tpu.memory_space<vmem>> -> memref<128xi32, #tpu.memory_space<vmem>>
          %dma_wait3A_280 = arith.constant 0 : i32
          %dma_wait3A_281 = arith.constant 0 : i32
          %dma_wait3A_282 = tpu.memref_slice %arg16[%dma_wait3A_280, %dma_wait3A_281] : memref<10112x128xf32, #tpu.memory_space<vmem_shared>> -> memref<10112x128xf32, #tpu.memory_space<vmem_shared>>
          tpu.wait_indirect_dma semaphore(%run_scoped3A_270 : memref<!tpu.dma_semaphore, #tpu.memory_space<semaphore_mem>>) src(%arg14 : memref<128x128xf32, #tpu.memory_space<vmem>>) dst(%dma_wait3A_282 : memref<10112x128xf32, #tpu.memory_space<vmem_shared>>)
          tpu.yield
        }) : () -> ()
        %dma_start3A_126 = arith.constant 7 : i32
        %dma_start3A_127 = arith.constant 0 : i32
        %dma_start3A_128 = tpu.memref_slice %arg11[%dma_start3A_126, %dma_start3A_127] : memref<16x128xi32, #tpu.memory_space<vmem>> -> memref<1x128xi32, #tpu.memory_space<vmem>>
        %dma_start3A_129 = tpu.memref_squeeze %dma_start3A_128 : memref<1x128xi32, #tpu.memory_space<vmem>> -> memref<128xi32, #tpu.memory_space<vmem>>
        %dma_start3A_130 = arith.constant 0 : i32
        %dma_start3A_131 = arith.constant 0 : i32
        %dma_start3A_132 = tpu.memref_slice %arg3[%dma_start3A_130, %dma_start3A_131] : memref<10000x128xf32, #tpu.memory_space<hbm>> -> memref<10000x128xf32, #tpu.memory_space<hbm>>
        tpu.enqueue_indirect_dma source(%dma_start3A_132 : memref<10000x128xf32, #tpu.memory_space<hbm>>) target(%arg14 : memref<128x128xf32, #tpu.memory_space<vmem>>) offsets(%dma_start3A_129 : memref<128xi32, #tpu.memory_space<vmem>>) semaphore(%arg18 : memref<!tpu.dma_semaphore, #tpu.memory_space<semaphore_mem>>)
        %dma_wait3A_133 = arith.constant 6 : i32
        %dma_wait3A_134 = arith.constant 0 : i32
        %dma_wait3A_135 = tpu.memref_slice %arg11[%dma_wait3A_133, %dma_wait3A_134] : memref<16x128xi32, #tpu.memory_space<vmem>> -> memref<1x128xi32, #tpu.memory_space<vmem>>
        %dma_wait3A_136 = tpu.memref_squeeze %dma_wait3A_135 : memref<1x128xi32, #tpu.memory_space<vmem>> -> memref<128xi32, #tpu.memory_space<vmem>>
        %dma_wait3A_137 = arith.constant 0 : i32
        %dma_wait3A_138 = arith.constant 0 : i32
        %dma_wait3A_139 = tpu.memref_slice %arg3[%dma_wait3A_137, %dma_wait3A_138] : memref<10000x128xf32, #tpu.memory_space<hbm>> -> memref<10000x128xf32, #tpu.memory_space<hbm>>
        tpu.wait_indirect_dma semaphore(%arg17 : memref<!tpu.dma_semaphore, #tpu.memory_space<semaphore_mem>>) src(%dma_wait3A_139 : memref<10000x128xf32, #tpu.memory_space<hbm>>) dst(%arg13 : memref<128x128xf32, #tpu.memory_space<vmem>>)
        %run_scoped3A_140 = arith.constant 6 : i32
        "tpu.region"() ({
          %run_scoped3A_270 = tpu.sem_alloc : memref<!tpu.dma_semaphore, #tpu.memory_space<semaphore_mem>>
          %dma_start3A_271 = arith.constant 0 : i32
          %dma_start3A_272 = tpu.memref_slice %arg12[%run_scoped3A_140, %dma_start3A_271] : memref<16x128xi32, #tpu.memory_space<vmem>> -> memref<1x128xi32, #tpu.memory_space<vmem>>
          %dma_start3A_273 = tpu.memref_squeeze %dma_start3A_272 : memref<1x128xi32, #tpu.memory_space<vmem>> -> memref<128xi32, #tpu.memory_space<vmem>>
          %dma_start3A_274 = arith.constant 0 : i32
          %dma_start3A_275 = arith.constant 0 : i32
          %dma_start3A_276 = tpu.memref_slice %arg16[%dma_start3A_274, %dma_start3A_275] : memref<10112x128xf32, #tpu.memory_space<vmem_shared>> -> memref<10112x128xf32, #tpu.memory_space<vmem_shared>>
          tpu.enqueue_indirect_dma source(%arg13 : memref<128x128xf32, #tpu.memory_space<vmem>>) target(%dma_start3A_276 : memref<10112x128xf32, #tpu.memory_space<vmem_shared>>) offsets(%dma_start3A_273 : memref<128xi32, #tpu.memory_space<vmem>>) semaphore(%run_scoped3A_270 : memref<!tpu.dma_semaphore, #tpu.memory_space<semaphore_mem>>) {add = true}
          %dma_wait3A_277 = arith.constant 0 : i32
          %dma_wait3A_278 = tpu.memref_slice %arg12[%run_scoped3A_140, %dma_wait3A_277] : memref<16x128xi32, #tpu.memory_space<vmem>> -> memref<1x128xi32, #tpu.memory_space<vmem>>
          %dma_wait3A_279 = tpu.memref_squeeze %dma_wait3A_278 : memref<1x128xi32, #tpu.memory_space<vmem>> -> memref<128xi32, #tpu.memory_space<vmem>>
          %dma_wait3A_280 = arith.constant 0 : i32
          %dma_wait3A_281 = arith.constant 0 : i32
          %dma_wait3A_282 = tpu.memref_slice %arg16[%dma_wait3A_280, %dma_wait3A_281] : memref<10112x128xf32, #tpu.memory_space<vmem_shared>> -> memref<10112x128xf32, #tpu.memory_space<vmem_shared>>
          tpu.wait_indirect_dma semaphore(%run_scoped3A_270 : memref<!tpu.dma_semaphore, #tpu.memory_space<semaphore_mem>>) src(%arg13 : memref<128x128xf32, #tpu.memory_space<vmem>>) dst(%dma_wait3A_282 : memref<10112x128xf32, #tpu.memory_space<vmem_shared>>)
          tpu.yield
        }) : () -> ()
        %dma_start3A_141 = arith.constant 8 : i32
        %dma_start3A_142 = arith.constant 0 : i32
        %dma_start3A_143 = tpu.memref_slice %arg11[%dma_start3A_141, %dma_start3A_142] : memref<16x128xi32, #tpu.memory_space<vmem>> -> memref<1x128xi32, #tpu.memory_space<vmem>>
        %dma_start3A_144 = tpu.memref_squeeze %dma_start3A_143 : memref<1x128xi32, #tpu.memory_space<vmem>> -> memref<128xi32, #tpu.memory_space<vmem>>
        %dma_start3A_145 = arith.constant 0 : i32
        %dma_start3A_146 = arith.constant 0 : i32
        %dma_start3A_147 = tpu.memref_slice %arg3[%dma_start3A_145, %dma_start3A_146] : memref<10000x128xf32, #tpu.memory_space<hbm>> -> memref<10000x128xf32, #tpu.memory_space<hbm>>
        tpu.enqueue_indirect_dma source(%dma_start3A_147 : memref<10000x128xf32, #tpu.memory_space<hbm>>) target(%arg13 : memref<128x128xf32, #tpu.memory_space<vmem>>) offsets(%dma_start3A_144 : memref<128xi32, #tpu.memory_space<vmem>>) semaphore(%arg17 : memref<!tpu.dma_semaphore, #tpu.memory_space<semaphore_mem>>)
        %dma_wait3A_148 = arith.constant 7 : i32
        %dma_wait3A_149 = arith.constant 0 : i32
        %dma_wait3A_150 = tpu.memref_slice %arg11[%dma_wait3A_148, %dma_wait3A_149] : memref<16x128xi32, #tpu.memory_space<vmem>> -> memref<1x128xi32, #tpu.memory_space<vmem>>
        %dma_wait3A_151 = tpu.memref_squeeze %dma_wait3A_150 : memref<1x128xi32, #tpu.memory_space<vmem>> -> memref<128xi32, #tpu.memory_space<vmem>>
        %dma_wait3A_152 = arith.constant 0 : i32
        %dma_wait3A_153 = arith.constant 0 : i32
        %dma_wait3A_154 = tpu.memref_slice %arg3[%dma_wait3A_152, %dma_wait3A_153] : memref<10000x128xf32, #tpu.memory_space<hbm>> -> memref<10000x128xf32, #tpu.memory_space<hbm>>
        tpu.wait_indirect_dma semaphore(%arg18 : memref<!tpu.dma_semaphore, #tpu.memory_space<semaphore_mem>>) src(%dma_wait3A_154 : memref<10000x128xf32, #tpu.memory_space<hbm>>) dst(%arg14 : memref<128x128xf32, #tpu.memory_space<vmem>>)
        %run_scoped3A_155 = arith.constant 7 : i32
        "tpu.region"() ({
          %run_scoped3A_270 = tpu.sem_alloc : memref<!tpu.dma_semaphore, #tpu.memory_space<semaphore_mem>>
          %dma_start3A_271 = arith.constant 0 : i32
          %dma_start3A_272 = tpu.memref_slice %arg12[%run_scoped3A_155, %dma_start3A_271] : memref<16x128xi32, #tpu.memory_space<vmem>> -> memref<1x128xi32, #tpu.memory_space<vmem>>
          %dma_start3A_273 = tpu.memref_squeeze %dma_start3A_272 : memref<1x128xi32, #tpu.memory_space<vmem>> -> memref<128xi32, #tpu.memory_space<vmem>>
          %dma_start3A_274 = arith.constant 0 : i32
          %dma_start3A_275 = arith.constant 0 : i32
          %dma_start3A_276 = tpu.memref_slice %arg16[%dma_start3A_274, %dma_start3A_275] : memref<10112x128xf32, #tpu.memory_space<vmem_shared>> -> memref<10112x128xf32, #tpu.memory_space<vmem_shared>>
          tpu.enqueue_indirect_dma source(%arg14 : memref<128x128xf32, #tpu.memory_space<vmem>>) target(%dma_start3A_276 : memref<10112x128xf32, #tpu.memory_space<vmem_shared>>) offsets(%dma_start3A_273 : memref<128xi32, #tpu.memory_space<vmem>>) semaphore(%run_scoped3A_270 : memref<!tpu.dma_semaphore, #tpu.memory_space<semaphore_mem>>) {add = true}
          %dma_wait3A_277 = arith.constant 0 : i32
          %dma_wait3A_278 = tpu.memref_slice %arg12[%run_scoped3A_155, %dma_wait3A_277] : memref<16x128xi32, #tpu.memory_space<vmem>> -> memref<1x128xi32, #tpu.memory_space<vmem>>
          %dma_wait3A_279 = tpu.memref_squeeze %dma_wait3A_278 : memref<1x128xi32, #tpu.memory_space<vmem>> -> memref<128xi32, #tpu.memory_space<vmem>>
          %dma_wait3A_280 = arith.constant 0 : i32
          %dma_wait3A_281 = arith.constant 0 : i32
          %dma_wait3A_282 = tpu.memref_slice %arg16[%dma_wait3A_280, %dma_wait3A_281] : memref<10112x128xf32, #tpu.memory_space<vmem_shared>> -> memref<10112x128xf32, #tpu.memory_space<vmem_shared>>
          tpu.wait_indirect_dma semaphore(%run_scoped3A_270 : memref<!tpu.dma_semaphore, #tpu.memory_space<semaphore_mem>>) src(%arg14 : memref<128x128xf32, #tpu.memory_space<vmem>>) dst(%dma_wait3A_282 : memref<10112x128xf32, #tpu.memory_space<vmem_shared>>)
          tpu.yield
        }) : () -> ()
        %dma_start3A_156 = arith.constant 9 : i32
        %dma_start3A_157 = arith.constant 0 : i32
        %dma_start3A_158 = tpu.memref_slice %arg11[%dma_start3A_156, %dma_start3A_157] : memref<16x128xi32, #tpu.memory_space<vmem>> -> memref<1x128xi32, #tpu.memory_space<vmem>>
        %dma_start3A_159 = tpu.memref_squeeze %dma_start3A_158 : memref<1x128xi32, #tpu.memory_space<vmem>> -> memref<128xi32, #tpu.memory_space<vmem>>
        %dma_start3A_160 = arith.constant 0 : i32
        %dma_start3A_161 = arith.constant 0 : i32
        %dma_start3A_162 = tpu.memref_slice %arg3[%dma_start3A_160, %dma_start3A_161] : memref<10000x128xf32, #tpu.memory_space<hbm>> -> memref<10000x128xf32, #tpu.memory_space<hbm>>
        tpu.enqueue_indirect_dma source(%dma_start3A_162 : memref<10000x128xf32, #tpu.memory_space<hbm>>) target(%arg14 : memref<128x128xf32, #tpu.memory_space<vmem>>) offsets(%dma_start3A_159 : memref<128xi32, #tpu.memory_space<vmem>>) semaphore(%arg18 : memref<!tpu.dma_semaphore, #tpu.memory_space<semaphore_mem>>)
        %dma_wait3A_163 = arith.constant 8 : i32
        %dma_wait3A_164 = arith.constant 0 : i32
        %dma_wait3A_165 = tpu.memref_slice %arg11[%dma_wait3A_163, %dma_wait3A_164] : memref<16x128xi32, #tpu.memory_space<vmem>> -> memref<1x128xi32, #tpu.memory_space<vmem>>
        %dma_wait3A_166 = tpu.memref_squeeze %dma_wait3A_165 : memref<1x128xi32, #tpu.memory_space<vmem>> -> memref<128xi32, #tpu.memory_space<vmem>>
        %dma_wait3A_167 = arith.constant 0 : i32
        %dma_wait3A_168 = arith.constant 0 : i32
        %dma_wait3A_169 = tpu.memref_slice %arg3[%dma_wait3A_167, %dma_wait3A_168] : memref<10000x128xf32, #tpu.memory_space<hbm>> -> memref<10000x128xf32, #tpu.memory_space<hbm>>
        tpu.wait_indirect_dma semaphore(%arg17 : memref<!tpu.dma_semaphore, #tpu.memory_space<semaphore_mem>>) src(%dma_wait3A_169 : memref<10000x128xf32, #tpu.memory_space<hbm>>) dst(%arg13 : memref<128x128xf32, #tpu.memory_space<vmem>>)
        %run_scoped3A_170 = arith.constant 8 : i32
        "tpu.region"() ({
          %run_scoped3A_270 = tpu.sem_alloc : memref<!tpu.dma_semaphore, #tpu.memory_space<semaphore_mem>>
          %dma_start3A_271 = arith.constant 0 : i32
          %dma_start3A_272 = tpu.memref_slice %arg12[%run_scoped3A_170, %dma_start3A_271] : memref<16x128xi32, #tpu.memory_space<vmem>> -> memref<1x128xi32, #tpu.memory_space<vmem>>
          %dma_start3A_273 = tpu.memref_squeeze %dma_start3A_272 : memref<1x128xi32, #tpu.memory_space<vmem>> -> memref<128xi32, #tpu.memory_space<vmem>>
          %dma_start3A_274 = arith.constant 0 : i32
          %dma_start3A_275 = arith.constant 0 : i32
          %dma_start3A_276 = tpu.memref_slice %arg16[%dma_start3A_274, %dma_start3A_275] : memref<10112x128xf32, #tpu.memory_space<vmem_shared>> -> memref<10112x128xf32, #tpu.memory_space<vmem_shared>>
          tpu.enqueue_indirect_dma source(%arg13 : memref<128x128xf32, #tpu.memory_space<vmem>>) target(%dma_start3A_276 : memref<10112x128xf32, #tpu.memory_space<vmem_shared>>) offsets(%dma_start3A_273 : memref<128xi32, #tpu.memory_space<vmem>>) semaphore(%run_scoped3A_270 : memref<!tpu.dma_semaphore, #tpu.memory_space<semaphore_mem>>) {add = true}
          %dma_wait3A_277 = arith.constant 0 : i32
          %dma_wait3A_278 = tpu.memref_slice %arg12[%run_scoped3A_170, %dma_wait3A_277] : memref<16x128xi32, #tpu.memory_space<vmem>> -> memref<1x128xi32, #tpu.memory_space<vmem>>
          %dma_wait3A_279 = tpu.memref_squeeze %dma_wait3A_278 : memref<1x128xi32, #tpu.memory_space<vmem>> -> memref<128xi32, #tpu.memory_space<vmem>>
          %dma_wait3A_280 = arith.constant 0 : i32
          %dma_wait3A_281 = arith.constant 0 : i32
          %dma_wait3A_282 = tpu.memref_slice %arg16[%dma_wait3A_280, %dma_wait3A_281] : memref<10112x128xf32, #tpu.memory_space<vmem_shared>> -> memref<10112x128xf32, #tpu.memory_space<vmem_shared>>
          tpu.wait_indirect_dma semaphore(%run_scoped3A_270 : memref<!tpu.dma_semaphore, #tpu.memory_space<semaphore_mem>>) src(%arg13 : memref<128x128xf32, #tpu.memory_space<vmem>>) dst(%dma_wait3A_282 : memref<10112x128xf32, #tpu.memory_space<vmem_shared>>)
          tpu.yield
        }) : () -> ()
        %dma_start3A_171 = arith.constant 10 : i32
        %dma_start3A_172 = arith.constant 0 : i32
        %dma_start3A_173 = tpu.memref_slice %arg11[%dma_start3A_171, %dma_start3A_172] : memref<16x128xi32, #tpu.memory_space<vmem>> -> memref<1x128xi32, #tpu.memory_space<vmem>>
        %dma_start3A_174 = tpu.memref_squeeze %dma_start3A_173 : memref<1x128xi32, #tpu.memory_space<vmem>> -> memref<128xi32, #tpu.memory_space<vmem>>
        %dma_start3A_175 = arith.constant 0 : i32
        %dma_start3A_176 = arith.constant 0 : i32
        %dma_start3A_177 = tpu.memref_slice %arg3[%dma_start3A_175, %dma_start3A_176] : memref<10000x128xf32, #tpu.memory_space<hbm>> -> memref<10000x128xf32, #tpu.memory_space<hbm>>
        tpu.enqueue_indirect_dma source(%dma_start3A_177 : memref<10000x128xf32, #tpu.memory_space<hbm>>) target(%arg13 : memref<128x128xf32, #tpu.memory_space<vmem>>) offsets(%dma_start3A_174 : memref<128xi32, #tpu.memory_space<vmem>>) semaphore(%arg17 : memref<!tpu.dma_semaphore, #tpu.memory_space<semaphore_mem>>)
        %dma_wait3A_178 = arith.constant 9 : i32
        %dma_wait3A_179 = arith.constant 0 : i32
        %dma_wait3A_180 = tpu.memref_slice %arg11[%dma_wait3A_178, %dma_wait3A_179] : memref<16x128xi32, #tpu.memory_space<vmem>> -> memref<1x128xi32, #tpu.memory_space<vmem>>
        %dma_wait3A_181 = tpu.memref_squeeze %dma_wait3A_180 : memref<1x128xi32, #tpu.memory_space<vmem>> -> memref<128xi32, #tpu.memory_space<vmem>>
        %dma_wait3A_182 = arith.constant 0 : i32
        %dma_wait3A_183 = arith.constant 0 : i32
        %dma_wait3A_184 = tpu.memref_slice %arg3[%dma_wait3A_182, %dma_wait3A_183] : memref<10000x128xf32, #tpu.memory_space<hbm>> -> memref<10000x128xf32, #tpu.memory_space<hbm>>
        tpu.wait_indirect_dma semaphore(%arg18 : memref<!tpu.dma_semaphore, #tpu.memory_space<semaphore_mem>>) src(%dma_wait3A_184 : memref<10000x128xf32, #tpu.memory_space<hbm>>) dst(%arg14 : memref<128x128xf32, #tpu.memory_space<vmem>>)
        %run_scoped3A_185 = arith.constant 9 : i32
        "tpu.region"() ({
          %run_scoped3A_270 = tpu.sem_alloc : memref<!tpu.dma_semaphore, #tpu.memory_space<semaphore_mem>>
          %dma_start3A_271 = arith.constant 0 : i32
          %dma_start3A_272 = tpu.memref_slice %arg12[%run_scoped3A_185, %dma_start3A_271] : memref<16x128xi32, #tpu.memory_space<vmem>> -> memref<1x128xi32, #tpu.memory_space<vmem>>
          %dma_start3A_273 = tpu.memref_squeeze %dma_start3A_272 : memref<1x128xi32, #tpu.memory_space<vmem>> -> memref<128xi32, #tpu.memory_space<vmem>>
          %dma_start3A_274 = arith.constant 0 : i32
          %dma_start3A_275 = arith.constant 0 : i32
          %dma_start3A_276 = tpu.memref_slice %arg16[%dma_start3A_274, %dma_start3A_275] : memref<10112x128xf32, #tpu.memory_space<vmem_shared>> -> memref<10112x128xf32, #tpu.memory_space<vmem_shared>>
          tpu.enqueue_indirect_dma source(%arg14 : memref<128x128xf32, #tpu.memory_space<vmem>>) target(%dma_start3A_276 : memref<10112x128xf32, #tpu.memory_space<vmem_shared>>) offsets(%dma_start3A_273 : memref<128xi32, #tpu.memory_space<vmem>>) semaphore(%run_scoped3A_270 : memref<!tpu.dma_semaphore, #tpu.memory_space<semaphore_mem>>) {add = true}
          %dma_wait3A_277 = arith.constant 0 : i32
          %dma_wait3A_278 = tpu.memref_slice %arg12[%run_scoped3A_185, %dma_wait3A_277] : memref<16x128xi32, #tpu.memory_space<vmem>> -> memref<1x128xi32, #tpu.memory_space<vmem>>
          %dma_wait3A_279 = tpu.memref_squeeze %dma_wait3A_278 : memref<1x128xi32, #tpu.memory_space<vmem>> -> memref<128xi32, #tpu.memory_space<vmem>>
          %dma_wait3A_280 = arith.constant 0 : i32
          %dma_wait3A_281 = arith.constant 0 : i32
          %dma_wait3A_282 = tpu.memref_slice %arg16[%dma_wait3A_280, %dma_wait3A_281] : memref<10112x128xf32, #tpu.memory_space<vmem_shared>> -> memref<10112x128xf32, #tpu.memory_space<vmem_shared>>
          tpu.wait_indirect_dma semaphore(%run_scoped3A_270 : memref<!tpu.dma_semaphore, #tpu.memory_space<semaphore_mem>>) src(%arg14 : memref<128x128xf32, #tpu.memory_space<vmem>>) dst(%dma_wait3A_282 : memref<10112x128xf32, #tpu.memory_space<vmem_shared>>)
          tpu.yield
        }) : () -> ()
        %dma_start3A_186 = arith.constant 11 : i32
        %dma_start3A_187 = arith.constant 0 : i32
        %dma_start3A_188 = tpu.memref_slice %arg11[%dma_start3A_186, %dma_start3A_187] : memref<16x128xi32, #tpu.memory_space<vmem>> -> memref<1x128xi32, #tpu.memory_space<vmem>>
        %dma_start3A_189 = tpu.memref_squeeze %dma_start3A_188 : memref<1x128xi32, #tpu.memory_space<vmem>> -> memref<128xi32, #tpu.memory_space<vmem>>
        %dma_start3A_190 = arith.constant 0 : i32
        %dma_start3A_191 = arith.constant 0 : i32
        %dma_start3A_192 = tpu.memref_slice %arg3[%dma_start3A_190, %dma_start3A_191] : memref<10000x128xf32, #tpu.memory_space<hbm>> -> memref<10000x128xf32, #tpu.memory_space<hbm>>
        tpu.enqueue_indirect_dma source(%dma_start3A_192 : memref<10000x128xf32, #tpu.memory_space<hbm>>) target(%arg14 : memref<128x128xf32, #tpu.memory_space<vmem>>) offsets(%dma_start3A_189 : memref<128xi32, #tpu.memory_space<vmem>>) semaphore(%arg18 : memref<!tpu.dma_semaphore, #tpu.memory_space<semaphore_mem>>)
        %dma_wait3A_193 = arith.constant 10 : i32
        %dma_wait3A_194 = arith.constant 0 : i32
        %dma_wait3A_195 = tpu.memref_slice %arg11[%dma_wait3A_193, %dma_wait3A_194] : memref<16x128xi32, #tpu.memory_space<vmem>> -> memref<1x128xi32, #tpu.memory_space<vmem>>
        %dma_wait3A_196 = tpu.memref_squeeze %dma_wait3A_195 : memref<1x128xi32, #tpu.memory_space<vmem>> -> memref<128xi32, #tpu.memory_space<vmem>>
        %dma_wait3A_197 = arith.constant 0 : i32
        %dma_wait3A_198 = arith.constant 0 : i32
        %dma_wait3A_199 = tpu.memref_slice %arg3[%dma_wait3A_197, %dma_wait3A_198] : memref<10000x128xf32, #tpu.memory_space<hbm>> -> memref<10000x128xf32, #tpu.memory_space<hbm>>
        tpu.wait_indirect_dma semaphore(%arg17 : memref<!tpu.dma_semaphore, #tpu.memory_space<semaphore_mem>>) src(%dma_wait3A_199 : memref<10000x128xf32, #tpu.memory_space<hbm>>) dst(%arg13 : memref<128x128xf32, #tpu.memory_space<vmem>>)
        %run_scoped3A_200 = arith.constant 10 : i32
        "tpu.region"() ({
          %run_scoped3A_270 = tpu.sem_alloc : memref<!tpu.dma_semaphore, #tpu.memory_space<semaphore_mem>>
          %dma_start3A_271 = arith.constant 0 : i32
          %dma_start3A_272 = tpu.memref_slice %arg12[%run_scoped3A_200, %dma_start3A_271] : memref<16x128xi32, #tpu.memory_space<vmem>> -> memref<1x128xi32, #tpu.memory_space<vmem>>
          %dma_start3A_273 = tpu.memref_squeeze %dma_start3A_272 : memref<1x128xi32, #tpu.memory_space<vmem>> -> memref<128xi32, #tpu.memory_space<vmem>>
          %dma_start3A_274 = arith.constant 0 : i32
          %dma_start3A_275 = arith.constant 0 : i32
          %dma_start3A_276 = tpu.memref_slice %arg16[%dma_start3A_274, %dma_start3A_275] : memref<10112x128xf32, #tpu.memory_space<vmem_shared>> -> memref<10112x128xf32, #tpu.memory_space<vmem_shared>>
          tpu.enqueue_indirect_dma source(%arg13 : memref<128x128xf32, #tpu.memory_space<vmem>>) target(%dma_start3A_276 : memref<10112x128xf32, #tpu.memory_space<vmem_shared>>) offsets(%dma_start3A_273 : memref<128xi32, #tpu.memory_space<vmem>>) semaphore(%run_scoped3A_270 : memref<!tpu.dma_semaphore, #tpu.memory_space<semaphore_mem>>) {add = true}
          %dma_wait3A_277 = arith.constant 0 : i32
          %dma_wait3A_278 = tpu.memref_slice %arg12[%run_scoped3A_200, %dma_wait3A_277] : memref<16x128xi32, #tpu.memory_space<vmem>> -> memref<1x128xi32, #tpu.memory_space<vmem>>
          %dma_wait3A_279 = tpu.memref_squeeze %dma_wait3A_278 : memref<1x128xi32, #tpu.memory_space<vmem>> -> memref<128xi32, #tpu.memory_space<vmem>>
          %dma_wait3A_280 = arith.constant 0 : i32
          %dma_wait3A_281 = arith.constant 0 : i32
          %dma_wait3A_282 = tpu.memref_slice %arg16[%dma_wait3A_280, %dma_wait3A_281] : memref<10112x128xf32, #tpu.memory_space<vmem_shared>> -> memref<10112x128xf32, #tpu.memory_space<vmem_shared>>
          tpu.wait_indirect_dma semaphore(%run_scoped3A_270 : memref<!tpu.dma_semaphore, #tpu.memory_space<semaphore_mem>>) src(%arg13 : memref<128x128xf32, #tpu.memory_space<vmem>>) dst(%dma_wait3A_282 : memref<10112x128xf32, #tpu.memory_space<vmem_shared>>)
          tpu.yield
        }) : () -> ()
        %dma_start3A_201 = arith.constant 12 : i32
        %dma_start3A_202 = arith.constant 0 : i32
        %dma_start3A_203 = tpu.memref_slice %arg11[%dma_start3A_201, %dma_start3A_202] : memref<16x128xi32, #tpu.memory_space<vmem>> -> memref<1x128xi32, #tpu.memory_space<vmem>>
        %dma_start3A_204 = tpu.memref_squeeze %dma_start3A_203 : memref<1x128xi32, #tpu.memory_space<vmem>> -> memref<128xi32, #tpu.memory_space<vmem>>
        %dma_start3A_205 = arith.constant 0 : i32
        %dma_start3A_206 = arith.constant 0 : i32
        %dma_start3A_207 = tpu.memref_slice %arg3[%dma_start3A_205, %dma_start3A_206] : memref<10000x128xf32, #tpu.memory_space<hbm>> -> memref<10000x128xf32, #tpu.memory_space<hbm>>
        tpu.enqueue_indirect_dma source(%dma_start3A_207 : memref<10000x128xf32, #tpu.memory_space<hbm>>) target(%arg13 : memref<128x128xf32, #tpu.memory_space<vmem>>) offsets(%dma_start3A_204 : memref<128xi32, #tpu.memory_space<vmem>>) semaphore(%arg17 : memref<!tpu.dma_semaphore, #tpu.memory_space<semaphore_mem>>)
        %dma_wait3A_208 = arith.constant 11 : i32
        %dma_wait3A_209 = arith.constant 0 : i32
        %dma_wait3A_210 = tpu.memref_slice %arg11[%dma_wait3A_208, %dma_wait3A_209] : memref<16x128xi32, #tpu.memory_space<vmem>> -> memref<1x128xi32, #tpu.memory_space<vmem>>
        %dma_wait3A_211 = tpu.memref_squeeze %dma_wait3A_210 : memref<1x128xi32, #tpu.memory_space<vmem>> -> memref<128xi32, #tpu.memory_space<vmem>>
        %dma_wait3A_212 = arith.constant 0 : i32
        %dma_wait3A_213 = arith.constant 0 : i32
        %dma_wait3A_214 = tpu.memref_slice %arg3[%dma_wait3A_212, %dma_wait3A_213] : memref<10000x128xf32, #tpu.memory_space<hbm>> -> memref<10000x128xf32, #tpu.memory_space<hbm>>
        tpu.wait_indirect_dma semaphore(%arg18 : memref<!tpu.dma_semaphore, #tpu.memory_space<semaphore_mem>>) src(%dma_wait3A_214 : memref<10000x128xf32, #tpu.memory_space<hbm>>) dst(%arg14 : memref<128x128xf32, #tpu.memory_space<vmem>>)
        %run_scoped3A_215 = arith.constant 11 : i32
        "tpu.region"() ({
          %run_scoped3A_270 = tpu.sem_alloc : memref<!tpu.dma_semaphore, #tpu.memory_space<semaphore_mem>>
          %dma_start3A_271 = arith.constant 0 : i32
          %dma_start3A_272 = tpu.memref_slice %arg12[%run_scoped3A_215, %dma_start3A_271] : memref<16x128xi32, #tpu.memory_space<vmem>> -> memref<1x128xi32, #tpu.memory_space<vmem>>
          %dma_start3A_273 = tpu.memref_squeeze %dma_start3A_272 : memref<1x128xi32, #tpu.memory_space<vmem>> -> memref<128xi32, #tpu.memory_space<vmem>>
          %dma_start3A_274 = arith.constant 0 : i32
          %dma_start3A_275 = arith.constant 0 : i32
          %dma_start3A_276 = tpu.memref_slice %arg16[%dma_start3A_274, %dma_start3A_275] : memref<10112x128xf32, #tpu.memory_space<vmem_shared>> -> memref<10112x128xf32, #tpu.memory_space<vmem_shared>>
          tpu.enqueue_indirect_dma source(%arg14 : memref<128x128xf32, #tpu.memory_space<vmem>>) target(%dma_start3A_276 : memref<10112x128xf32, #tpu.memory_space<vmem_shared>>) offsets(%dma_start3A_273 : memref<128xi32, #tpu.memory_space<vmem>>) semaphore(%run_scoped3A_270 : memref<!tpu.dma_semaphore, #tpu.memory_space<semaphore_mem>>) {add = true}
          %dma_wait3A_277 = arith.constant 0 : i32
          %dma_wait3A_278 = tpu.memref_slice %arg12[%run_scoped3A_215, %dma_wait3A_277] : memref<16x128xi32, #tpu.memory_space<vmem>> -> memref<1x128xi32, #tpu.memory_space<vmem>>
          %dma_wait3A_279 = tpu.memref_squeeze %dma_wait3A_278 : memref<1x128xi32, #tpu.memory_space<vmem>> -> memref<128xi32, #tpu.memory_space<vmem>>
          %dma_wait3A_280 = arith.constant 0 : i32
          %dma_wait3A_281 = arith.constant 0 : i32
          %dma_wait3A_282 = tpu.memref_slice %arg16[%dma_wait3A_280, %dma_wait3A_281] : memref<10112x128xf32, #tpu.memory_space<vmem_shared>> -> memref<10112x128xf32, #tpu.memory_space<vmem_shared>>
          tpu.wait_indirect_dma semaphore(%run_scoped3A_270 : memref<!tpu.dma_semaphore, #tpu.memory_space<semaphore_mem>>) src(%arg14 : memref<128x128xf32, #tpu.memory_space<vmem>>) dst(%dma_wait3A_282 : memref<10112x128xf32, #tpu.memory_space<vmem_shared>>)
          tpu.yield
        }) : () -> ()
        %dma_start3A_216 = arith.constant 13 : i32
        %dma_start3A_217 = arith.constant 0 : i32
        %dma_start3A_218 = tpu.memref_slice %arg11[%dma_start3A_216, %dma_start3A_217] : memref<16x128xi32, #tpu.memory_space<vmem>> -> memref<1x128xi32, #tpu.memory_space<vmem>>
        %dma_start3A_219 = tpu.memref_squeeze %dma_start3A_218 : memref<1x128xi32, #tpu.memory_space<vmem>> -> memref<128xi32, #tpu.memory_space<vmem>>
        %dma_start3A_220 = arith.constant 0 : i32
        %dma_start3A_221 = arith.constant 0 : i32
        %dma_start3A_222 = tpu.memref_slice %arg3[%dma_start3A_220, %dma_start3A_221] : memref<10000x128xf32, #tpu.memory_space<hbm>> -> memref<10000x128xf32, #tpu.memory_space<hbm>>
        tpu.enqueue_indirect_dma source(%dma_start3A_222 : memref<10000x128xf32, #tpu.memory_space<hbm>>) target(%arg14 : memref<128x128xf32, #tpu.memory_space<vmem>>) offsets(%dma_start3A_219 : memref<128xi32, #tpu.memory_space<vmem>>) semaphore(%arg18 : memref<!tpu.dma_semaphore, #tpu.memory_space<semaphore_mem>>)
        %dma_wait3A_223 = arith.constant 12 : i32
        %dma_wait3A_224 = arith.constant 0 : i32
        %dma_wait3A_225 = tpu.memref_slice %arg11[%dma_wait3A_223, %dma_wait3A_224] : memref<16x128xi32, #tpu.memory_space<vmem>> -> memref<1x128xi32, #tpu.memory_space<vmem>>
        %dma_wait3A_226 = tpu.memref_squeeze %dma_wait3A_225 : memref<1x128xi32, #tpu.memory_space<vmem>> -> memref<128xi32, #tpu.memory_space<vmem>>
        %dma_wait3A_227 = arith.constant 0 : i32
        %dma_wait3A_228 = arith.constant 0 : i32
        %dma_wait3A_229 = tpu.memref_slice %arg3[%dma_wait3A_227, %dma_wait3A_228] : memref<10000x128xf32, #tpu.memory_space<hbm>> -> memref<10000x128xf32, #tpu.memory_space<hbm>>
        tpu.wait_indirect_dma semaphore(%arg17 : memref<!tpu.dma_semaphore, #tpu.memory_space<semaphore_mem>>) src(%dma_wait3A_229 : memref<10000x128xf32, #tpu.memory_space<hbm>>) dst(%arg13 : memref<128x128xf32, #tpu.memory_space<vmem>>)
        %run_scoped3A_230 = arith.constant 12 : i32
        "tpu.region"() ({
          %run_scoped3A_270 = tpu.sem_alloc : memref<!tpu.dma_semaphore, #tpu.memory_space<semaphore_mem>>
          %dma_start3A_271 = arith.constant 0 : i32
          %dma_start3A_272 = tpu.memref_slice %arg12[%run_scoped3A_230, %dma_start3A_271] : memref<16x128xi32, #tpu.memory_space<vmem>> -> memref<1x128xi32, #tpu.memory_space<vmem>>
          %dma_start3A_273 = tpu.memref_squeeze %dma_start3A_272 : memref<1x128xi32, #tpu.memory_space<vmem>> -> memref<128xi32, #tpu.memory_space<vmem>>
          %dma_start3A_274 = arith.constant 0 : i32
          %dma_start3A_275 = arith.constant 0 : i32
          %dma_start3A_276 = tpu.memref_slice %arg16[%dma_start3A_274, %dma_start3A_275] : memref<10112x128xf32, #tpu.memory_space<vmem_shared>> -> memref<10112x128xf32, #tpu.memory_space<vmem_shared>>
          tpu.enqueue_indirect_dma source(%arg13 : memref<128x128xf32, #tpu.memory_space<vmem>>) target(%dma_start3A_276 : memref<10112x128xf32, #tpu.memory_space<vmem_shared>>) offsets(%dma_start3A_273 : memref<128xi32, #tpu.memory_space<vmem>>) semaphore(%run_scoped3A_270 : memref<!tpu.dma_semaphore, #tpu.memory_space<semaphore_mem>>) {add = true}
          %dma_wait3A_277 = arith.constant 0 : i32
          %dma_wait3A_278 = tpu.memref_slice %arg12[%run_scoped3A_230, %dma_wait3A_277] : memref<16x128xi32, #tpu.memory_space<vmem>> -> memref<1x128xi32, #tpu.memory_space<vmem>>
          %dma_wait3A_279 = tpu.memref_squeeze %dma_wait3A_278 : memref<1x128xi32, #tpu.memory_space<vmem>> -> memref<128xi32, #tpu.memory_space<vmem>>
          %dma_wait3A_280 = arith.constant 0 : i32
          %dma_wait3A_281 = arith.constant 0 : i32
          %dma_wait3A_282 = tpu.memref_slice %arg16[%dma_wait3A_280, %dma_wait3A_281] : memref<10112x128xf32, #tpu.memory_space<vmem_shared>> -> memref<10112x128xf32, #tpu.memory_space<vmem_shared>>
          tpu.wait_indirect_dma semaphore(%run_scoped3A_270 : memref<!tpu.dma_semaphore, #tpu.memory_space<semaphore_mem>>) src(%arg13 : memref<128x128xf32, #tpu.memory_space<vmem>>) dst(%dma_wait3A_282 : memref<10112x128xf32, #tpu.memory_space<vmem_shared>>)
          tpu.yield
        }) : () -> ()
        %dma_start3A_231 = arith.constant 14 : i32
        %dma_start3A_232 = arith.constant 0 : i32
        %dma_start3A_233 = tpu.memref_slice %arg11[%dma_start3A_231, %dma_start3A_232] : memref<16x128xi32, #tpu.memory_space<vmem>> -> memref<1x128xi32, #tpu.memory_space<vmem>>
        %dma_start3A_234 = tpu.memref_squeeze %dma_start3A_233 : memref<1x128xi32, #tpu.memory_space<vmem>> -> memref<128xi32, #tpu.memory_space<vmem>>
        %dma_start3A_235 = arith.constant 0 : i32
        %dma_start3A_236 = arith.constant 0 : i32
        %dma_start3A_237 = tpu.memref_slice %arg3[%dma_start3A_235, %dma_start3A_236] : memref<10000x128xf32, #tpu.memory_space<hbm>> -> memref<10000x128xf32, #tpu.memory_space<hbm>>
        tpu.enqueue_indirect_dma source(%dma_start3A_237 : memref<10000x128xf32, #tpu.memory_space<hbm>>) target(%arg13 : memref<128x128xf32, #tpu.memory_space<vmem>>) offsets(%dma_start3A_234 : memref<128xi32, #tpu.memory_space<vmem>>) semaphore(%arg17 : memref<!tpu.dma_semaphore, #tpu.memory_space<semaphore_mem>>)
        %dma_wait3A_238 = arith.constant 13 : i32
        %dma_wait3A_239 = arith.constant 0 : i32
        %dma_wait3A_240 = tpu.memref_slice %arg11[%dma_wait3A_238, %dma_wait3A_239] : memref<16x128xi32, #tpu.memory_space<vmem>> -> memref<1x128xi32, #tpu.memory_space<vmem>>
        %dma_wait3A_241 = tpu.memref_squeeze %dma_wait3A_240 : memref<1x128xi32, #tpu.memory_space<vmem>> -> memref<128xi32, #tpu.memory_space<vmem>>
        %dma_wait3A_242 = arith.constant 0 : i32
        %dma_wait3A_243 = arith.constant 0 : i32
        %dma_wait3A_244 = tpu.memref_slice %arg3[%dma_wait3A_242, %dma_wait3A_243] : memref<10000x128xf32, #tpu.memory_space<hbm>> -> memref<10000x128xf32, #tpu.memory_space<hbm>>
        tpu.wait_indirect_dma semaphore(%arg18 : memref<!tpu.dma_semaphore, #tpu.memory_space<semaphore_mem>>) src(%dma_wait3A_244 : memref<10000x128xf32, #tpu.memory_space<hbm>>) dst(%arg14 : memref<128x128xf32, #tpu.memory_space<vmem>>)
        %run_scoped3A_245 = arith.constant 13 : i32
        "tpu.region"() ({
          %run_scoped3A_270 = tpu.sem_alloc : memref<!tpu.dma_semaphore, #tpu.memory_space<semaphore_mem>>
          %dma_start3A_271 = arith.constant 0 : i32
          %dma_start3A_272 = tpu.memref_slice %arg12[%run_scoped3A_245, %dma_start3A_271] : memref<16x128xi32, #tpu.memory_space<vmem>> -> memref<1x128xi32, #tpu.memory_space<vmem>>
          %dma_start3A_273 = tpu.memref_squeeze %dma_start3A_272 : memref<1x128xi32, #tpu.memory_space<vmem>> -> memref<128xi32, #tpu.memory_space<vmem>>
          %dma_start3A_274 = arith.constant 0 : i32
          %dma_start3A_275 = arith.constant 0 : i32
          %dma_start3A_276 = tpu.memref_slice %arg16[%dma_start3A_274, %dma_start3A_275] : memref<10112x128xf32, #tpu.memory_space<vmem_shared>> -> memref<10112x128xf32, #tpu.memory_space<vmem_shared>>
          tpu.enqueue_indirect_dma source(%arg14 : memref<128x128xf32, #tpu.memory_space<vmem>>) target(%dma_start3A_276 : memref<10112x128xf32, #tpu.memory_space<vmem_shared>>) offsets(%dma_start3A_273 : memref<128xi32, #tpu.memory_space<vmem>>) semaphore(%run_scoped3A_270 : memref<!tpu.dma_semaphore, #tpu.memory_space<semaphore_mem>>) {add = true}
          %dma_wait3A_277 = arith.constant 0 : i32
          %dma_wait3A_278 = tpu.memref_slice %arg12[%run_scoped3A_245, %dma_wait3A_277] : memref<16x128xi32, #tpu.memory_space<vmem>> -> memref<1x128xi32, #tpu.memory_space<vmem>>
          %dma_wait3A_279 = tpu.memref_squeeze %dma_wait3A_278 : memref<1x128xi32, #tpu.memory_space<vmem>> -> memref<128xi32, #tpu.memory_space<vmem>>
          %dma_wait3A_280 = arith.constant 0 : i32
          %dma_wait3A_281 = arith.constant 0 : i32
          %dma_wait3A_282 = tpu.memref_slice %arg16[%dma_wait3A_280, %dma_wait3A_281] : memref<10112x128xf32, #tpu.memory_space<vmem_shared>> -> memref<10112x128xf32, #tpu.memory_space<vmem_shared>>
          tpu.wait_indirect_dma semaphore(%run_scoped3A_270 : memref<!tpu.dma_semaphore, #tpu.memory_space<semaphore_mem>>) src(%arg14 : memref<128x128xf32, #tpu.memory_space<vmem>>) dst(%dma_wait3A_282 : memref<10112x128xf32, #tpu.memory_space<vmem_shared>>)
          tpu.yield
        }) : () -> ()
        %dma_start3A_246 = arith.constant 15 : i32
        %dma_start3A_247 = arith.constant 0 : i32
        %dma_start3A_248 = tpu.memref_slice %arg11[%dma_start3A_246, %dma_start3A_247] : memref<16x128xi32, #tpu.memory_space<vmem>> -> memref<1x128xi32, #tpu.memory_space<vmem>>
        %dma_start3A_249 = tpu.memref_squeeze %dma_start3A_248 : memref<1x128xi32, #tpu.memory_space<vmem>> -> memref<128xi32, #tpu.memory_space<vmem>>
        %dma_start3A_250 = arith.constant 0 : i32
        %dma_start3A_251 = arith.constant 0 : i32
        %dma_start3A_252 = tpu.memref_slice %arg3[%dma_start3A_250, %dma_start3A_251] : memref<10000x128xf32, #tpu.memory_space<hbm>> -> memref<10000x128xf32, #tpu.memory_space<hbm>>
        tpu.enqueue_indirect_dma source(%dma_start3A_252 : memref<10000x128xf32, #tpu.memory_space<hbm>>) target(%arg14 : memref<128x128xf32, #tpu.memory_space<vmem>>) offsets(%dma_start3A_249 : memref<128xi32, #tpu.memory_space<vmem>>) semaphore(%arg18 : memref<!tpu.dma_semaphore, #tpu.memory_space<semaphore_mem>>)
        %dma_wait3A_253 = arith.constant 14 : i32
        %dma_wait3A_254 = arith.constant 0 : i32
        %dma_wait3A_255 = tpu.memref_slice %arg11[%dma_wait3A_253, %dma_wait3A_254] : memref<16x128xi32, #tpu.memory_space<vmem>> -> memref<1x128xi32, #tpu.memory_space<vmem>>
        %dma_wait3A_256 = tpu.memref_squeeze %dma_wait3A_255 : memref<1x128xi32, #tpu.memory_space<vmem>> -> memref<128xi32, #tpu.memory_space<vmem>>
        %dma_wait3A_257 = arith.constant 0 : i32
        %dma_wait3A_258 = arith.constant 0 : i32
        %dma_wait3A_259 = tpu.memref_slice %arg3[%dma_wait3A_257, %dma_wait3A_258] : memref<10000x128xf32, #tpu.memory_space<hbm>> -> memref<10000x128xf32, #tpu.memory_space<hbm>>
        tpu.wait_indirect_dma semaphore(%arg17 : memref<!tpu.dma_semaphore, #tpu.memory_space<semaphore_mem>>) src(%dma_wait3A_259 : memref<10000x128xf32, #tpu.memory_space<hbm>>) dst(%arg13 : memref<128x128xf32, #tpu.memory_space<vmem>>)
        %run_scoped3A_260 = arith.constant 14 : i32
        "tpu.region"() ({
          %run_scoped3A_270 = tpu.sem_alloc : memref<!tpu.dma_semaphore, #tpu.memory_space<semaphore_mem>>
          %dma_start3A_271 = arith.constant 0 : i32
          %dma_start3A_272 = tpu.memref_slice %arg12[%run_scoped3A_260, %dma_start3A_271] : memref<16x128xi32, #tpu.memory_space<vmem>> -> memref<1x128xi32, #tpu.memory_space<vmem>>
          %dma_start3A_273 = tpu.memref_squeeze %dma_start3A_272 : memref<1x128xi32, #tpu.memory_space<vmem>> -> memref<128xi32, #tpu.memory_space<vmem>>
          %dma_start3A_274 = arith.constant 0 : i32
          %dma_start3A_275 = arith.constant 0 : i32
          %dma_start3A_276 = tpu.memref_slice %arg16[%dma_start3A_274, %dma_start3A_275] : memref<10112x128xf32, #tpu.memory_space<vmem_shared>> -> memref<10112x128xf32, #tpu.memory_space<vmem_shared>>
          tpu.enqueue_indirect_dma source(%arg13 : memref<128x128xf32, #tpu.memory_space<vmem>>) target(%dma_start3A_276 : memref<10112x128xf32, #tpu.memory_space<vmem_shared>>) offsets(%dma_start3A_273 : memref<128xi32, #tpu.memory_space<vmem>>) semaphore(%run_scoped3A_270 : memref<!tpu.dma_semaphore, #tpu.memory_space<semaphore_mem>>) {add = true}
          %dma_wait3A_277 = arith.constant 0 : i32
          %dma_wait3A_278 = tpu.memref_slice %arg12[%run_scoped3A_260, %dma_wait3A_277] : memref<16x128xi32, #tpu.memory_space<vmem>> -> memref<1x128xi32, #tpu.memory_space<vmem>>
          %dma_wait3A_279 = tpu.memref_squeeze %dma_wait3A_278 : memref<1x128xi32, #tpu.memory_space<vmem>> -> memref<128xi32, #tpu.memory_space<vmem>>
          %dma_wait3A_280 = arith.constant 0 : i32
          %dma_wait3A_281 = arith.constant 0 : i32
          %dma_wait3A_282 = tpu.memref_slice %arg16[%dma_wait3A_280, %dma_wait3A_281] : memref<10112x128xf32, #tpu.memory_space<vmem_shared>> -> memref<10112x128xf32, #tpu.memory_space<vmem_shared>>
          tpu.wait_indirect_dma semaphore(%run_scoped3A_270 : memref<!tpu.dma_semaphore, #tpu.memory_space<semaphore_mem>>) src(%arg13 : memref<128x128xf32, #tpu.memory_space<vmem>>) dst(%dma_wait3A_282 : memref<10112x128xf32, #tpu.memory_space<vmem_shared>>)
          tpu.yield
        }) : () -> ()
        %dma_wait3A_261 = arith.constant 15 : i32
        %dma_wait3A_262 = arith.constant 0 : i32
        %dma_wait3A_263 = tpu.memref_slice %arg11[%dma_wait3A_261, %dma_wait3A_262] : memref<16x128xi32, #tpu.memory_space<vmem>> -> memref<1x128xi32, #tpu.memory_space<vmem>>
        %dma_wait3A_264 = tpu.memref_squeeze %dma_wait3A_263 : memref<1x128xi32, #tpu.memory_space<vmem>> -> memref<128xi32, #tpu.memory_space<vmem>>
        %dma_wait3A_265 = arith.constant 0 : i32
        %dma_wait3A_266 = arith.constant 0 : i32
        %dma_wait3A_267 = tpu.memref_slice %arg3[%dma_wait3A_265, %dma_wait3A_266] : memref<10000x128xf32, #tpu.memory_space<hbm>> -> memref<10000x128xf32, #tpu.memory_space<hbm>>
        tpu.wait_indirect_dma semaphore(%arg18 : memref<!tpu.dma_semaphore, #tpu.memory_space<semaphore_mem>>) src(%dma_wait3A_267 : memref<10000x128xf32, #tpu.memory_space<hbm>>) dst(%arg14 : memref<128x128xf32, #tpu.memory_space<vmem>>)
        %run_scoped3A_268 = arith.constant 15 : i32
        "tpu.region"() ({
          %run_scoped3A_270 = tpu.sem_alloc : memref<!tpu.dma_semaphore, #tpu.memory_space<semaphore_mem>>
          %dma_start3A_271 = arith.constant 0 : i32
          %dma_start3A_272 = tpu.memref_slice %arg12[%run_scoped3A_268, %dma_start3A_271] : memref<16x128xi32, #tpu.memory_space<vmem>> -> memref<1x128xi32, #tpu.memory_space<vmem>>
          %dma_start3A_273 = tpu.memref_squeeze %dma_start3A_272 : memref<1x128xi32, #tpu.memory_space<vmem>> -> memref<128xi32, #tpu.memory_space<vmem>>
          %dma_start3A_274 = arith.constant 0 : i32
          %dma_start3A_275 = arith.constant 0 : i32
          %dma_start3A_276 = tpu.memref_slice %arg16[%dma_start3A_274, %dma_start3A_275] : memref<10112x128xf32, #tpu.memory_space<vmem_shared>> -> memref<10112x128xf32, #tpu.memory_space<vmem_shared>>
          tpu.enqueue_indirect_dma source(%arg14 : memref<128x128xf32, #tpu.memory_space<vmem>>) target(%dma_start3A_276 : memref<10112x128xf32, #tpu.memory_space<vmem_shared>>) offsets(%dma_start3A_273 : memref<128xi32, #tpu.memory_space<vmem>>) semaphore(%run_scoped3A_270 : memref<!tpu.dma_semaphore, #tpu.memory_space<semaphore_mem>>) {add = true}
          %dma_wait3A_277 = arith.constant 0 : i32
          %dma_wait3A_278 = tpu.memref_slice %arg12[%run_scoped3A_268, %dma_wait3A_277] : memref<16x128xi32, #tpu.memory_space<vmem>> -> memref<1x128xi32, #tpu.memory_space<vmem>>
          %dma_wait3A_279 = tpu.memref_squeeze %dma_wait3A_278 : memref<1x128xi32, #tpu.memory_space<vmem>> -> memref<128xi32, #tpu.memory_space<vmem>>
          %dma_wait3A_280 = arith.constant 0 : i32
          %dma_wait3A_281 = arith.constant 0 : i32
          %dma_wait3A_282 = tpu.memref_slice %arg16[%dma_wait3A_280, %dma_wait3A_281] : memref<10112x128xf32, #tpu.memory_space<vmem_shared>> -> memref<10112x128xf32, #tpu.memory_space<vmem_shared>>
          tpu.wait_indirect_dma semaphore(%run_scoped3A_270 : memref<!tpu.dma_semaphore, #tpu.memory_space<semaphore_mem>>) src(%arg14 : memref<128x128xf32, #tpu.memory_space<vmem>>) dst(%dma_wait3A_282 : memref<10112x128xf32, #tpu.memory_space<vmem_shared>>)
          tpu.yield
        }) : () -> ()
        %scan3A_269 = arith.constant 0 : i32
        scf.yield %scan3A_269 : i32
      }
      %scan3A_25 = arith.constant 10 : i32
    } else {
    }
    %barrier3A_9 = arith.constant 0 : index
    tpu.barrier barrier_id(%barrier3A_9)
    %eq3A_10 = arith.constant 0 : i32
    %eq3A_11 = arith.cmpi eq, %arg0, %eq3A_10 : i32
    %convert_element_type3A_12 = arith.extui %eq3A_11 : i1 to i32
    %cond3A_13 = arith.constant 0 : i32
    %cond3A_14 = arith.cmpi ne, %convert_element_type3A_12, %cond3A_13 : i32
    scf.if %cond3A_14 {
      "tpu.region"() ({
        %run_scoped3A = tpu.sem_alloc : memref<!tpu.dma_semaphore, #tpu.memory_space<semaphore_mem>>
        %dma_start3A = arith.constant 0 : i32
        %dma_start3A_22 = tpu.memref_slice %arg8[%mul3A_0, %dma_start3A] : memref<10112x128xf32, #tpu.memory_space<hbm>> -> memref<632x128xf32, #tpu.memory_space<hbm>>
        %dma_start3A_23 = arith.constant 0 : i32
        %dma_start3A_24 = tpu.memref_slice %arg16[%mul3A_0, %dma_start3A_23] : memref<10112x128xf32, #tpu.memory_space<vmem_shared>> -> memref<632x128xf32, #tpu.memory_space<vmem_shared>>
        tpu.enqueue_dma source(%dma_start3A_24 : memref<632x128xf32, #tpu.memory_space<vmem_shared>>) target(%dma_start3A_22 : memref<632x128xf32, #tpu.memory_space<hbm>>) target_semaphore(%run_scoped3A : memref<!tpu.dma_semaphore, #tpu.memory_space<semaphore_mem>>)
        %dma_wait3A = arith.constant 0 : i32
        %dma_wait3A_25 = tpu.memref_slice %arg8[%mul3A_0, %dma_wait3A] : memref<10112x128xf32, #tpu.memory_space<hbm>> -> memref<632x128xf32, #tpu.memory_space<hbm>>
        %dma_wait3A_26 = arith.constant 0 : i32
        %dma_wait3A_27 = tpu.memref_slice %arg16[%mul3A_0, %dma_wait3A_26] : memref<10112x128xf32, #tpu.memory_space<vmem_shared>> -> memref<632x128xf32, #tpu.memory_space<vmem_shared>>
        tpu.wait_dma2 semaphore(%run_scoped3A : memref<!tpu.dma_semaphore, #tpu.memory_space<semaphore_mem>>) src(%dma_wait3A_27 : memref<632x128xf32, #tpu.memory_space<vmem_shared>>) dst(%dma_wait3A_25 : memref<632x128xf32, #tpu.memory_space<hbm>>)
        tpu.yield
      }) : () -> ()
      %mul3A_20 = arith.constant 10112 : i32
      %mul3A_21 = arith.muli %arg1, %mul3A_20 : i32
      "tpu.region"() ({
        %run_scoped3A = tpu.sem_alloc : memref<!tpu.dma_semaphore, #tpu.memory_space<semaphore_mem>>
        %dma_start3A = tpu.memref_slice %arg10[%mul3A_21] : memref<161792xf32, #tpu.memory_space<hbm>> -> memref<10112xf32, #tpu.memory_space<hbm>>
        %dma_start3A_22 = tpu.memref_slice %arg10[%mul3A_21] : memref<161792xf32, #tpu.memory_space<hbm>> -> memref<10112xf32, #tpu.memory_space<hbm>>
        tpu.enqueue_dma source(%arg15 : memref<10112xf32, #tpu.memory_space<vmem>>) target(%dma_start3A_22 : memref<10112xf32, #tpu.memory_space<hbm>>) target_semaphore(%run_scoped3A : memref<!tpu.dma_semaphore, #tpu.memory_space<semaphore_mem>>)
        %dma_wait3A = tpu.memref_slice %arg10[%mul3A_21] : memref<161792xf32, #tpu.memory_space<hbm>> -> memref<10112xf32, #tpu.memory_space<hbm>>
        %dma_wait3A_23 = tpu.memref_slice %arg10[%mul3A_21] : memref<161792xf32, #tpu.memory_space<hbm>> -> memref<10112xf32, #tpu.memory_space<hbm>>
        tpu.wait_dma2 semaphore(%run_scoped3A : memref<!tpu.dma_semaphore, #tpu.memory_space<semaphore_mem>>) src(%arg15 : memref<10112xf32, #tpu.memory_space<vmem>>) dst(%dma_wait3A_23 : memref<10112xf32, #tpu.memory_space<hbm>>)
        tpu.yield
      }) : () -> ()
    } else {
    }
    %eq3A_15 = arith.constant 1 : i32
    %eq3A_16 = arith.cmpi eq, %arg0, %eq3A_15 : i32
    %convert_element_type3A_17 = arith.extui %eq3A_16 : i1 to i32
    %cond3A_18 = arith.constant 0 : i32
    %cond3A_19 = arith.cmpi ne, %convert_element_type3A_17, %cond3A_18 : i32
    scf.if %cond3A_19 {
      "tpu.region"() ({
        %run_scoped3A = tpu.sem_alloc : memref<!tpu.dma_semaphore, #tpu.memory_space<semaphore_mem>>
        %dma_start3A = arith.constant 0 : i32
        %dma_start3A_20 = tpu.memref_slice %arg9[%mul3A_0, %dma_start3A] : memref<10112x128xf32, #tpu.memory_space<hbm>> -> memref<632x128xf32, #tpu.memory_space<hbm>>
        %dma_start3A_21 = arith.constant 0 : i32
        %dma_start3A_22 = tpu.memref_slice %arg16[%mul3A_0, %dma_start3A_21] : memref<10112x128xf32, #tpu.memory_space<vmem_shared>> -> memref<632x128xf32, #tpu.memory_space<vmem_shared>>
        tpu.enqueue_dma source(%dma_start3A_22 : memref<632x128xf32, #tpu.memory_space<vmem_shared>>) target(%dma_start3A_20 : memref<632x128xf32, #tpu.memory_space<hbm>>) target_semaphore(%run_scoped3A : memref<!tpu.dma_semaphore, #tpu.memory_space<semaphore_mem>>)
        %dma_wait3A = arith.constant 0 : i32
        %dma_wait3A_23 = tpu.memref_slice %arg9[%mul3A_0, %dma_wait3A] : memref<10112x128xf32, #tpu.memory_space<hbm>> -> memref<632x128xf32, #tpu.memory_space<hbm>>
        %dma_wait3A_24 = arith.constant 0 : i32
        %dma_wait3A_25 = tpu.memref_slice %arg16[%mul3A_0, %dma_wait3A_24] : memref<10112x128xf32, #tpu.memory_space<vmem_shared>> -> memref<632x128xf32, #tpu.memory_space<vmem_shared>>
        tpu.wait_dma2 semaphore(%run_scoped3A : memref<!tpu.dma_semaphore, #tpu.memory_space<semaphore_mem>>) src(%dma_wait3A_25 : memref<632x128xf32, #tpu.memory_space<vmem_shared>>) dst(%dma_wait3A_23 : memref<632x128xf32, #tpu.memory_space<hbm>>)
        tpu.yield
      }) : () -> ()
    } else {
    }
    return
  }
}

module attributes {stable_mosaic.version = 14 : i64} {
  func.func @_dense_body(%arg0: i32, %arg1: memref<1000x128xf32, #tpu.memory_space<vmem>>, %arg2: memref<1000x128xf32, #tpu.memory_space<vmem>>, %arg3: memref<1000x128xf32, #tpu.memory_space<vmem>>, %arg4: memref<1000x128xf32, #tpu.memory_space<vmem>>, %arg5: memref<1000x16xf32, #tpu.memory_space<vmem>>, %arg6: memref<128x384xf32, #tpu.memory_space<vmem>>, %arg7: memref<128x384xf32, #tpu.memory_space<vmem>>, %arg8: memref<1x384xf32, #tpu.memory_space<vmem>>, %arg9: memref<128x384xf32, #tpu.memory_space<vmem>>, %arg10: memref<128x384xf32, #tpu.memory_space<vmem>>, %arg11: memref<1x384xf32, #tpu.memory_space<vmem>>, %arg12: memref<1x128xf32, #tpu.memory_space<vmem>>, %arg13: memref<1x128xf32, #tpu.memory_space<vmem>>, %arg14: memref<1000x128xf32, #tpu.memory_space<vmem>>) attributes {dimension_semantics = [#tpu.dimension_semantics<arbitrary>], iteration_bounds = array<i64: 10>, scalar_prefetch = 0 : i64, scratch_operands = 0 : i64, tpu.core_type = #tpu.core_type<tc>, window_params = [{transform_indices = @transform_0, window_bounds = array<i64: 1000, 128>}, {transform_indices = @transform_1, window_bounds = array<i64: 1000, 128>}, {transform_indices = @transform_2, window_bounds = array<i64: 1000, 128>}, {transform_indices = @transform_3, window_bounds = array<i64: 1000, 128>}, {transform_indices = @transform_4, window_bounds = array<i64: 1000, 16>}, {pipeline_mode = #tpu.pipeline_mode<synchronous>, transform_indices = @transform_5, window_bounds = array<i64: 128, 384>}, {pipeline_mode = #tpu.pipeline_mode<synchronous>, transform_indices = @transform_6, window_bounds = array<i64: 128, 384>}, {pipeline_mode = #tpu.pipeline_mode<synchronous>, transform_indices = @transform_7, window_bounds = array<i64: 1, 384>}, {pipeline_mode = #tpu.pipeline_mode<synchronous>, transform_indices = @transform_8, window_bounds = array<i64: 128, 384>}, {pipeline_mode = #tpu.pipeline_mode<synchronous>, transform_indices = @transform_9, window_bounds = array<i64: 128, 384>}, {pipeline_mode = #tpu.pipeline_mode<synchronous>, transform_indices = @transform_10, window_bounds = array<i64: 1, 384>}, {pipeline_mode = #tpu.pipeline_mode<synchronous>, transform_indices = @transform_11, window_bounds = array<i64: 1, 128>}, {pipeline_mode = #tpu.pipeline_mode<synchronous>, transform_indices = @transform_12, window_bounds = array<i64: 1, 128>}, {transform_indices = @transform_13, window_bounds = array<i64: 1000, 128>}]} {
    %get3A = arith.constant 0 : index
    %get3A_0 = arith.constant 0 : index
    %get3A_1 = vector.load %arg5[%get3A, %get3A_0] : memref<1000x16xf32, #tpu.memory_space<vmem>>, vector<1000x16xf32>
    %reduce_sum3A = arith.constant dense<0.000000e+00> : vector<1000xf32>
    %reduce_sum3A_2 = vector.multi_reduction <add>, %get3A_1, %reduce_sum3A [1] : vector<1000x16xf32> to vector<1000xf32>
    %broadcast_in_dim3A = vector.shape_cast %reduce_sum3A_2 : vector<1000xf32> to vector<1000x1xf32>
    %max3A = arith.constant 1.000000e+00 : f32
    %max3A_3 = vector.broadcast %max3A : f32 to vector<1000x1xf32>
    %max3A_4 = arith.maximumf %broadcast_in_dim3A, %max3A_3 : vector<1000x1xf32>
    %div3A = arith.constant 1.000000e+00 : f32
    %div3A_5 = vector.broadcast %div3A : f32 to vector<1000x1xf32>
    %div3A_6 = arith.divf %div3A_5, %max3A_4 : vector<1000x1xf32>
    %get3A_7 = arith.constant 0 : index
    %get3A_8 = arith.constant 0 : index
    %get3A_9 = vector.load %arg3[%get3A_7, %get3A_8] : memref<1000x128xf32, #tpu.memory_space<vmem>>, vector<1000x128xf32>
    %mul3A = vector.broadcast %div3A_6 : vector<1000x1xf32> to vector<1000x128xf32>
    %mul3A_10 = arith.mulf %get3A_9, %mul3A : vector<1000x128xf32>
    %get3A_11 = arith.constant 0 : index
    %get3A_12 = arith.constant 0 : index
    %get3A_13 = vector.load %arg4[%get3A_11, %get3A_12] : memref<1000x128xf32, #tpu.memory_space<vmem>>, vector<1000x128xf32>
    %mul3A_14 = vector.broadcast %div3A_6 : vector<1000x1xf32> to vector<1000x128xf32>
    %mul3A_15 = arith.mulf %get3A_13, %mul3A_14 : vector<1000x128xf32>
    %get3A_16 = arith.constant 0 : index
    %get3A_17 = arith.constant 0 : index
    %get3A_18 = vector.load %arg1[%get3A_16, %get3A_17] : memref<1000x128xf32, #tpu.memory_space<vmem>>, vector<1000x128xf32>
    %get3A_19 = arith.constant 0 : index
    %get3A_20 = arith.constant 0 : index
    %get3A_21 = vector.load %arg6[%get3A_19, %get3A_20] : memref<128x384xf32, #tpu.memory_space<vmem>>, vector<128x384xf32>
    %dot_general3A = arith.constant dense<0.000000e+00> : vector<1000x384xf32>
    %dot_general3A_22 = tpu.matmul %get3A_18, %get3A_21, %dot_general3A {dimension_numbers = #tpu.dot_dimension_numbers<[1], [0], [0], [1], [0, 0, 1, 1], [], []>, transpose_lhs_hint = false} : vector<1000x128xf32>, vector<128x384xf32>, vector<1000x384xf32> -> vector<1000x384xf32>
    %get3A_23 = arith.constant 0 : index
    %get3A_24 = arith.constant 0 : index
    %get3A_25 = vector.load %arg7[%get3A_23, %get3A_24] : memref<128x384xf32, #tpu.memory_space<vmem>>, vector<128x384xf32>
    %dot_general3A_26 = arith.constant dense<0.000000e+00> : vector<1000x384xf32>
    %dot_general3A_27 = tpu.matmul %mul3A_10, %get3A_25, %dot_general3A_26 {dimension_numbers = #tpu.dot_dimension_numbers<[1], [0], [0], [1], [0, 0, 1, 1], [], []>, transpose_lhs_hint = false} : vector<1000x128xf32>, vector<128x384xf32>, vector<1000x384xf32> -> vector<1000x384xf32>
    %add3A = arith.addf %dot_general3A_22, %dot_general3A_27 : vector<1000x384xf32>
    %get3A_28 = arith.constant 0 : index
    %get3A_29 = arith.constant 0 : index
    %get3A_30 = vector.load %arg8[%get3A_28, %get3A_29] : memref<1x384xf32, #tpu.memory_space<vmem>>, vector<1x384xf32>
    %add3A_31 = vector.broadcast %get3A_30 : vector<1x384xf32> to vector<1000x384xf32>
    %add3A_32 = arith.addf %add3A, %add3A_31 : vector<1000x384xf32>
    %get3A_33 = arith.constant 0 : index
    %get3A_34 = arith.constant 0 : index
    %get3A_35 = vector.load %arg2[%get3A_33, %get3A_34] : memref<1000x128xf32, #tpu.memory_space<vmem>>, vector<1000x128xf32>
    %get3A_36 = arith.constant 0 : index
    %get3A_37 = arith.constant 0 : index
    %get3A_38 = vector.load %arg9[%get3A_36, %get3A_37] : memref<128x384xf32, #tpu.memory_space<vmem>>, vector<128x384xf32>
    %dot_general3A_39 = arith.constant dense<0.000000e+00> : vector<1000x384xf32>
    %dot_general3A_40 = tpu.matmul %get3A_35, %get3A_38, %dot_general3A_39 {dimension_numbers = #tpu.dot_dimension_numbers<[1], [0], [0], [1], [0, 0, 1, 1], [], []>, transpose_lhs_hint = false} : vector<1000x128xf32>, vector<128x384xf32>, vector<1000x384xf32> -> vector<1000x384xf32>
    %get3A_41 = arith.constant 0 : index
    %get3A_42 = arith.constant 0 : index
    %get3A_43 = vector.load %arg10[%get3A_41, %get3A_42] : memref<128x384xf32, #tpu.memory_space<vmem>>, vector<128x384xf32>
    %dot_general3A_44 = arith.constant dense<0.000000e+00> : vector<1000x384xf32>
    %dot_general3A_45 = tpu.matmul %mul3A_15, %get3A_43, %dot_general3A_44 {dimension_numbers = #tpu.dot_dimension_numbers<[1], [0], [0], [1], [0, 0, 1, 1], [], []>, transpose_lhs_hint = false} : vector<1000x128xf32>, vector<128x384xf32>, vector<1000x384xf32> -> vector<1000x384xf32>
    %add3A_46 = arith.addf %dot_general3A_40, %dot_general3A_45 : vector<1000x384xf32>
    %get3A_47 = arith.constant 0 : index
    %get3A_48 = arith.constant 0 : index
    %get3A_49 = vector.load %arg11[%get3A_47, %get3A_48] : memref<1x384xf32, #tpu.memory_space<vmem>>, vector<1x384xf32>
    %add3A_50 = vector.broadcast %get3A_49 : vector<1x384xf32> to vector<1000x384xf32>
    %add3A_51 = arith.addf %add3A_46, %add3A_50 : vector<1000x384xf32>
    %slice3A = vector.extract_strided_slice %add3A_32 {offsets = [0, 0], sizes = [1000, 128], strides = [1, 1]} : vector<1000x384xf32> to vector<1000x128xf32>
    %slice3A_52 = vector.extract_strided_slice %add3A_32 {offsets = [0, 128], sizes = [1000, 128], strides = [1, 1]} : vector<1000x384xf32> to vector<1000x128xf32>
    %slice3A_53 = vector.extract_strided_slice %add3A_32 {offsets = [0, 256], sizes = [1000, 128], strides = [1, 1]} : vector<1000x384xf32> to vector<1000x128xf32>
    %slice3A_54 = vector.extract_strided_slice %add3A_51 {offsets = [0, 0], sizes = [1000, 128], strides = [1, 1]} : vector<1000x384xf32> to vector<1000x128xf32>
    %slice3A_55 = vector.extract_strided_slice %add3A_51 {offsets = [0, 128], sizes = [1000, 128], strides = [1, 1]} : vector<1000x384xf32> to vector<1000x128xf32>
    %slice3A_56 = vector.extract_strided_slice %add3A_51 {offsets = [0, 256], sizes = [1000, 128], strides = [1, 1]} : vector<1000x384xf32> to vector<1000x128xf32>
    %add3A_57 = arith.addf %slice3A, %slice3A_54 : vector<1000x128xf32>
    %logistic3A = arith.negf %add3A_57 : vector<1000x128xf32>
    %logistic3A_58 = math.exp %logistic3A : vector<1000x128xf32>
    %logistic3A_59 = arith.constant 1.000000e+00 : f32
    %logistic3A_60 = vector.broadcast %logistic3A_59 : f32 to vector<1000x128xf32>
    %logistic3A_61 = arith.addf %logistic3A_60, %logistic3A_58 : vector<1000x128xf32>
    %logistic3A_62 = arith.divf %logistic3A_60, %logistic3A_61 : vector<1000x128xf32>
    %add3A_63 = arith.addf %slice3A_52, %slice3A_55 : vector<1000x128xf32>
    %logistic3A_64 = arith.negf %add3A_63 : vector<1000x128xf32>
    %logistic3A_65 = math.exp %logistic3A_64 : vector<1000x128xf32>
    %logistic3A_66 = arith.constant 1.000000e+00 : f32
    %logistic3A_67 = vector.broadcast %logistic3A_66 : f32 to vector<1000x128xf32>
    %logistic3A_68 = arith.addf %logistic3A_67, %logistic3A_65 : vector<1000x128xf32>
    %logistic3A_69 = arith.divf %logistic3A_67, %logistic3A_68 : vector<1000x128xf32>
    %mul3A_70 = arith.mulf %logistic3A_62, %slice3A_56 : vector<1000x128xf32>
    %add3A_71 = arith.addf %slice3A_53, %mul3A_70 : vector<1000x128xf32>
    %tanh3A = math.tanh %add3A_71 : vector<1000x128xf32>
    %get3A_72 = arith.constant 0 : index
    %get3A_73 = arith.constant 0 : index
    %get3A_74 = vector.load %arg2[%get3A_72, %get3A_73] : memref<1000x128xf32, #tpu.memory_space<vmem>>, vector<1000x128xf32>
    %sub3A = arith.subf %get3A_74, %tanh3A : vector<1000x128xf32>
    %mul3A_75 = arith.mulf %logistic3A_69, %sub3A : vector<1000x128xf32>
    %add3A_76 = arith.addf %tanh3A, %mul3A_75 : vector<1000x128xf32>
    %reduce_sum3A_77 = arith.constant dense<0.000000e+00> : vector<1000xf32>
    %reduce_sum3A_78 = vector.multi_reduction <add>, %add3A_76, %reduce_sum3A_77 [1] : vector<1000x128xf32> to vector<1000xf32>
    %broadcast_in_dim3A_79 = vector.shape_cast %reduce_sum3A_78 : vector<1000xf32> to vector<1000x1xf32>
    %div3A_80 = arith.constant 1.280000e+02 : f32
    %div3A_81 = vector.broadcast %div3A_80 : f32 to vector<1000x1xf32>
    %div3A_82 = arith.divf %broadcast_in_dim3A_79, %div3A_81 : vector<1000x1xf32>
    %sub3A_83 = vector.broadcast %div3A_82 : vector<1000x1xf32> to vector<1000x128xf32>
    %sub3A_84 = arith.subf %add3A_76, %sub3A_83 : vector<1000x128xf32>
    %sub3A_85 = vector.broadcast %div3A_82 : vector<1000x1xf32> to vector<1000x128xf32>
    %sub3A_86 = arith.subf %add3A_76, %sub3A_85 : vector<1000x128xf32>
    %mul3A_87 = arith.mulf %sub3A_84, %sub3A_86 : vector<1000x128xf32>
    %reduce_sum3A_88 = arith.constant dense<0.000000e+00> : vector<1000xf32>
    %reduce_sum3A_89 = vector.multi_reduction <add>, %mul3A_87, %reduce_sum3A_88 [1] : vector<1000x128xf32> to vector<1000xf32>
    %broadcast_in_dim3A_90 = vector.shape_cast %reduce_sum3A_89 : vector<1000xf32> to vector<1000x1xf32>
    %div3A_91 = arith.constant 1.280000e+02 : f32
    %div3A_92 = vector.broadcast %div3A_91 : f32 to vector<1000x1xf32>
    %div3A_93 = arith.divf %broadcast_in_dim3A_90, %div3A_92 : vector<1000x1xf32>
    %sub3A_94 = vector.broadcast %div3A_82 : vector<1000x1xf32> to vector<1000x128xf32>
    %sub3A_95 = arith.subf %add3A_76, %sub3A_94 : vector<1000x128xf32>
    %add3A_96 = arith.constant 9.99999974E-6 : f32
    %add3A_97 = vector.broadcast %add3A_96 : f32 to vector<1000x1xf32>
    %add3A_98 = arith.addf %div3A_93, %add3A_97 : vector<1000x1xf32>
    %rsqrt3A = math.rsqrt %add3A_98 : vector<1000x1xf32>
    %mul3A_99 = vector.broadcast %rsqrt3A : vector<1000x1xf32> to vector<1000x128xf32>
    %mul3A_100 = arith.mulf %sub3A_95, %mul3A_99 : vector<1000x128xf32>
    %get3A_101 = arith.constant 0 : index
    %get3A_102 = arith.constant 0 : index
    %get3A_103 = vector.load %arg12[%get3A_101, %get3A_102] : memref<1x128xf32, #tpu.memory_space<vmem>>, vector<1x128xf32>
    %mul3A_104 = vector.broadcast %get3A_103 : vector<1x128xf32> to vector<1000x128xf32>
    %mul3A_105 = arith.mulf %mul3A_100, %mul3A_104 : vector<1000x128xf32>
    %get3A_106 = arith.constant 0 : index
    %get3A_107 = arith.constant 0 : index
    %get3A_108 = vector.load %arg13[%get3A_106, %get3A_107] : memref<1x128xf32, #tpu.memory_space<vmem>>, vector<1x128xf32>
    %add3A_109 = vector.broadcast %get3A_108 : vector<1x128xf32> to vector<1000x128xf32>
    %add3A_110 = arith.addf %mul3A_105, %add3A_109 : vector<1000x128xf32>
    %swap3A = arith.constant 0 : index
    %swap3A_111 = arith.constant 0 : index
    %swap3A_112 = vector.load %arg14[%swap3A, %swap3A_111] : memref<1000x128xf32, #tpu.memory_space<vmem>>, vector<1000x128xf32>
    tpu.vector_store %arg14[%swap3A, %swap3A_111], %add3A_110 {strides = array<i32>} : memref<1000x128xf32, #tpu.memory_space<vmem>>, vector<1000x128xf32>,
    return
  }
  func.func @transform_0(%arg0: i32) -> (i32, i32) {
    %c0_i32 = arith.constant 0 : i32
    %c0_i32_0 = arith.constant 0 : i32
    return %arg0, %c0_i32 : i32, i32
  }
  func.func @transform_1(%arg0: i32) -> (i32, i32) {
    %c0_i32 = arith.constant 0 : i32
    %c0_i32_0 = arith.constant 0 : i32
    return %arg0, %c0_i32 : i32, i32
  }
  func.func @transform_2(%arg0: i32) -> (i32, i32) {
    %c0_i32 = arith.constant 0 : i32
    %c0_i32_0 = arith.constant 0 : i32
    return %arg0, %c0_i32 : i32, i32
  }
  func.func @transform_3(%arg0: i32) -> (i32, i32) {
    %c0_i32 = arith.constant 0 : i32
    %c0_i32_0 = arith.constant 0 : i32
    return %arg0, %c0_i32 : i32, i32
  }
  func.func @transform_4(%arg0: i32) -> (i32, i32) {
    %c0_i32 = arith.constant 0 : i32
    %c0_i32_0 = arith.constant 0 : i32
    return %arg0, %c0_i32 : i32, i32
  }
  func.func @transform_5(%arg0: i32) -> (i32, i32) {
    %c0_i32 = arith.constant 0 : i32
    %c0_i32_0 = arith.constant 0 : i32
    %c0_i32_1 = arith.constant 0 : i32
    return %c0_i32, %c0_i32_0 : i32, i32
  }
  func.func @transform_6(%arg0: i32) -> (i32, i32) {
    %c0_i32 = arith.constant 0 : i32
    %c0_i32_0 = arith.constant 0 : i32
    %c0_i32_1 = arith.constant 0 : i32
    return %c0_i32, %c0_i32_0 : i32, i32
  }
  func.func @transform_7(%arg0: i32) -> (i32, i32) {
    %c0_i32 = arith.constant 0 : i32
    %c0_i32_0 = arith.constant 0 : i32
    %c0_i32_1 = arith.constant 0 : i32
    return %c0_i32, %c0_i32_0 : i32, i32
  }
  func.func @transform_8(%arg0: i32) -> (i32, i32) {
    %c0_i32 = arith.constant 0 : i32
    %c0_i32_0 = arith.constant 0 : i32
    %c0_i32_1 = arith.constant 0 : i32
    return %c0_i32, %c0_i32_0 : i32, i32
  }
  func.func @transform_9(%arg0: i32) -> (i32, i32) {
    %c0_i32 = arith.constant 0 : i32
    %c0_i32_0 = arith.constant 0 : i32
    %c0_i32_1 = arith.constant 0 : i32
    return %c0_i32, %c0_i32_0 : i32, i32
  }
  func.func @transform_10(%arg0: i32) -> (i32, i32) {
    %c0_i32 = arith.constant 0 : i32
    %c0_i32_0 = arith.constant 0 : i32
    %c0_i32_1 = arith.constant 0 : i32
    return %c0_i32, %c0_i32_0 : i32, i32
  }
  func.func @transform_11(%arg0: i32) -> (i32, i32) {
    %c0_i32 = arith.constant 0 : i32
    %c0_i32_0 = arith.constant 0 : i32
    %c0_i32_1 = arith.constant 0 : i32
    return %c0_i32, %c0_i32_0 : i32, i32
  }
  func.func @transform_12(%arg0: i32) -> (i32, i32) {
    %c0_i32 = arith.constant 0 : i32
    %c0_i32_0 = arith.constant 0 : i32
    %c0_i32_1 = arith.constant 0 : i32
    return %c0_i32, %c0_i32_0 : i32, i32
  }
  func.func @transform_13(%arg0: i32) -> (i32, i32) {
    %c0_i32 = arith.constant 0 : i32
    %c0_i32_0 = arith.constant 0 : i32
    return %arg0, %c0_i32 : i32, i32
  }
}

</mosaic_0001>

<sc_bundles>
// kernel: kernel.4.cloned.1.call-start
scs
__scs_entry_jumppad:
0x0: {  	(pc) =	sbr.rel $0x88, $3  }
0x1: {  	(tag) =	ssettag $0x0;
	lr =	simm.s32 $0x1  }
0x2: {  	[smem:$0x3F96] =	sst lr;
	_ =	strace $0xD0000000  }
0x3: {  	_ = 	snop  }
0x4: {  	_ = 	snop  }
0x5: {  	_ = 	snop  }
0x6: {  	_ = 	snop  }
0x7: {  	_ = 	snop  }
__scs_overlays_trampoline_lowered:
0x8: {  	[smem:$0x3FA5] =	sst s0  }
0x9: {  	[smem:$0x3FA6] =	sst s1  }
0xa: {  	[smem:$0x3FA7] =	sst s2  }
0xb: {  	[smem:$0x3FA8] =	sst s3  }
0xc: {  	[smem:$0x3FA9] =	sst s4  }
0xd: {  	[smem:$0x3FAA] =	sst s5  }
0xe: {  	[smem:$0x3FAB] =	sst s6  }
0xf: {  	[smem:$0x3FAC] =	sst s7  }
0x10: {  	[smem:$0x3FAD] =	sst s8  }
0x11: {  	[smem:$0x3FAE] =	sst s9;
	s0 =	simm.s32 @!p0 $0x0  }
0x12: {  	s1 =	sld [smem:$0x3F94];
	s0 =	simm.s32 @p0 $0x1  }
0x13: {  	[smem:$0x3FAF] =	sst s0;
	s0 =	simm.s32 @!p1 $0x0  }
0x14: {  	s2 =	sld [smem:$0x3F93];
	s0 =	simm.s32 @p1 $0x1  }
0x15: {  	[smem:$0x3FB0] =	sst s0;
	s0 =	simm.s32 @!p2 $0x0  }
0x16: {  	s3 =	sld [smem:$0x3FDB];
	s0 =	simm.s32 @p2 $0x1  }
0x17: {  	s4 =	simm.s32 $0x1BF5;
	[smem:$0x3FB2] =	sst s0  }
0x18: {  	s0 =	sld [smem:$0x3F95];
	_ =	swait.ge [sflag:s4], $0x0  }
0x19: {  	s7 =	sld [smem:$0x3F96]  }
0x1a: {  	s8 =	sadd.s32 $0xFFFFE003, lr  }
0x1b: {  	s9 =	sadd.s32 $0xFFFFFEF7, lr;
	s5 =	simm.s32 $0xFFFFFFFF;
	p2 =	slt.u32 s8, $0xFFFFF086  }
0x1c: {  	p1 =	slt.u32 s9, $0xF7A;
	s5 =	simm.s32 @!p2 $0x0  }
0x1d: {  	s5 =	simm.s32 @p1 $0x1;
	p0 =	seq.s32 s7, s2  }
0x1e: {  	s7 =	smul.u32 @!p0 $0xF7A, s2;
	p2 =	seq.s32 @!p0 s5, $0x0  }
0x1f: {  	s9 =	smul.u32 $0xF7A, s1;
	s8 =	simm.s32 @!p0 $0x1BF5;
	p2 =	por !p2, p0  }
0x20: {  	[sflag:s8] =	ssyncset.s32 @!p0 $0xFFFFF086;
	s6 =	sadd.s32 @!p0 s3, s7;
	s7 =	simm.s32 @!p0 $0x108  }
0x21: {  	s3 =	sadd.s32 s3, s9;
	s6 =	sadd.s32 @!p0 $0x88, s6;
	s7 =	simm.s32 @p2 $0x1082  }
0x22: {  	[simem:s7], [sflag:s8] =	dma.local @!p0 [hbm:s6], $0xF7A  }
0x23: {  	s9 =	sor.u32 $0xD0000000, s2;
	s6 =	simm.s32 $0x108;
	_ =	swait.ge @!p0 [sflag:s8], $0x0  }
0x24: {  	s3 =	sadd.s32 $0x88, s3;
	s6 =	simm.s32 @!p1 $0x1082;
	[sflag:s4] =	ssyncset.s32 $0xFFFFF086  }
0x25: {  	[simem:s6], [sflag:s4] =	dma.local [hbm:s3], $0xF7A  }
0x26: {  	[smem:$0x3F96] =	sst s1;
	(tag) =	ssettag s2;
	_ =	strace s9  }
0x27: {  	s1 =	sld [smem:$0x3FA6]  }
0x28: {  	s2 =	sld [smem:$0x3FA7]  }
0x29: {  	s4 =	sld [smem:$0x3FA9]  }
0x2a: {  	p0 =	seq.s32 s5, $0x0;
	s5 =	sld [smem:$0x3FAA]  }
0x2b: {  	s6 =	sld [smem:$0x3FAB]  }
0x2c: {  	s7 =	sld [smem:$0x3FAC]  }
0x2d: {  	s3 =	simm.s32 $0x108;
	s8 =	sld [smem:$0x3FAD]  }
0x2e: {  	s3 =	simm.s32 @!p0 $0x1082;
	s9 =	sld [smem:$0x3FAE]  }
0x2f: {  	lr =	sadd.s32 s0, s3;
	s0 =	sld [smem:$0x3FA5]  }
0x30: {  	s3 =	sld [smem:$0x3FA8]  }
0x31: {  	[smem:$0x3FB1] =	sst s10  }
0x32: {  	s10 =	sld [smem:$0x3FAF];
	_ =	sdelay $0x3  }
0x33: {  	p0 =	seq.s32 s10, $0x1;
	s10 =	sld [smem:$0x3FB1];
	_ =	sdelay $0x3  }
0x34: {  	[smem:$0x3FB1] =	sst s10  }
0x35: {  	s10 =	sld [smem:$0x3FB0];
	_ =	sdelay $0x3  }
0x36: {  	p1 =	seq.s32 s10, $0x1;
	s10 =	sld [smem:$0x3FB1];
	_ =	sdelay $0x3  }
0x37: {  	[smem:$0x3FB1] =	sst s10  }
0x38: {  	s10 =	sld [smem:$0x3FB2]  }
0x39: {  	_ = 	snop;
	(pc) =	sbr.ind lr, $3  }
0x3a: {  	_ = 	snop  }
0x3b: {  	_ = 	snop  }
0x3c: {  	p2 =	seq.s32 s10, $0x1;
	s10 =	sld [smem:$0x3FB1]  }
0x3d: {  	_ =	shalt  }
0x3e: {  	_ =	shalt  }
0x3f: {  	_ =	shalt  }
0x40: {  	_ =	shalt  }
0x41: {  	_ =	shalt  }
0x42: {  	_ =	shalt  }
0x43: {  	_ =	shalt  }
0x44: {  	_ =	shalt  }
0x45: {  	_ =	shalt  }
0x46: {  	_ =	shalt  }
0x47: {  	_ =	shalt  }
0x48: {  	_ =	shalt  }
0x49: {  	_ =	shalt  }
0x4a: {  	_ =	shalt  }
0x4b: {  	_ =	shalt  }
0x4c: {  	_ =	shalt  }
0x4d: {  	_ =	shalt  }
0x4e: {  	_ =	shalt  }
0x4f: {  	_ =	shalt  }
0x50: {  	_ =	shalt  }
0x51: {  	_ =	shalt  }
0x52: {  	_ =	shalt  }
0x53: {  	_ =	shalt  }
0x54: {  	_ =	shalt  }
0x55: {  	_ =	shalt  }
0x56: {  	_ =	shalt  }
0x57: {  	_ =	shalt  }
0x58: {  	_ =	shalt  }
0x59: {  	_ =	shalt  }
0x5a: {  	_ =	shalt  }
0x5b: {  	_ =	shalt  }
0x5c: {  	_ =	shalt  }
0x5d: {  	_ =	shalt  }
0x5e: {  	_ =	shalt  }
0x5f: {  	_ =	shalt  }
0x60: {  	_ =	shalt  }
0x61: {  	_ =	shalt  }
0x62: {  	_ =	shalt  }
0x63: {  	_ =	shalt  }
0x64: {  	_ =	shalt  }
0x65: {  	_ =	shalt  }
0x66: {  	_ =	shalt  }
0x67: {  	_ =	shalt  }
0x68: {  	_ =	shalt  }
0x69: {  	_ =	shalt  }
0x6a: {  	_ =	shalt  }
0x6b: {  	_ =	shalt  }
0x6c: {  	_ =	shalt  }
0x6d: {  	_ =	shalt  }
0x6e: {  	_ =	shalt  }
0x6f: {  	_ =	shalt  }
0x70: {  	_ =	shalt  }
0x71: {  	_ =	shalt  }
0x72: {  	_ =	shalt  }
0x73: {  	_ =	shalt  }
0x74: {  	_ =	shalt  }
0x75: {  	_ =	shalt  }
0x76: {  	_ =	shalt  }
0x77: {  	_ =	shalt  }
0x78: {  	_ =	shalt  }
0x79: {  	_ =	shalt  }
0x7a: {  	_ =	shalt  }
0x7b: {  	_ =	shalt  }
0x7c: {  	_ =	shalt  }
0x7d: {  	_ =	shalt  }
0x7e: {  	_ =	shalt  }
0x7f: {  	_ =	shalt  }
0x80: {  	_ =	shalt  }
0x81: {  	_ =	shalt  }
0x82: {  	_ =	shalt  }
0x83: {  	_ =	shalt  }
0x84: {  	_ =	shalt  }
0x85: {  	_ =	shalt  }
0x86: {  	_ =	shalt  }
0x87: {  	_ =	shalt  }
.Lfunc_end0:
.L_simem_size_0:
called_computation_lowered:
.L_overlay_start_0:
0x88: {  	s2 =	sld [smem:$0x3FD9]  }
0x89: {  	s3 =	sld [smem:$0x3FFE];
	_ =	sdelay $0x1  }
0x8a: {  	s1 =	srdreg.scid  }
0x8b: {  	s0 =	sand.u32 $0x1, s1  }
0x8c: {  	s17 =	sshll.u32 s0, $0xA;
	s2 =	sadd.s32 s3, s2  }
0x8d: {  	s2 =	sadd.s32 s2, s17  }
0x8e: {  	[smem:$0x3FBD] =	sst s2  }
0x8f: {  	_ = 	snop  }
0x90: {  	s2 =	sld [smem:$0x3FC9]  }
0x91: {  	s18 =	sld [smem:$0x3FC8]  }
0x92: {  	s4 =	sld [smem:$0x3FD0];
	(tm) =	ssettm $0x1  }
0x93: {  	s5 =	sld [smem:$0x3FFB];
	_ =	sdelay $0x3  }
0x94: {  	_ =	strace s5  }
0x95: {  	s5 =	sld [smem:$0x3FFC];
	_ =	sdelay $0x3  }
0x96: {  	_ =	strace s5  }
0x97: {  	s5 =	sld [smem:$0x3FFD];
	_ =	sdelay $0x3  }
0x98: {  	_ =	strace s5  }
0x99: {  	_ =	strace $0x8FFFFFFF  }
0x9a: {  	s19 =	sld [smem:$0x3FDB];
	_ =	sdelay $0x1  }
0x9b: {  	s6 =	simm.s32 $_scs_section_size  }
0x9c: {  	s7 =	simm.s32 $_size__tile_overlayer_lowered;
	s8 =	simm.s32 $_tile_overlayer_lowered  }
0x9d: {  	s22 =	simm.s32 $0x1BFF;
	s21 =	sshll.u32 s8, $0x1;
	s5 =	sadd.s32 s6, s19  }
0x9e: {  	s9 =	simm.s32 $0x0;
	s20 =	sshll.u32 s7, $0x1;
	s7 =	sadd.s32 s21, s5  }
0x9f: {  	[timem:s9], [sflag:s22] =	dma.local [hbm:s7], s20  }
0xa0: {  	_ =	swait.ge [sflag:s22], s20  }
0xa1: {  	s6 =	ssub.s32 $0x0, s20;
	[sflag:s22] =	ssyncset.done $0x0  }
0xa2: {  	[sflag:s22] =	ssyncadd.s32 s6;
	_ =	sdelay $0x1  }
0xa3: {  	s23 =	simm.s32 $0x1B8B  }
0xa4: {  	_ =	swait.ge [sflag:s23], $0x1  }
0xa5: {  	[sflag:s23] =	ssyncset.done $0x0  }
0xa6: {  	s25 =	simm.s32 $0x1B8E;
	s24 =	sld [smem:$0x3FFE];
	[sflag:s23] =	ssyncadd.s32 $0xFFFFFFFF  }
0xa7: {  	s26 =	simm.s32 $execute0_lowered;
	[smem:$0x3FD2] =	sst s25  }
0xa8: {  	s7 =	sshll.u32 s26, $0x1;
	_ =	strace $0x80000046;
	[dreg:$0x1] =	wrdreg $0xFFFFFFFF  }
0xa9: {  	s28 =	simm.s32 $_size_execute0_lowered;
	s5 =	sadd.s32 s5, s7;
	[dreg:$0x0] =	wrdreg $0x0  }
0xaa: {  	s7 =	sshll.u32 s28, $0x1;
	[dreg:$0x2] =	wrdreg s5  }
0xab: {  	[dreg:$0x3] =	wrdreg s7  }
0xac: {  	[dreg:$0x4] =	wrdreg $0xC0  }
0xad: {  	_ =	task [dreg:s9], $0x5FFFF  }
0xae: {  	[dreg:$0x1] =	wrdreg $0xFFFFFFFF  }
0xaf: {  	[dreg:$0x0] =	wrdreg $0x60  }
0xb0: {  	[dreg:$0x2] =	wrdreg s2  }
0xb1: {  	[dreg:$0x3] =	wrdreg s18  }
0xb2: {  	[dreg:$0x4] =	wrdreg s24  }
0xb3: {  	[dreg:$0x5] =	wrdreg s4  }
0xb4: {  	[dreg:$0x6] =	wrdreg $0xB7800  }
0xb5: {  	[dreg:$0x7] =	wrdreg $0x9  }
0xb6: {  	_ =	task.clear_ibuf [dreg:s9], $0x8FFFF;
	_ =	strace $0x90000046  }
0xb7: {  	s29 =	simm.s32 $0x9;
	_ =	strace $0x80000048  }
0xb8: {  	_ =	swait.ge [sflag:s29], $0x1  }
0xb9: {  	[sflag:s29] =	ssyncadd.s32 $0xFFFFFFFF  }
0xba: {  	_ =	strace $0x90000048  }
0xbb: {  	_ =	sfence  }
0xbc: {  	s30 =	sld [smem:$0x0];
	_ =	sdelay $0x2  }
0xbd: {  	s31 =	sshll.u32 s1, $0xD;
	s1 =	sshrl.u32 s1, $0x2  }
0xbe: {  	s3 =	sand.u32 $0x4000, s31;
	s1 =	sadd.s32 s1, s30  }
0xbf: {  	s0 =	sor.u32 s3, s0;
	s1 =	sshll.u32 s1, $0x11  }
0xc0: {  	s0 =	sor.u32 s1, s0  }
0xc1: {  	s0 =	sadd.s32 $0x8F2B, s0  }
0xc2: {  	[sflag:s0] =	ssyncadd.remote.s32 $0x1  }
0xc3: {  	_ =	sfence.sel $0xFFFF  }
0xc4: {  	[dreg:$0x0] =	wrdreg $0xFFFFFFFF;
	(pc) =	sbr.abs _section_cstart, $3  }
0xc5: {  	[dreg:$0x1] =	wrdreg $0xFFFFFFFF  }
0xc6: {  	_ =	task.clear_ibuf [dreg:s9], $0x2FFFF;
	_ =	strace $0x9FFFFFFF  }
0xc7: {  	(tm) =	ssettm $0x7FFFFFFF  }
tec
execute0_lowered:
.L_overlay_start_1:
0x0: {  	(tag) =	ssettag $0x1  }
0x1: {  	s12 =	rddreg [dreg:$0x0]  }
0x2: {  	s3 =	rddreg [dreg:$0x1]  }
0x3: {  	s0 =	rddreg [dreg:$0x2]  }
0x4: {  	s1 =	rddreg [dreg:$0x3]  }
0x5: {  	s4 =	rddreg [dreg:$0x4];
	s13 =	stileid.u32;
	s5 =	simm.s32 $0x0  }
0x6: {  	s8 =	srdreg.scid;
	s16 =	simm.s32 $0x3;
	s17 =	simm.s32 $0x9000  }
0x7: {  	s18 =	simm.s32 $0x800;
	s19 =	simm.s32 $0x80;
	s20 =	simm.s32 $0x1000  }
0x8: {  	s15 =	simm.s32 $0x180;
	s28 =	simm.s32 $0xA00;
	s2 =	smul.u32 $0xA00, s13  }
0x9: {  	s29 =	simm.s32 $0x300;
	s30 =	simm.s32 $0xA80;
	s6 =	smul.u32 $0x2780, s13  }
0xa: {  	s31 =	simm.s32 $0x380;
	[smem:$0x7FF] =	sst s5;
	s7 =	smul.u32 $0x4F0, s13  }
0xb: {  	s8 =	sand.u32 $0x1, s8;
	s10 =	smul.u32 $0x4F000, s13;
	s11 =	sadd.s32 $0x33C00, s0  }
0xc: {  	s23 =	sshll.u32 s13, $0x6;
	_ =	strace $0x80000047;
	[dreg:$0x6] =	wrdreg s11  }
0xd: {  	s21 =	ssub.s32 $0x2, s8;
	s11 =	sor.u32 $0x1C03, s23;
	p0 =	sne.s32 s8, $0x0  }
0xe: {  	s23 =	simm.s32 $0x200;
	s9 =	sadd.s32 s2, s0;
	s6 =	sadd.s32 s6, s0  }
0xf: {  	s0 =	sadd.s32 s7, s0;
	s22 =	sshrl.u32 s21, $0x1;
	s10 =	sshrl.u32 s10, $0x2  }
0x10: {  	s13 =	sadd.s32 s2, s1;
	[dreg:$0x8] =	wrdreg s11;
	s2 =	simm.s32 $0x400  }
0x11: {  	s7 =	ssub.s32 s21, s22;
	s10 =	sadd.s32 s10, s4;
	s24 =	sadd.s32 $0xC400, s6  }
0x12: {  	s25 =	sadd.s32 $0x60A00, s6;
	s6 =	sadd.s32 $0x39200, s6;
	[dreg:$0x7] =	wrdreg s24  }
0x13: {  	s0 =	sadd.s32 $0x34200, s0;
	s14 =	sadd.s32 $0x2400, s9;
	[dreg:$0x9] =	wrdreg s25  }
.Ltmp0:
0x14: {  	s21 =	simm.s32 $0x5000;
	[dreg:$0xa] =	wrdreg s6;
	(pc) =	sbr.rel .LBB2_1-.Ltmp0, $4  }
0x15: {  	s22 =	simm.s32 $0x1;
	s9 =	simm.s32 $0xB80;
	[dreg:$0xb] =	wrdreg s0  }
0x16: {  	s26 =	smax.u32 s7, $0x1;
	s1 =	sshrl.u32 s10, $0x3;
	s24 =	simm.s32 $0x2  }
0x17: {  	s0 =	simm.s32 $0x0;
	s25 =	simm.s32 $0x980;
	[dreg:$0xc] =	wrdreg s26  }
0x18: {  	v0 =	vimm.f32 $1.000000000e+00;
	s10 =	simm.s32 $0x480;
	[dreg:$0xd] =	wrdreg s1;
	s26 =	simm.s32 $0x280  }
.LBB2_6:
0x19: {  	s6 =	sadd.s32 s11, s14;
	[sflag:s16] =	ssyncadd.s32 $0xFFFFC000  }
0x1a: {  	[tilespmem:s5], [sflag:$0x3] =	stream.linear.gather [hbm4b:s6+s5], $0x800, $0x38;
	[tilespmem:$0x1F380] =	vst v63  }
0x1b: {  	_ =	swait.ge [sflag:s16], $0x800  }
0x1c: {  	[sflag:s16] =	ssyncset.done $0x0  }
0x1d: {  	s7 =	sadd.s32 s11, s13;
	[sflag:s16] =	ssyncadd.s32 $0xFFFFF800  }
0x1e: {  	[tilespmem:s18], [sflag:$0x3] =	stream.linear.gather [hbm4b:s7+s5], $0x800, $0x38;
	[tilespmem:$0x1F380] =	vst v63  }
0x1f: {  	_ =	swait.ge [sflag:s16], $0x800  }
0x20: {  	[sflag:s16] =	ssyncset.done $0x0  }
0x21: {  	[sflag:s16] =	ssyncadd.s32 $0xFFFFF800  }
0x22: {  	[tilespmem:s20], [sflag:$0x1] =	stream.indirect.gather [hbm4b:s3+s19], $0x80, s5, s19, $0xb8;
	[tilespmem:$0x1F380] =	vst v63  }
0x23: {  	_ = 	snop  }
0x24: {  	[tilespmem:s21], [sflag:$0x2] =	stream.indirect.gather [hbm4b:s3+s19], $0x80, s19, s19, $0xb8;
	[tilespmem:$0x1F380] =	vst v63  }
0x25: {  	_ =	swait.ge [sflag:s22], $0x4000  }
0x26: {  	[sflag:s22] =	ssyncset.done $0x0  }
0x27: {  	[sflag:s22] =	ssyncadd.s32 $0xFFFFC000  }
0x28: {  	[spmem:s4] =	stream.indirect.scatter.add.f32 [tilespmem:s20], [sflag:$0x3], $0x80, s18, s19, $0xb8;
	[tilespmem:$0x1F380] =	vst v63  }
0x29: {  	_ =	swait.ge [sflag:s16], $0x4000  }
0x2a: {  	[sflag:s16] =	ssyncset.done $0x0  }
0x2b: {  	[sflag:s16] =	ssyncadd.s32 $0xFFFFC000  }
0x2c: {  	[tilespmem:s20], [sflag:$0x1] =	stream.indirect.gather [hbm4b:s3+s19], $0x80, s8, s19, $0xb8;
	[tilespmem:$0x1F380] =	vst v63  }
0x2d: {  	_ =	swait.ge [sflag:s24], $0x4000  }
0x2e: {  	[sflag:s24] =	ssyncset.done $0x0  }
0x2f: {  	[sflag:s24] =	ssyncadd.s32 $0xFFFFC000  }
0x30: {  	[spmem:s4] =	stream.indirect.scatter.add.f32 [tilespmem:s21], [sflag:$0x3], $0x80, s12, s19, $0xb8;
	[tilespmem:$0x1F380] =	vst v63  }
0x31: {  	_ =	swait.ge [sflag:s16], $0x4000  }
0x32: {  	[sflag:s16] =	ssyncset.done $0x0  }
0x33: {  	[sflag:s16] =	ssyncadd.s32 $0xFFFFC000  }
0x34: {  	[tilespmem:s21], [sflag:$0x2] =	stream.indirect.gather [hbm4b:s3+s19], $0x80, s15, s19, $0xb8;
	[tilespmem:$0x1F380] =	vst v63  }
0x35: {  	_ =	swait.ge [sflag:s22], $0x4000  }
0x36: {  	[sflag:s22] =	ssyncset.done $0x0  }
0x37: {  	[sflag:s22] =	ssyncadd.s32 $0xFFFFC000  }
0x38: {  	[spmem:s4] =	stream.indirect.scatter.add.f32 [tilespmem:s20], [sflag:$0x3], $0x80, s1, s19, $0xb8;
	[tilespmem:$0x1F380] =	vst v63  }
0x39: {  	_ =	swait.ge [sflag:s16], $0x4000  }
0x3a: {  	[sflag:s16] =	ssyncset.done $0x0  }
0x3b: {  	[sflag:s16] =	ssyncadd.s32 $0xFFFFC000  }
0x3c: {  	[tilespmem:s20], [sflag:$0x1] =	stream.indirect.gather [hbm4b:s3+s19], $0x80, s23, s19, $0xb8;
	[tilespmem:$0x1F380] =	vst v63  }
0x3d: {  	_ =	swait.ge [sflag:s24], $0x4000  }
0x3e: {  	[sflag:s24] =	ssyncset.done $0x0  }
0x3f: {  	[sflag:s24] =	ssyncadd.s32 $0xFFFFC000  }
0x40: {  	[spmem:s4] =	stream.indirect.scatter.add.f32 [tilespmem:s21], [sflag:$0x3], $0x80, s25, s19, $0xb8;
	[tilespmem:$0x1F380] =	vst v63  }
0x41: {  	_ =	swait.ge [sflag:s16], $0x4000  }
0x42: {  	[sflag:s16] =	ssyncset.done $0x0  }
0x43: {  	[sflag:s16] =	ssyncadd.s32 $0xFFFFC000  }
0x44: {  	[tilespmem:s21], [sflag:$0x2] =	stream.indirect.gather [hbm4b:s3+s19], $0x80, s26, s19, $0xb8;
	[tilespmem:$0x1F380] =	vst v63  }
0x45: {  	_ =	swait.ge [sflag:s22], $0x4000  }
0x46: {  	[sflag:s22] =	ssyncset.done $0x0  }
0x47: {  	[sflag:s22] =	ssyncadd.s32 $0xFFFFC000  }
0x48: {  	[spmem:s4] =	stream.indirect.scatter.add.f32 [tilespmem:s20], [sflag:$0x3], $0x80, s28, s19, $0xb8;
	[tilespmem:$0x1F380] =	vst v63  }
0x49: {  	_ =	swait.ge [sflag:s16], $0x4000  }
0x4a: {  	[sflag:s16] =	ssyncset.done $0x0  }
0x4b: {  	[sflag:s16] =	ssyncadd.s32 $0xFFFFC000  }
0x4c: {  	[tilespmem:s20], [sflag:$0x1] =	stream.indirect.gather [hbm4b:s3+s19], $0x80, s29, s19, $0xb8;
	[tilespmem:$0x1F380] =	vst v63  }
0x4d: {  	_ =	swait.ge [sflag:s24], $0x4000  }
0x4e: {  	[sflag:s24] =	ssyncset.done $0x0  }
0x4f: {  	[sflag:s24] =	ssyncadd.s32 $0xFFFFC000  }
0x50: {  	[spmem:s4] =	stream.indirect.scatter.add.f32 [tilespmem:s21], [sflag:$0x3], $0x80, s30, s19, $0xb8;
	[tilespmem:$0x1F380] =	vst v63  }
0x51: {  	_ =	swait.ge [sflag:s16], $0x4000  }
0x52: {  	[sflag:s16] =	ssyncset.done $0x0  }
0x53: {  	[sflag:s16] =	ssyncadd.s32 $0xFFFFC000  }
0x54: {  	[tilespmem:s21], [sflag:$0x2] =	stream.indirect.gather [hbm4b:s3+s19], $0x80, s31, s19, $0xb8;
	[tilespmem:$0x1F380] =	vst v63  }
0x55: {  	_ =	swait.ge [sflag:s22], $0x4000  }
0x56: {  	[sflag:s22] =	ssyncset.done $0x0  }
0x57: {  	[sflag:s22] =	ssyncadd.s32 $0xFFFFC000  }
0x58: {  	[spmem:s4] =	stream.indirect.scatter.add.f32 [tilespmem:s20], [sflag:$0x3], $0x80, s0, s19, $0xb8;
	[tilespmem:$0x1F380] =	vst v63  }
0x59: {  	_ =	swait.ge [sflag:s16], $0x4000  }
0x5a: {  	[sflag:s16] =	ssyncset.done $0x0  }
0x5b: {  	[sflag:s16] =	ssyncadd.s32 $0xFFFFC000  }
0x5c: {  	[tilespmem:s20], [sflag:$0x1] =	stream.indirect.gather [hbm4b:s3+s19], $0x80, s2, s19, $0xb8;
	[tilespmem:$0x1F380] =	vst v63  }
0x5d: {  	_ =	swait.ge [sflag:s24], $0x4000  }
0x5e: {  	[sflag:s24] =	ssyncset.done $0x0  }
0x5f: {  	[sflag:s24] =	ssyncadd.s32 $0xFFFFC000  }
0x60: {  	[spmem:s4] =	stream.indirect.scatter.add.f32 [tilespmem:s21], [sflag:$0x3], $0x80, s9, s19, $0xb8;
	[tilespmem:$0x1F380] =	vst v63  }
0x61: {  	_ =	swait.ge [sflag:s16], $0x4000  }
0x62: {  	[sflag:s16] =	ssyncset.done $0x0  }
0x63: {  	[sflag:s16] =	ssyncadd.s32 $0xFFFFC000  }
0x64: {  	[tilespmem:s21], [sflag:$0x2] =	stream.indirect.gather [hbm4b:s3+s19], $0x80, s10, s19, $0xb8;
	[tilespmem:$0x1F380] =	vst v63  }
0x65: {  	_ =	swait.ge [sflag:s22], $0x4000  }
0x66: {  	[sflag:s22] =	ssyncset.done $0x0  }
0x67: {  	s8 =	simm.s32 $0xC00;
	[sflag:s22] =	ssyncadd.s32 $0xFFFFC000  }
0x68: {  	[spmem:s4] =	stream.indirect.scatter.add.f32 [tilespmem:s20], [sflag:$0x3], $0x80, s8, s19, $0xb8;
	[tilespmem:$0x1F380] =	vst v63  }
0x69: {  	_ =	swait.ge [sflag:s16], $0x4000  }
0x6a: {  	[sflag:s16] =	ssyncset.done $0x0  }
0x6b: {  	s11 =	simm.s32 $0x500;
	[sflag:s16] =	ssyncadd.s32 $0xFFFFC000  }
0x6c: {  	[tilespmem:s20], [sflag:$0x1] =	stream.indirect.gather [hbm4b:s3+s19], $0x80, s11, s19, $0xb8;
	[tilespmem:$0x1F380] =	vst v63  }
0x6d: {  	_ =	swait.ge [sflag:s24], $0x4000  }
0x6e: {  	[sflag:s24] =	ssyncset.done $0x0  }
0x6f: {  	s12 =	simm.s32 $0xC80;
	[sflag:s24] =	ssyncadd.s32 $0xFFFFC000  }
0x70: {  	[spmem:s4] =	stream.indirect.scatter.add.f32 [tilespmem:s21], [sflag:$0x3], $0x80, s12, s19, $0xb8;
	[tilespmem:$0x1F380] =	vst v63  }
0x71: {  	_ =	swait.ge [sflag:s16], $0x4000  }
0x72: {  	[sflag:s16] =	ssyncset.done $0x0  }
0x73: {  	s1 =	simm.s32 $0x580;
	[sflag:s16] =	ssyncadd.s32 $0xFFFFC000  }
0x74: {  	[tilespmem:s21], [sflag:$0x2] =	stream.indirect.gather [hbm4b:s3+s19], $0x80, s1, s19, $0xb8;
	[tilespmem:$0x1F380] =	vst v63  }
0x75: {  	_ =	swait.ge [sflag:s22], $0x4000  }
0x76: {  	[sflag:s22] =	ssyncset.done $0x0  }
0x77: {  	s6 =	simm.s32 $0xD00;
	[sflag:s22] =	ssyncadd.s32 $0xFFFFC000  }
0x78: {  	[spmem:s4] =	stream.indirect.scatter.add.f32 [tilespmem:s20], [sflag:$0x3], $0x80, s6, s19, $0xb8;
	[tilespmem:$0x1F380] =	vst v63  }
0x79: {  	_ =	swait.ge [sflag:s16], $0x4000  }
0x7a: {  	[sflag:s16] =	ssyncset.done $0x0  }
0x7b: {  	s7 =	simm.s32 $0x600;
	[sflag:s16] =	ssyncadd.s32 $0xFFFFC000  }
0x7c: {  	[tilespmem:s20], [sflag:$0x1] =	stream.indirect.gather [hbm4b:s3+s19], $0x80, s7, s19, $0xb8;
	[tilespmem:$0x1F380] =	vst v63  }
0x7d: {  	_ =	swait.ge [sflag:s24], $0x4000  }
0x7e: {  	[sflag:s24] =	ssyncset.done $0x0  }
0x7f: {  	s8 =	simm.s32 $0xD80;
	[sflag:s24] =	ssyncadd.s32 $0xFFFFC000  }
0x80: {  	[spmem:s4] =	stream.indirect.scatter.add.f32 [tilespmem:s21], [sflag:$0x3], $0x80, s8, s19, $0xb8;
	[tilespmem:$0x1F380] =	vst v63  }
0x81: {  	_ =	swait.ge [sflag:s16], $0x4000  }
0x82: {  	[sflag:s16] =	ssyncset.done $0x0  }
0x83: {  	s11 =	simm.s32 $0x680;
	[sflag:s16] =	ssyncadd.s32 $0xFFFFC000  }
0x84: {  	[tilespmem:s21], [sflag:$0x2] =	stream.indirect.gather [hbm4b:s3+s19], $0x80, s11, s19, $0xb8;
	[tilespmem:$0x1F380] =	vst v63  }
0x85: {  	_ =	swait.ge [sflag:s22], $0x4000  }
0x86: {  	[sflag:s22] =	ssyncset.done $0x0  }
0x87: {  	s12 =	simm.s32 $0xE00;
	[sflag:s22] =	ssyncadd.s32 $0xFFFFC000  }
0x88: {  	[spmem:s4] =	stream.indirect.scatter.add.f32 [tilespmem:s20], [sflag:$0x3], $0x80, s12, s19, $0xb8;
	[tilespmem:$0x1F380] =	vst v63  }
0x89: {  	_ =	swait.ge [sflag:s16], $0x4000  }
0x8a: {  	[sflag:s16] =	ssyncset.done $0x0  }
0x8b: {  	s1 =	simm.s32 $0x700;
	[sflag:s16] =	ssyncadd.s32 $0xFFFFC000  }
0x8c: {  	[tilespmem:s20], [sflag:$0x1] =	stream.indirect.gather [hbm4b:s3+s19], $0x80, s1, s19, $0xb8;
	[tilespmem:$0x1F380] =	vst v63  }
0x8d: {  	_ =	swait.ge [sflag:s24], $0x4000  }
0x8e: {  	[sflag:s24] =	ssyncset.done $0x0  }
0x8f: {  	s6 =	simm.s32 $0xE80;
	[sflag:s24] =	ssyncadd.s32 $0xFFFFC000  }
0x90: {  	[spmem:s4] =	stream.indirect.scatter.add.f32 [tilespmem:s21], [sflag:$0x3], $0x80, s6, s19, $0xb8;
	[tilespmem:$0x1F380] =	vst v63  }
0x91: {  	_ =	swait.ge [sflag:s16], $0x4000  }
0x92: {  	[sflag:s16] =	ssyncset.done $0x0  }
0x93: {  	s7 =	simm.s32 $0x780;
	[sflag:s16] =	ssyncadd.s32 $0xFFFFC000  }
0x94: {  	[tilespmem:s21], [sflag:$0x2] =	stream.indirect.gather [hbm4b:s3+s19], $0x80, s7, s19, $0xb8;
	[tilespmem:$0x1F380] =	vst v63  }
0x95: {  	_ =	swait.ge [sflag:s22], $0x4000  }
0x96: {  	[sflag:s22] =	ssyncset.done $0x0  }
0x97: {  	s8 =	simm.s32 $0xF00;
	[sflag:s22] =	ssyncadd.s32 $0xFFFFC000  }
0x98: {  	[spmem:s4] =	stream.indirect.scatter.add.f32 [tilespmem:s20], [sflag:$0x3], $0x80, s8, s19, $0xb8;
	[tilespmem:$0x1F380] =	vst v63  }
0x99: {  	_ =	swait.ge [sflag:s16], $0x4000  }
0x9a: {  	[sflag:s16] =	ssyncset.done $0x0  }
0x9b: {  	[sflag:s16] =	ssyncadd.s32 $0xFFFFC000  }
0x9c: {  	_ =	swait.ge [sflag:s24], $0x4000  }
0x9d: {  	[sflag:s24] =	ssyncset.done $0x0  }
0x9e: {  	s11 =	simm.s32 $0xF80;
	[sflag:s24] =	ssyncadd.s32 $0xFFFFC000  }
0x9f: {  	[spmem:s4] =	stream.indirect.scatter.add.f32 [tilespmem:s21], [sflag:$0x3], $0x80, s11, s19, $0xb8;
	[tilespmem:$0x1F380] =	vst v63  }
0xa0: {  	_ =	swait.ge [sflag:s16], $0x4000  }
0xa1: {  	[sflag:s16] =	ssyncset.done $0x0  }
0xa2: {  	[sflag:s16] =	ssyncadd.s32 $0xFFFFC000  }
0xa3: {  	[bflag:$0x0] =	sbarrier.arrive $0xFFFF  }
0xa4: {  	s11 =	rddreg [dreg:$0x8]  }
0xa5: {  	s12 =	rddreg [dreg:$0x9]  }
0xa6: {  	s1 =	rddreg [dreg:$0xd]  }
0xa7: {  	[hbm:s12], [sflag:s11] =	dma.local [spmem:s1], $0x2780  }
0xa8: {  	s12 =	rddreg [dreg:$0x0]  }
0xa9: {  	s0 =	rddreg [dreg:$0xe]  }
.LBB2_7:
0xaa: {  	_ =	swait.ge [sflag:s16], $0x2780  }
0xab: {  	s0 =	sadd.s32 $0x1, s0;
	s6 =	rddreg [dreg:$0xc]  }
0xac: {  	p1 =	sne.s32 s0, s6  }
.Ltmp1:
0xad: {  	_ = 	snop;
	(pc) =	sbr.rel @!p1 .LBB2_8-.Ltmp1, $3  }
0xae: {  	_ =	sdelay $0x1  }
0xaf: {  	[sflag:s16] =	ssyncset.done $0x0  }
0xb0: {  	[sflag:s16] =	ssyncadd.s32 $0xFFFFD880  }
.LBB2_1:
0xb1: {  	[dreg:$0xe] =	wrdreg s0  }
0xb2: {  	s6 =	rddreg [dreg:$0x7]  }
0xb3: {  	[spmem:s1], [sflag:s11] =	dma.local [hbm:s6], $0x2780  }
0xb4: {  	_ =	swait.ge [sflag:s16], $0x2780  }
0xb5: {  	[sflag:s16] =	ssyncset.done $0x0  }
0xb6: {  	s11 =	rddreg [dreg:$0x6];
	[sflag:s16] =	ssyncadd.s32 $0xFFFFD880  }
0xb7: {  	[tilespmem:s17], [sflag:$0x3] =	stream.linear.gather [hbm4b:s11+s5], $0x2780, $0x38;
	[tilespmem:$0x1F380] =	vst v63  }
.Ltmp2:
0xb8: {  	_ =	swait.ge [sflag:s16], $0x2780;
	(pc) =	sbr.rel @p0 .LBB2_4-.Ltmp2, $4  }
0xb9: {  	[sflag:s16] =	ssyncset.done $0x0  }
0xba: {  	[sflag:s16] =	ssyncadd.s32 $0xFFFFD880  }
0xbb: {  	s0 =	simm.s32 $0xB00;
	s7 =	simm.s32 $0x100;
	[bflag:$0x0] =	sbarrier.arrive $0xFFFF  }
0xbc: {  	s8 =	simm.s32 $0x880;
	s1 =	simm.s32 $0x900;
	s11 =	simm.s32 $0x0  }
.LBB2_2:
0xbd: {  	s6 =	sadd.s32 s11, s14  }
0xbe: {  	[tilespmem:s5], [sflag:$0x3] =	stream.linear.gather [hbm4b:s6+s5], $0x800, $0x38;
	[tilespmem:$0x1F380] =	vst v63  }
0xbf: {  	_ =	swait.ge [sflag:s16], $0x800  }
0xc0: {  	[sflag:s16] =	ssyncset.done $0x0  }
0xc1: {  	s6 =	sadd.s32 s11, s13;
	[sflag:s16] =	ssyncadd.s32 $0xFFFFF800  }
0xc2: {  	[tilespmem:s18], [sflag:$0x3] =	stream.linear.gather [hbm4b:s6+s5], $0x800, $0x38;
	[tilespmem:$0x1F380] =	vst v63  }
0xc3: {  	_ =	swait.ge [sflag:s16], $0x800  }
0xc4: {  	[sflag:s16] =	ssyncset.done $0x0  }
0xc5: {  	[sflag:s16] =	ssyncadd.s32 $0xFFFFF800  }
0xc6: {  	[tilespmem:s20], [sflag:$0x1] =	stream.indirect.gather [hbm4b:s12+s19], $0x80, s5, s19, $0xb8;
	[tilespmem:$0x1F380] =	vst v63  }
0xc7: {  	_ = 	snop  }
0xc8: {  	[tilespmem:s21], [sflag:$0x2] =	stream.indirect.gather [hbm4b:s12+s19], $0x80, s19, s19, $0xb8;
	[tilespmem:$0x1F380] =	vst v63  }
0xc9: {  	_ =	swait.ge [sflag:s22], $0x4000  }
0xca: {  	[sflag:s22] =	ssyncset.done $0x0  }
0xcb: {  	[sflag:s22] =	ssyncadd.s32 $0xFFFFC000  }
0xcc: {  	[spmem:s4] =	stream.indirect.scatter.add.f32 [tilespmem:s20], [sflag:$0x3], $0x80, s18, s19, $0xb8;
	[tilespmem:$0x1F380] =	vst v63  }
0xcd: {  	_ =	swait.ge [sflag:s16], $0x4000  }
0xce: {  	[sflag:s16] =	ssyncset.done $0x0  }
0xcf: {  	[sflag:s16] =	ssyncadd.s32 $0xFFFFC000  }
0xd0: {  	v1 =	vld [tilespmem:$0x800];
	_ =	sdelay $0x7  }
0xd1: {  	[tilespmem:v1+s17+$0x0] =	vst.idx.add.f32.msk $0xffff, v0  }
0xd2: {  	v1 =	vld [tilespmem:$0x810];
	_ =	sdelay $0x7  }
0xd3: {  	[tilespmem:v1+s17+$0x0] =	vst.idx.add.f32.msk $0xffff, v0  }
0xd4: {  	v1 =	vld [tilespmem:$0x820];
	_ =	sdelay $0x7  }
0xd5: {  	[tilespmem:v1+s17+$0x0] =	vst.idx.add.f32.msk $0xffff, v0  }
0xd6: {  	v1 =	vld [tilespmem:$0x830];
	_ =	sdelay $0x7  }
0xd7: {  	[tilespmem:v1+s17+$0x0] =	vst.idx.add.f32.msk $0xffff, v0  }
0xd8: {  	v1 =	vld [tilespmem:$0x840];
	_ =	sdelay $0x7  }
0xd9: {  	[tilespmem:v1+s17+$0x0] =	vst.idx.add.f32.msk $0xffff, v0  }
0xda: {  	v1 =	vld [tilespmem:$0x850];
	_ =	sdelay $0x7  }
0xdb: {  	[tilespmem:v1+s17+$0x0] =	vst.idx.add.f32.msk $0xffff, v0  }
0xdc: {  	v1 =	vld [tilespmem:$0x860];
	_ =	sdelay $0x7  }
0xdd: {  	[tilespmem:v1+s17+$0x0] =	vst.idx.add.f32.msk $0xffff, v0  }
0xde: {  	v1 =	vld [tilespmem:$0x870];
	_ =	sdelay $0x7  }
0xdf: {  	[tilespmem:v1+s17+$0x0] =	vst.idx.add.f32.msk $0xffff, v0  }
0xe0: {  	[tilespmem:s20], [sflag:$0x1] =	stream.indirect.gather [hbm4b:s12+s19], $0x80, s7, s19, $0xb8;
	[tilespmem:$0x1F380] =	vst v63  }
0xe1: {  	_ =	swait.ge [sflag:s24], $0x4000  }
0xe2: {  	[sflag:s24] =	ssyncset.done $0x0  }
0xe3: {  	[sflag:s24] =	ssyncadd.s32 $0xFFFFC000  }
0xe4: {  	[spmem:s4] =	stream.indirect.scatter.add.f32 [tilespmem:s21], [sflag:$0x3], $0x80, s8, s19, $0xb8;
	[tilespmem:$0x1F380] =	vst v63  }
0xe5: {  	_ =	swait.ge [sflag:s16], $0x4000  }
0xe6: {  	[sflag:s16] =	ssyncset.done $0x0  }
0xe7: {  	[sflag:s16] =	ssyncadd.s32 $0xFFFFC000  }
0xe8: {  	v1 =	vld [tilespmem:$0x880];
	_ =	sdelay $0x7  }
0xe9: {  	[tilespmem:v1+s17+$0x0] =	vst.idx.add.f32.msk $0xffff, v0  }
0xea: {  	v1 =	vld [tilespmem:$0x890];
	_ =	sdelay $0x7  }
0xeb: {  	[tilespmem:v1+s17+$0x0] =	vst.idx.add.f32.msk $0xffff, v0  }
0xec: {  	v1 =	vld [tilespmem:$0x8A0];
	_ =	sdelay $0x7  }
0xed: {  	[tilespmem:v1+s17+$0x0] =	vst.idx.add.f32.msk $0xffff, v0  }
0xee: {  	v1 =	vld [tilespmem:$0x8B0];
	_ =	sdelay $0x7  }
0xef: {  	[tilespmem:v1+s17+$0x0] =	vst.idx.add.f32.msk $0xffff, v0  }
0xf0: {  	v1 =	vld [tilespmem:$0x8C0];
	_ =	sdelay $0x7  }
0xf1: {  	[tilespmem:v1+s17+$0x0] =	vst.idx.add.f32.msk $0xffff, v0  }
0xf2: {  	v1 =	vld [tilespmem:$0x8D0];
	_ =	sdelay $0x7  }
0xf3: {  	[tilespmem:v1+s17+$0x0] =	vst.idx.add.f32.msk $0xffff, v0  }
0xf4: {  	v1 =	vld [tilespmem:$0x8E0];
	_ =	sdelay $0x7  }
0xf5: {  	[tilespmem:v1+s17+$0x0] =	vst.idx.add.f32.msk $0xffff, v0  }
0xf6: {  	v1 =	vld [tilespmem:$0x8F0];
	_ =	sdelay $0x7  }
0xf7: {  	[tilespmem:v1+s17+$0x0] =	vst.idx.add.f32.msk $0xffff, v0  }
0xf8: {  	[tilespmem:s21], [sflag:$0x2] =	stream.indirect.gather [hbm4b:s12+s19], $0x80, s15, s19, $0xb8;
	[tilespmem:$0x1F380] =	vst v63  }
0xf9: {  	_ =	swait.ge [sflag:s22], $0x4000  }
0xfa: {  	[sflag:s22] =	ssyncset.done $0x0  }
0xfb: {  	[sflag:s22] =	ssyncadd.s32 $0xFFFFC000  }
0xfc: {  	[spmem:s4] =	stream.indirect.scatter.add.f32 [tilespmem:s20], [sflag:$0x3], $0x80, s1, s19, $0xb8;
	[tilespmem:$0x1F380] =	vst v63  }
0xfd: {  	_ =	swait.ge [sflag:s16], $0x4000  }
0xfe: {  	[sflag:s16] =	ssyncset.done $0x0  }
0xff: {  	[sflag:s16] =	ssyncadd.s32 $0xFFFFC000  }
0x100: {  	v1 =	vld [tilespmem:$0x900];
	_ =	sdelay $0x7  }
0x101: {  	[tilespmem:v1+s17+$0x0] =	vst.idx.add.f32.msk $0xffff, v0  }
0x102: {  	v1 =	vld [tilespmem:$0x910];
	_ =	sdelay $0x7  }
0x103: {  	[tilespmem:v1+s17+$0x0] =	vst.idx.add.f32.msk $0xffff, v0  }
0x104: {  	v1 =	vld [tilespmem:$0x920];
	_ =	sdelay $0x7  }
0x105: {  	[tilespmem:v1+s17+$0x0] =	vst.idx.add.f32.msk $0xffff, v0  }
0x106: {  	v1 =	vld [tilespmem:$0x930];
	_ =	sdelay $0x7  }
0x107: {  	[tilespmem:v1+s17+$0x0] =	vst.idx.add.f32.msk $0xffff, v0  }
0x108: {  	v1 =	vld [tilespmem:$0x940];
	_ =	sdelay $0x7  }
0x109: {  	[tilespmem:v1+s17+$0x0] =	vst.idx.add.f32.msk $0xffff, v0  }
0x10a: {  	v1 =	vld [tilespmem:$0x950];
	_ =	sdelay $0x7  }
0x10b: {  	[tilespmem:v1+s17+$0x0] =	vst.idx.add.f32.msk $0xffff, v0  }
0x10c: {  	v1 =	vld [tilespmem:$0x960];
	_ =	sdelay $0x7  }
0x10d: {  	[tilespmem:v1+s17+$0x0] =	vst.idx.add.f32.msk $0xffff, v0  }
0x10e: {  	v1 =	vld [tilespmem:$0x970];
	_ =	sdelay $0x7  }
0x10f: {  	[tilespmem:v1+s17+$0x0] =	vst.idx.add.f32.msk $0xffff, v0  }
0x110: {  	[tilespmem:s20], [sflag:$0x1] =	stream.indirect.gather [hbm4b:s12+s19], $0x80, s23, s19, $0xb8;
	[tilespmem:$0x1F380] =	vst v63  }
0x111: {  	_ =	swait.ge [sflag:s24], $0x4000  }
0x112: {  	[sflag:s24] =	ssyncset.done $0x0  }
0x113: {  	[sflag:s24] =	ssyncadd.s32 $0xFFFFC000  }
0x114: {  	[spmem:s4] =	stream.indirect.scatter.add.f32 [tilespmem:s21], [sflag:$0x3], $0x80, s25, s19, $0xb8;
	[tilespmem:$0x1F380] =	vst v63  }
0x115: {  	_ =	swait.ge [sflag:s16], $0x4000  }
0x116: {  	[sflag:s16] =	ssyncset.done $0x0  }
0x117: {  	[sflag:s16] =	ssyncadd.s32 $0xFFFFC000  }
0x118: {  	v1 =	vld [tilespmem:$0x980];
	_ =	sdelay $0x7  }
0x119: {  	[tilespmem:v1+s17+$0x0] =	vst.idx.add.f32.msk $0xffff, v0  }
0x11a: {  	v1 =	vld [tilespmem:$0x990];
	_ =	sdelay $0x7  }
0x11b: {  	[tilespmem:v1+s17+$0x0] =	vst.idx.add.f32.msk $0xffff, v0  }
0x11c: {  	v1 =	vld [tilespmem:$0x9A0];
	_ =	sdelay $0x7  }
0x11d: {  	[tilespmem:v1+s17+$0x0] =	vst.idx.add.f32.msk $0xffff, v0  }
0x11e: {  	v1 =	vld [tilespmem:$0x9B0];
	_ =	sdelay $0x7  }
0x11f: {  	[tilespmem:v1+s17+$0x0] =	vst.idx.add.f32.msk $0xffff, v0  }
0x120: {  	v1 =	vld [tilespmem:$0x9C0];
	_ =	sdelay $0x7  }
0x121: {  	[tilespmem:v1+s17+$0x0] =	vst.idx.add.f32.msk $0xffff, v0  }
0x122: {  	v1 =	vld [tilespmem:$0x9D0];
	_ =	sdelay $0x7  }
0x123: {  	[tilespmem:v1+s17+$0x0] =	vst.idx.add.f32.msk $0xffff, v0  }
0x124: {  	v1 =	vld [tilespmem:$0x9E0];
	_ =	sdelay $0x7  }
0x125: {  	[tilespmem:v1+s17+$0x0] =	vst.idx.add.f32.msk $0xffff, v0  }
0x126: {  	v1 =	vld [tilespmem:$0x9F0];
	_ =	sdelay $0x7  }
0x127: {  	[tilespmem:v1+s17+$0x0] =	vst.idx.add.f32.msk $0xffff, v0  }
0x128: {  	[tilespmem:s21], [sflag:$0x2] =	stream.indirect.gather [hbm4b:s12+s19], $0x80, s26, s19, $0xb8;
	[tilespmem:$0x1F380] =	vst v63  }
0x129: {  	_ =	swait.ge [sflag:s22], $0x4000  }
0x12a: {  	[sflag:s22] =	ssyncset.done $0x0  }
0x12b: {  	[sflag:s22] =	ssyncadd.s32 $0xFFFFC000  }
0x12c: {  	[spmem:s4] =	stream.indirect.scatter.add.f32 [tilespmem:s20], [sflag:$0x3], $0x80, s28, s19, $0xb8;
	[tilespmem:$0x1F380] =	vst v63  }
0x12d: {  	_ =	swait.ge [sflag:s16], $0x4000  }
0x12e: {  	[sflag:s16] =	ssyncset.done $0x0  }
0x12f: {  	[sflag:s16] =	ssyncadd.s32 $0xFFFFC000  }
0x130: {  	v1 =	vld [tilespmem:$0xA00];
	_ =	sdelay $0x7  }
0x131: {  	[tilespmem:v1+s17+$0x0] =	vst.idx.add.f32.msk $0xffff, v0  }
0x132: {  	v1 =	vld [tilespmem:$0xA10];
	_ =	sdelay $0x7  }
0x133: {  	[tilespmem:v1+s17+$0x0] =	vst.idx.add.f32.msk $0xffff, v0  }
0x134: {  	v1 =	vld [tilespmem:$0xA20];
	_ =	sdelay $0x7  }
0x135: {  	[tilespmem:v1+s17+$0x0] =	vst.idx.add.f32.msk $0xffff, v0  }
0x136: {  	v1 =	vld [tilespmem:$0xA30];
	_ =	sdelay $0x7  }
0x137: {  	[tilespmem:v1+s17+$0x0] =	vst.idx.add.f32.msk $0xffff, v0  }
0x138: {  	v1 =	vld [tilespmem:$0xA40];
	_ =	sdelay $0x7  }
0x139: {  	[tilespmem:v1+s17+$0x0] =	vst.idx.add.f32.msk $0xffff, v0  }
0x13a: {  	v1 =	vld [tilespmem:$0xA50];
	_ =	sdelay $0x7  }
0x13b: {  	[tilespmem:v1+s17+$0x0] =	vst.idx.add.f32.msk $0xffff, v0  }
0x13c: {  	v1 =	vld [tilespmem:$0xA60];
	_ =	sdelay $0x7  }
0x13d: {  	[tilespmem:v1+s17+$0x0] =	vst.idx.add.f32.msk $0xffff, v0  }
0x13e: {  	v1 =	vld [tilespmem:$0xA70];
	_ =	sdelay $0x7  }
0x13f: {  	[tilespmem:v1+s17+$0x0] =	vst.idx.add.f32.msk $0xffff, v0  }
0x140: {  	[tilespmem:s20], [sflag:$0x1] =	stream.indirect.gather [hbm4b:s12+s19], $0x80, s29, s19, $0xb8;
	[tilespmem:$0x1F380] =	vst v63  }
0x141: {  	_ =	swait.ge [sflag:s24], $0x4000  }
0x142: {  	[sflag:s24] =	ssyncset.done $0x0  }
0x143: {  	[sflag:s24] =	ssyncadd.s32 $0xFFFFC000  }
0x144: {  	[spmem:s4] =	stream.indirect.scatter.add.f32 [tilespmem:s21], [sflag:$0x3], $0x80, s30, s19, $0xb8;
	[tilespmem:$0x1F380] =	vst v63  }
0x145: {  	_ =	swait.ge [sflag:s16], $0x4000  }
0x146: {  	[sflag:s16] =	ssyncset.done $0x0  }
0x147: {  	[sflag:s16] =	ssyncadd.s32 $0xFFFFC000  }
0x148: {  	v1 =	vld [tilespmem:$0xA80];
	_ =	sdelay $0x7  }
0x149: {  	[tilespmem:v1+s17+$0x0] =	vst.idx.add.f32.msk $0xffff, v0  }
0x14a: {  	v1 =	vld [tilespmem:$0xA90];
	_ =	sdelay $0x7  }
0x14b: {  	[tilespmem:v1+s17+$0x0] =	vst.idx.add.f32.msk $0xffff, v0  }
0x14c: {  	v1 =	vld [tilespmem:$0xAA0];
	_ =	sdelay $0x7  }
0x14d: {  	[tilespmem:v1+s17+$0x0] =	vst.idx.add.f32.msk $0xffff, v0  }
0x14e: {  	v1 =	vld [tilespmem:$0xAB0];
	_ =	sdelay $0x7  }
0x14f: {  	[tilespmem:v1+s17+$0x0] =	vst.idx.add.f32.msk $0xffff, v0  }
0x150: {  	v1 =	vld [tilespmem:$0xAC0];
	_ =	sdelay $0x7  }
0x151: {  	[tilespmem:v1+s17+$0x0] =	vst.idx.add.f32.msk $0xffff, v0  }
0x152: {  	v1 =	vld [tilespmem:$0xAD0];
	_ =	sdelay $0x7  }
0x153: {  	[tilespmem:v1+s17+$0x0] =	vst.idx.add.f32.msk $0xffff, v0  }
0x154: {  	v1 =	vld [tilespmem:$0xAE0];
	_ =	sdelay $0x7  }
0x155: {  	[tilespmem:v1+s17+$0x0] =	vst.idx.add.f32.msk $0xffff, v0  }
0x156: {  	v1 =	vld [tilespmem:$0xAF0];
	_ =	sdelay $0x7  }
0x157: {  	[tilespmem:v1+s17+$0x0] =	vst.idx.add.f32.msk $0xffff, v0  }
0x158: {  	[tilespmem:s21], [sflag:$0x2] =	stream.indirect.gather [hbm4b:s12+s19], $0x80, s31, s19, $0xb8;
	[tilespmem:$0x1F380] =	vst v63  }
0x159: {  	_ =	swait.ge [sflag:s22], $0x4000  }
0x15a: {  	[sflag:s22] =	ssyncset.done $0x0  }
0x15b: {  	[sflag:s22] =	ssyncadd.s32 $0xFFFFC000  }
0x15c: {  	[spmem:s4] =	stream.indirect.scatter.add.f32 [tilespmem:s20], [sflag:$0x3], $0x80, s0, s19, $0xb8;
	[tilespmem:$0x1F380] =	vst v63  }
0x15d: {  	_ =	swait.ge [sflag:s16], $0x4000  }
0x15e: {  	[sflag:s16] =	ssyncset.done $0x0  }
0x15f: {  	[sflag:s16] =	ssyncadd.s32 $0xFFFFC000  }
0x160: {  	v1 =	vld [tilespmem:$0xB00];
	_ =	sdelay $0x7  }
0x161: {  	[tilespmem:v1+s17+$0x0] =	vst.idx.add.f32.msk $0xffff, v0  }
0x162: {  	v1 =	vld [tilespmem:$0xB10];
	_ =	sdelay $0x7  }
0x163: {  	[tilespmem:v1+s17+$0x0] =	vst.idx.add.f32.msk $0xffff, v0  }
0x164: {  	v1 =	vld [tilespmem:$0xB20];
	_ =	sdelay $0x7  }
0x165: {  	[tilespmem:v1+s17+$0x0] =	vst.idx.add.f32.msk $0xffff, v0  }
0x166: {  	v1 =	vld [tilespmem:$0xB30];
	_ =	sdelay $0x7  }
0x167: {  	[tilespmem:v1+s17+$0x0] =	vst.idx.add.f32.msk $0xffff, v0  }
0x168: {  	v1 =	vld [tilespmem:$0xB40];
	_ =	sdelay $0x7  }
0x169: {  	[tilespmem:v1+s17+$0x0] =	vst.idx.add.f32.msk $0xffff, v0  }
0x16a: {  	v1 =	vld [tilespmem:$0xB50];
	_ =	sdelay $0x7  }
0x16b: {  	[tilespmem:v1+s17+$0x0] =	vst.idx.add.f32.msk $0xffff, v0  }
0x16c: {  	v1 =	vld [tilespmem:$0xB60];
	_ =	sdelay $0x7  }
0x16d: {  	[tilespmem:v1+s17+$0x0] =	vst.idx.add.f32.msk $0xffff, v0  }
0x16e: {  	v1 =	vld [tilespmem:$0xB70];
	_ =	sdelay $0x7  }
0x16f: {  	[tilespmem:v1+s17+$0x0] =	vst.idx.add.f32.msk $0xffff, v0  }
0x170: {  	[tilespmem:s20], [sflag:$0x1] =	stream.indirect.gather [hbm4b:s12+s19], $0x80, s2, s19, $0xb8;
	[tilespmem:$0x1F380] =	vst v63  }
0x171: {  	_ =	swait.ge [sflag:s24], $0x4000  }
0x172: {  	[sflag:s24] =	ssyncset.done $0x0  }
0x173: {  	[sflag:s24] =	ssyncadd.s32 $0xFFFFC000  }
0x174: {  	[spmem:s4] =	stream.indirect.scatter.add.f32 [tilespmem:s21], [sflag:$0x3], $0x80, s9, s19, $0xb8;
	[tilespmem:$0x1F380] =	vst v63  }
0x175: {  	_ =	swait.ge [sflag:s16], $0x4000  }
0x176: {  	[sflag:s16] =	ssyncset.done $0x0  }
0x177: {  	[sflag:s16] =	ssyncadd.s32 $0xFFFFC000  }
0x178: {  	v1 =	vld [tilespmem:$0xB80];
	_ =	sdelay $0x7  }
0x179: {  	[tilespmem:v1+s17+$0x0] =	vst.idx.add.f32.msk $0xffff, v0  }
0x17a: {  	v1 =	vld [tilespmem:$0xB90];
	_ =	sdelay $0x7  }
0x17b: {  	[tilespmem:v1+s17+$0x0] =	vst.idx.add.f32.msk $0xffff, v0  }
0x17c: {  	v1 =	vld [tilespmem:$0xBA0];
	_ =	sdelay $0x7  }
0x17d: {  	[tilespmem:v1+s17+$0x0] =	vst.idx.add.f32.msk $0xffff, v0  }
0x17e: {  	v1 =	vld [tilespmem:$0xBB0];
	_ =	sdelay $0x7  }
0x17f: {  	[tilespmem:v1+s17+$0x0] =	vst.idx.add.f32.msk $0xffff, v0  }
0x180: {  	v1 =	vld [tilespmem:$0xBC0];
	_ =	sdelay $0x7  }
0x181: {  	[tilespmem:v1+s17+$0x0] =	vst.idx.add.f32.msk $0xffff, v0  }
0x182: {  	v1 =	vld [tilespmem:$0xBD0];
	_ =	sdelay $0x7  }
0x183: {  	[tilespmem:v1+s17+$0x0] =	vst.idx.add.f32.msk $0xffff, v0  }
0x184: {  	v1 =	vld [tilespmem:$0xBE0];
	_ =	sdelay $0x7  }
0x185: {  	[tilespmem:v1+s17+$0x0] =	vst.idx.add.f32.msk $0xffff, v0  }
0x186: {  	v1 =	vld [tilespmem:$0xBF0];
	_ =	sdelay $0x7  }
0x187: {  	[tilespmem:v1+s17+$0x0] =	vst.idx.add.f32.msk $0xffff, v0  }
0x188: {  	[tilespmem:s21], [sflag:$0x2] =	stream.indirect.gather [hbm4b:s12+s19], $0x80, s10, s19, $0xb8;
	[tilespmem:$0x1F380] =	vst v63  }
0x189: {  	_ =	swait.ge [sflag:s22], $0x4000  }
0x18a: {  	[sflag:s22] =	ssyncset.done $0x0  }
0x18b: {  	s6 =	simm.s32 $0xC00;
	[sflag:s22] =	ssyncadd.s32 $0xFFFFC000  }
0x18c: {  	[spmem:s4] =	stream.indirect.scatter.add.f32 [tilespmem:s20], [sflag:$0x3], $0x80, s6, s19, $0xb8;
	[tilespmem:$0x1F380] =	vst v63  }
0x18d: {  	_ =	swait.ge [sflag:s16], $0x4000  }
0x18e: {  	[sflag:s16] =	ssyncset.done $0x0  }
0x18f: {  	[sflag:s16] =	ssyncadd.s32 $0xFFFFC000  }
0x190: {  	v1 =	vld [tilespmem:$0xC00];
	_ =	sdelay $0x7  }
0x191: {  	[tilespmem:v1+s17+$0x0] =	vst.idx.add.f32.msk $0xffff, v0  }
0x192: {  	v1 =	vld [tilespmem:$0xC10];
	_ =	sdelay $0x7  }
0x193: {  	[tilespmem:v1+s17+$0x0] =	vst.idx.add.f32.msk $0xffff, v0  }
0x194: {  	v1 =	vld [tilespmem:$0xC20];
	_ =	sdelay $0x7  }
0x195: {  	[tilespmem:v1+s17+$0x0] =	vst.idx.add.f32.msk $0xffff, v0  }
0x196: {  	v1 =	vld [tilespmem:$0xC30];
	_ =	sdelay $0x7  }
0x197: {  	[tilespmem:v1+s17+$0x0] =	vst.idx.add.f32.msk $0xffff, v0  }
0x198: {  	v1 =	vld [tilespmem:$0xC40];
	_ =	sdelay $0x7  }
0x199: {  	[tilespmem:v1+s17+$0x0] =	vst.idx.add.f32.msk $0xffff, v0  }
0x19a: {  	v1 =	vld [tilespmem:$0xC50];
	_ =	sdelay $0x7  }
0x19b: {  	[tilespmem:v1+s17+$0x0] =	vst.idx.add.f32.msk $0xffff, v0  }
0x19c: {  	v1 =	vld [tilespmem:$0xC60];
	_ =	sdelay $0x7  }
0x19d: {  	[tilespmem:v1+s17+$0x0] =	vst.idx.add.f32.msk $0xffff, v0  }
0x19e: {  	v1 =	vld [tilespmem:$0xC70];
	_ =	sdelay $0x7  }
0x19f: {  	s6 =	simm.s32 $0x500;
	[tilespmem:v1+s17+$0x0] =	vst.idx.add.f32.msk $0xffff, v0  }
0x1a0: {  	[tilespmem:s20], [sflag:$0x1] =	stream.indirect.gather [hbm4b:s12+s19], $0x80, s6, s19, $0xb8;
	[tilespmem:$0x1F380] =	vst v63  }
0x1a1: {  	_ =	swait.ge [sflag:s24], $0x4000  }
0x1a2: {  	[sflag:s24] =	ssyncset.done $0x0  }
0x1a3: {  	s6 =	simm.s32 $0xC80;
	[sflag:s24] =	ssyncadd.s32 $0xFFFFC000  }
0x1a4: {  	[spmem:s4] =	stream.indirect.scatter.add.f32 [tilespmem:s21], [sflag:$0x3], $0x80, s6, s19, $0xb8;
	[tilespmem:$0x1F380] =	vst v63  }
0x1a5: {  	_ =	swait.ge [sflag:s16], $0x4000  }
0x1a6: {  	[sflag:s16] =	ssyncset.done $0x0  }
0x1a7: {  	[sflag:s16] =	ssyncadd.s32 $0xFFFFC000  }
0x1a8: {  	v1 =	vld [tilespmem:$0xC80];
	_ =	sdelay $0x7  }
0x1a9: {  	[tilespmem:v1+s17+$0x0] =	vst.idx.add.f32.msk $0xffff, v0  }
0x1aa: {  	v1 =	vld [tilespmem:$0xC90];
	_ =	sdelay $0x7  }
0x1ab: {  	[tilespmem:v1+s17+$0x0] =	vst.idx.add.f32.msk $0xffff, v0  }
0x1ac: {  	v1 =	vld [tilespmem:$0xCA0];
	_ =	sdelay $0x7  }
0x1ad: {  	[tilespmem:v1+s17+$0x0] =	vst.idx.add.f32.msk $0xffff, v0  }
0x1ae: {  	v1 =	vld [tilespmem:$0xCB0];
	_ =	sdelay $0x7  }
0x1af: {  	[tilespmem:v1+s17+$0x0] =	vst.idx.add.f32.msk $0xffff, v0  }
0x1b0: {  	v1 =	vld [tilespmem:$0xCC0];
	_ =	sdelay $0x7  }
0x1b1: {  	[tilespmem:v1+s17+$0x0] =	vst.idx.add.f32.msk $0xffff, v0  }
0x1b2: {  	v1 =	vld [tilespmem:$0xCD0];
	_ =	sdelay $0x7  }
0x1b3: {  	[tilespmem:v1+s17+$0x0] =	vst.idx.add.f32.msk $0xffff, v0  }
0x1b4: {  	v1 =	vld [tilespmem:$0xCE0];
	_ =	sdelay $0x7  }
0x1b5: {  	[tilespmem:v1+s17+$0x0] =	vst.idx.add.f32.msk $0xffff, v0  }
0x1b6: {  	v1 =	vld [tilespmem:$0xCF0];
	_ =	sdelay $0x7  }
0x1b7: {  	s6 =	simm.s32 $0x580;
	[tilespmem:v1+s17+$0x0] =	vst.idx.add.f32.msk $0xffff, v0  }
0x1b8: {  	[tilespmem:s21], [sflag:$0x2] =	stream.indirect.gather [hbm4b:s12+s19], $0x80, s6, s19, $0xb8;
	[tilespmem:$0x1F380] =	vst v63  }
0x1b9: {  	_ =	swait.ge [sflag:s22], $0x4000  }
0x1ba: {  	[sflag:s22] =	ssyncset.done $0x0  }
0x1bb: {  	s6 =	simm.s32 $0xD00;
	[sflag:s22] =	ssyncadd.s32 $0xFFFFC000  }
0x1bc: {  	[spmem:s4] =	stream.indirect.scatter.add.f32 [tilespmem:s20], [sflag:$0x3], $0x80, s6, s19, $0xb8;
	[tilespmem:$0x1F380] =	vst v63  }
0x1bd: {  	_ =	swait.ge [sflag:s16], $0x4000  }
0x1be: {  	[sflag:s16] =	ssyncset.done $0x0  }
0x1bf: {  	[sflag:s16] =	ssyncadd.s32 $0xFFFFC000  }
0x1c0: {  	v1 =	vld [tilespmem:$0xD00];
	_ =	sdelay $0x7  }
0x1c1: {  	[tilespmem:v1+s17+$0x0] =	vst.idx.add.f32.msk $0xffff, v0  }
0x1c2: {  	v1 =	vld [tilespmem:$0xD10];
	_ =	sdelay $0x7  }
0x1c3: {  	[tilespmem:v1+s17+$0x0] =	vst.idx.add.f32.msk $0xffff, v0  }
0x1c4: {  	v1 =	vld [tilespmem:$0xD20];
	_ =	sdelay $0x7  }
0x1c5: {  	[tilespmem:v1+s17+$0x0] =	vst.idx.add.f32.msk $0xffff, v0  }
0x1c6: {  	v1 =	vld [tilespmem:$0xD30];
	_ =	sdelay $0x7  }
0x1c7: {  	[tilespmem:v1+s17+$0x0] =	vst.idx.add.f32.msk $0xffff, v0  }
0x1c8: {  	v1 =	vld [tilespmem:$0xD40];
	_ =	sdelay $0x7  }
0x1c9: {  	[tilespmem:v1+s17+$0x0] =	vst.idx.add.f32.msk $0xffff, v0  }
0x1ca: {  	v1 =	vld [tilespmem:$0xD50];
	_ =	sdelay $0x7  }
0x1cb: {  	[tilespmem:v1+s17+$0x0] =	vst.idx.add.f32.msk $0xffff, v0  }
0x1cc: {  	v1 =	vld [tilespmem:$0xD60];
	_ =	sdelay $0x7  }
0x1cd: {  	[tilespmem:v1+s17+$0x0] =	vst.idx.add.f32.msk $0xffff, v0  }
0x1ce: {  	v1 =	vld [tilespmem:$0xD70];
	_ =	sdelay $0x7  }
0x1cf: {  	s6 =	simm.s32 $0x600;
	[tilespmem:v1+s17+$0x0] =	vst.idx.add.f32.msk $0xffff, v0  }
0x1d0: {  	[tilespmem:s20], [sflag:$0x1] =	stream.indirect.gather [hbm4b:s12+s19], $0x80, s6, s19, $0xb8;
	[tilespmem:$0x1F380] =	vst v63  }
0x1d1: {  	_ =	swait.ge [sflag:s24], $0x4000  }
0x1d2: {  	[sflag:s24] =	ssyncset.done $0x0  }
0x1d3: {  	s6 =	simm.s32 $0xD80;
	[sflag:s24] =	ssyncadd.s32 $0xFFFFC000  }
0x1d4: {  	[spmem:s4] =	stream.indirect.scatter.add.f32 [tilespmem:s21], [sflag:$0x3], $0x80, s6, s19, $0xb8;
	[tilespmem:$0x1F380] =	vst v63  }
0x1d5: {  	_ =	swait.ge [sflag:s16], $0x4000  }
0x1d6: {  	[sflag:s16] =	ssyncset.done $0x0  }
0x1d7: {  	[sflag:s16] =	ssyncadd.s32 $0xFFFFC000  }
0x1d8: {  	v1 =	vld [tilespmem:$0xD80];
	_ =	sdelay $0x7  }
0x1d9: {  	[tilespmem:v1+s17+$0x0] =	vst.idx.add.f32.msk $0xffff, v0  }
0x1da: {  	v1 =	vld [tilespmem:$0xD90];
	_ =	sdelay $0x7  }
0x1db: {  	[tilespmem:v1+s17+$0x0] =	vst.idx.add.f32.msk $0xffff, v0  }
0x1dc: {  	v1 =	vld [tilespmem:$0xDA0];
	_ =	sdelay $0x7  }
0x1dd: {  	[tilespmem:v1+s17+$0x0] =	vst.idx.add.f32.msk $0xffff, v0  }
0x1de: {  	v1 =	vld [tilespmem:$0xDB0];
	_ =	sdelay $0x7  }
0x1df: {  	[tilespmem:v1+s17+$0x0] =	vst.idx.add.f32.msk $0xffff, v0  }
0x1e0: {  	v1 =	vld [tilespmem:$0xDC0];
	_ =	sdelay $0x7  }
0x1e1: {  	[tilespmem:v1+s17+$0x0] =	vst.idx.add.f32.msk $0xffff, v0  }
0x1e2: {  	v1 =	vld [tilespmem:$0xDD0];
	_ =	sdelay $0x7  }
0x1e3: {  	[tilespmem:v1+s17+$0x0] =	vst.idx.add.f32.msk $0xffff, v0  }
0x1e4: {  	v1 =	vld [tilespmem:$0xDE0];
	_ =	sdelay $0x7  }
0x1e5: {  	[tilespmem:v1+s17+$0x0] =	vst.idx.add.f32.msk $0xffff, v0  }
0x1e6: {  	v1 =	vld [tilespmem:$0xDF0];
	_ =	sdelay $0x7  }
0x1e7: {  	s6 =	simm.s32 $0x680;
	[tilespmem:v1+s17+$0x0] =	vst.idx.add.f32.msk $0xffff, v0  }
0x1e8: {  	[tilespmem:s21], [sflag:$0x2] =	stream.indirect.gather [hbm4b:s12+s19], $0x80, s6, s19, $0xb8;
	[tilespmem:$0x1F380] =	vst v63  }
0x1e9: {  	_ =	swait.ge [sflag:s22], $0x4000  }
0x1ea: {  	[sflag:s22] =	ssyncset.done $0x0  }
0x1eb: {  	s6 =	simm.s32 $0xE00;
	[sflag:s22] =	ssyncadd.s32 $0xFFFFC000  }
0x1ec: {  	[spmem:s4] =	stream.indirect.scatter.add.f32 [tilespmem:s20], [sflag:$0x3], $0x80, s6, s19, $0xb8;
	[tilespmem:$0x1F380] =	vst v63  }
0x1ed: {  	_ =	swait.ge [sflag:s16], $0x4000  }
0x1ee: {  	[sflag:s16] =	ssyncset.done $0x0  }
0x1ef: {  	[sflag:s16] =	ssyncadd.s32 $0xFFFFC000  }
0x1f0: {  	v1 =	vld [tilespmem:$0xE00];
	_ =	sdelay $0x7  }
0x1f1: {  	[tilespmem:v1+s17+$0x0] =	vst.idx.add.f32.msk $0xffff, v0  }
0x1f2: {  	v1 =	vld [tilespmem:$0xE10];
	_ =	sdelay $0x7  }
0x1f3: {  	[tilespmem:v1+s17+$0x0] =	vst.idx.add.f32.msk $0xffff, v0  }
0x1f4: {  	v1 =	vld [tilespmem:$0xE20];
	_ =	sdelay $0x7  }
0x1f5: {  	[tilespmem:v1+s17+$0x0] =	vst.idx.add.f32.msk $0xffff, v0  }
0x1f6: {  	v1 =	vld [tilespmem:$0xE30];
	_ =	sdelay $0x7  }
0x1f7: {  	[tilespmem:v1+s17+$0x0] =	vst.idx.add.f32.msk $0xffff, v0  }
0x1f8: {  	v1 =	vld [tilespmem:$0xE40];
	_ =	sdelay $0x7  }
0x1f9: {  	[tilespmem:v1+s17+$0x0] =	vst.idx.add.f32.msk $0xffff, v0  }
0x1fa: {  	v1 =	vld [tilespmem:$0xE50];
	_ =	sdelay $0x7  }
0x1fb: {  	[tilespmem:v1+s17+$0x0] =	vst.idx.add.f32.msk $0xffff, v0  }
0x1fc: {  	v1 =	vld [tilespmem:$0xE60];
	_ =	sdelay $0x7  }
0x1fd: {  	[tilespmem:v1+s17+$0x0] =	vst.idx.add.f32.msk $0xffff, v0  }
0x1fe: {  	v1 =	vld [tilespmem:$0xE70];
	_ =	sdelay $0x7  }
0x1ff: {  	s6 =	simm.s32 $0x700;
	[tilespmem:v1+s17+$0x0] =	vst.idx.add.f32.msk $0xffff, v0  }
0x200: {  	[tilespmem:s20], [sflag:$0x1] =	stream.indirect.gather [hbm4b:s12+s19], $0x80, s6, s19, $0xb8;
	[tilespmem:$0x1F380] =	vst v63  }
0x201: {  	_ =	swait.ge [sflag:s24], $0x4000  }
0x202: {  	[sflag:s24] =	ssyncset.done $0x0  }
0x203: {  	s6 =	simm.s32 $0xE80;
	[sflag:s24] =	ssyncadd.s32 $0xFFFFC000  }
0x204: {  	[spmem:s4] =	stream.indirect.scatter.add.f32 [tilespmem:s21], [sflag:$0x3], $0x80, s6, s19, $0xb8;
	[tilespmem:$0x1F380] =	vst v63  }
0x205: {  	_ =	swait.ge [sflag:s16], $0x4000  }
0x206: {  	[sflag:s16] =	ssyncset.done $0x0  }
0x207: {  	[sflag:s16] =	ssyncadd.s32 $0xFFFFC000  }
0x208: {  	v1 =	vld [tilespmem:$0xE80];
	_ =	sdelay $0x7  }
0x209: {  	[tilespmem:v1+s17+$0x0] =	vst.idx.add.f32.msk $0xffff, v0  }
0x20a: {  	v1 =	vld [tilespmem:$0xE90];
	_ =	sdelay $0x7  }
0x20b: {  	[tilespmem:v1+s17+$0x0] =	vst.idx.add.f32.msk $0xffff, v0  }
0x20c: {  	v1 =	vld [tilespmem:$0xEA0];
	_ =	sdelay $0x7  }
0x20d: {  	[tilespmem:v1+s17+$0x0] =	vst.idx.add.f32.msk $0xffff, v0  }
0x20e: {  	v1 =	vld [tilespmem:$0xEB0];
	_ =	sdelay $0x7  }
0x20f: {  	[tilespmem:v1+s17+$0x0] =	vst.idx.add.f32.msk $0xffff, v0  }
0x210: {  	v1 =	vld [tilespmem:$0xEC0];
	_ =	sdelay $0x7  }
0x211: {  	[tilespmem:v1+s17+$0x0] =	vst.idx.add.f32.msk $0xffff, v0  }
0x212: {  	v1 =	vld [tilespmem:$0xED0];
	_ =	sdelay $0x7  }
0x213: {  	[tilespmem:v1+s17+$0x0] =	vst.idx.add.f32.msk $0xffff, v0  }
0x214: {  	v1 =	vld [tilespmem:$0xEE0];
	_ =	sdelay $0x7  }
0x215: {  	[tilespmem:v1+s17+$0x0] =	vst.idx.add.f32.msk $0xffff, v0  }
0x216: {  	v1 =	vld [tilespmem:$0xEF0];
	_ =	sdelay $0x7  }
0x217: {  	s6 =	simm.s32 $0x780;
	[tilespmem:v1+s17+$0x0] =	vst.idx.add.f32.msk $0xffff, v0  }
0x218: {  	[tilespmem:s21], [sflag:$0x2] =	stream.indirect.gather [hbm4b:s12+s19], $0x80, s6, s19, $0xb8;
	[tilespmem:$0x1F380] =	vst v63  }
0x219: {  	_ =	swait.ge [sflag:s22], $0x4000  }
0x21a: {  	[sflag:s22] =	ssyncset.done $0x0  }
0x21b: {  	s6 =	simm.s32 $0xF00;
	[sflag:s22] =	ssyncadd.s32 $0xFFFFC000  }
0x21c: {  	[spmem:s4] =	stream.indirect.scatter.add.f32 [tilespmem:s20], [sflag:$0x3], $0x80, s6, s19, $0xb8;
	[tilespmem:$0x1F380] =	vst v63  }
0x21d: {  	_ =	swait.ge [sflag:s16], $0x4000  }
0x21e: {  	[sflag:s16] =	ssyncset.done $0x0  }
0x21f: {  	[sflag:s16] =	ssyncadd.s32 $0xFFFFC000  }
0x220: {  	v1 =	vld [tilespmem:$0xF00];
	_ =	sdelay $0x7  }
0x221: {  	[tilespmem:v1+s17+$0x0] =	vst.idx.add.f32.msk $0xffff, v0  }
0x222: {  	v1 =	vld [tilespmem:$0xF10];
	_ =	sdelay $0x7  }
0x223: {  	[tilespmem:v1+s17+$0x0] =	vst.idx.add.f32.msk $0xffff, v0  }
0x224: {  	v1 =	vld [tilespmem:$0xF20];
	_ =	sdelay $0x7  }
0x225: {  	[tilespmem:v1+s17+$0x0] =	vst.idx.add.f32.msk $0xffff, v0  }
0x226: {  	v1 =	vld [tilespmem:$0xF30];
	_ =	sdelay $0x7  }
0x227: {  	[tilespmem:v1+s17+$0x0] =	vst.idx.add.f32.msk $0xffff, v0  }
0x228: {  	v1 =	vld [tilespmem:$0xF40];
	_ =	sdelay $0x7  }
0x229: {  	[tilespmem:v1+s17+$0x0] =	vst.idx.add.f32.msk $0xffff, v0  }
0x22a: {  	v1 =	vld [tilespmem:$0xF50];
	_ =	sdelay $0x7  }
0x22b: {  	[tilespmem:v1+s17+$0x0] =	vst.idx.add.f32.msk $0xffff, v0  }
0x22c: {  	v1 =	vld [tilespmem:$0xF60];
	_ =	sdelay $0x7  }
0x22d: {  	[tilespmem:v1+s17+$0x0] =	vst.idx.add.f32.msk $0xffff, v0  }
0x22e: {  	v1 =	vld [tilespmem:$0xF70];
	_ =	sdelay $0x7  }
0x22f: {  	[tilespmem:v1+s17+$0x0] =	vst.idx.add.f32.msk $0xffff, v0  }
0x230: {  	_ =	swait.ge [sflag:s24], $0x4000  }
0x231: {  	[sflag:s24] =	ssyncset.done $0x0  }
0x232: {  	s6 =	simm.s32 $0xF80;
	[sflag:s24] =	ssyncadd.s32 $0xFFFFC000  }
0x233: {  	[spmem:s4] =	stream.indirect.scatter.add.f32 [tilespmem:s21], [sflag:$0x3], $0x80, s6, s19, $0xb8;
	[tilespmem:$0x1F380] =	vst v63  }
0x234: {  	_ =	swait.ge [sflag:s16], $0x4000  }
0x235: {  	[sflag:s16] =	ssyncset.done $0x0  }
0x236: {  	[sflag:s16] =	ssyncadd.s32 $0xFFFFC000  }
0x237: {  	v1 =	vld [tilespmem:$0xF80];
	_ =	sdelay $0x7  }
0x238: {  	[tilespmem:v1+s17+$0x0] =	vst.idx.add.f32.msk $0xffff, v0  }
0x239: {  	v1 =	vld [tilespmem:$0xF90];
	_ =	sdelay $0x7  }
0x23a: {  	[tilespmem:v1+s17+$0x0] =	vst.idx.add.f32.msk $0xffff, v0  }
0x23b: {  	v1 =	vld [tilespmem:$0xFA0];
	_ =	sdelay $0x7  }
0x23c: {  	[tilespmem:v1+s17+$0x0] =	vst.idx.add.f32.msk $0xffff, v0  }
0x23d: {  	v1 =	vld [tilespmem:$0xFB0];
	_ =	sdelay $0x7  }
0x23e: {  	[tilespmem:v1+s17+$0x0] =	vst.idx.add.f32.msk $0xffff, v0  }
0x23f: {  	v1 =	vld [tilespmem:$0xFC0];
	_ =	sdelay $0x7  }
0x240: {  	[tilespmem:v1+s17+$0x0] =	vst.idx.add.f32.msk $0xffff, v0  }
0x241: {  	v1 =	vld [tilespmem:$0xFD0];
	_ =	sdelay $0x7  }
0x242: {  	[tilespmem:v1+s17+$0x0] =	vst.idx.add.f32.msk $0xffff, v0  }
0x243: {  	v1 =	vld [tilespmem:$0xFE0];
	_ =	sdelay $0x7  }
0x244: {  	[tilespmem:v1+s17+$0x0] =	vst.idx.add.f32.msk $0xffff, v0  }
0x245: {  	v1 =	vld [tilespmem:$0xFF0];
	_ =	sdelay $0x2  }
0x246: {  	p1 =	sne.s32 s11, $0x900  }
.Ltmp3:
0x247: {  	_ = 	snop;
	(pc) =	sbr.rel @p1 .LBB2_2-.Ltmp3, $2  }
0x248: {  	_ =	sdelay $0x2  }
0x249: {  	s11 =	sadd.s32 $0x100, s11;
	[tilespmem:v1+s17+$0x0] =	vst.idx.add.f32.msk $0xffff, v0  }
0x24a: {  	[bflag:$0x0] =	sbarrier.arrive $0xFFFF  }
0x24b: {  	s6 =	rddreg [dreg:$0xa]  }
0x24c: {  	s11 =	rddreg [dreg:$0x8]  }
0x24d: {  	s1 =	rddreg [dreg:$0xd]  }
0x24e: {  	[hbm:s6], [sflag:s11] =	dma.local [spmem:s1], $0x2780  }
.Ltmp4:
0x24f: {  	_ = 	snop;
	(pc) =	sbr.rel .LBB2_7-.Ltmp4, $4  }
0x250: {  	_ =	swait.ge [sflag:s16], $0x2780  }
0x251: {  	[sflag:s16] =	ssyncset.done $0x0;
	s8 =	rddreg [dreg:$0xb]  }
0x252: {  	s0 =	rddreg [dreg:$0xe];
	[sflag:s16] =	ssyncadd.s32 $0xFFFFD880  }
0x253: {  	[hbm4b:s8+s5] =	stream.linear.scatter [tilespmem:s17], [sflag:$0x3], $0x2780, $0x38;
	[tilespmem:$0x1F380] =	vst v63  }
.LBB2_4:
0x254: {  	s6 =	sadd.s32 $0x0, s14  }
0x255: {  	[tilespmem:s5], [sflag:$0x3] =	stream.linear.gather [hbm4b:s6+s5], $0x800, $0x38;
	[tilespmem:$0x1F380] =	vst v63  }
0x256: {  	_ =	swait.ge [sflag:s16], $0x800  }
0x257: {  	[sflag:s16] =	ssyncset.done $0x0  }
0x258: {  	s12 =	sadd.s32 $0x0, s13;
	[sflag:s16] =	ssyncadd.s32 $0xFFFFF800  }
0x259: {  	[tilespmem:s18], [sflag:$0x3] =	stream.linear.gather [hbm4b:s12+s5], $0x800, $0x38;
	[tilespmem:$0x1F380] =	vst v63  }
0x25a: {  	_ =	swait.ge [sflag:s16], $0x800  }
0x25b: {  	[sflag:s16] =	ssyncset.done $0x0  }
0x25c: {  	[sflag:s16] =	ssyncadd.s32 $0xFFFFF800  }
0x25d: {  	[tilespmem:s20], [sflag:$0x1] =	stream.indirect.gather [hbm4b:s3+s19], $0x80, s5, s19, $0xb8;
	[tilespmem:$0x1F380] =	vst v63  }
0x25e: {  	_ = 	snop  }
0x25f: {  	[tilespmem:s21], [sflag:$0x2] =	stream.indirect.gather [hbm4b:s3+s19], $0x80, s19, s19, $0xb8;
	[tilespmem:$0x1F380] =	vst v63  }
0x260: {  	_ =	swait.ge [sflag:s22], $0x4000  }
0x261: {  	[sflag:s22] =	ssyncset.done $0x0  }
0x262: {  	[sflag:s22] =	ssyncadd.s32 $0xFFFFC000  }
0x263: {  	[spmem:s4] =	stream.indirect.scatter.add.f32 [tilespmem:s20], [sflag:$0x3], $0x80, s18, s19, $0xb8;
	[tilespmem:$0x1F380] =	vst v63  }
0x264: {  	_ =	swait.ge [sflag:s16], $0x4000  }
0x265: {  	[sflag:s16] =	ssyncset.done $0x0  }
0x266: {  	[sflag:s16] =	ssyncadd.s32 $0xFFFFC000  }
0x267: {  	[tilespmem:s20], [sflag:$0x1] =	stream.indirect.gather [hbm4b:s3+s19], $0x80, s7, s19, $0xb8;
	[tilespmem:$0x1F380] =	vst v63  }
0x268: {  	_ =	swait.ge [sflag:s24], $0x4000  }
0x269: {  	[sflag:s24] =	ssyncset.done $0x0  }
0x26a: {  	[sflag:s24] =	ssyncadd.s32 $0xFFFFC000  }
0x26b: {  	[spmem:s4] =	stream.indirect.scatter.add.f32 [tilespmem:s21], [sflag:$0x3], $0x80, s8, s19, $0xb8;
	[tilespmem:$0x1F380] =	vst v63  }
0x26c: {  	_ =	swait.ge [sflag:s16], $0x4000  }
0x26d: {  	[sflag:s16] =	ssyncset.done $0x0  }
0x26e: {  	[sflag:s16] =	ssyncadd.s32 $0xFFFFC000  }
0x26f: {  	[tilespmem:s21], [sflag:$0x2] =	stream.indirect.gather [hbm4b:s3+s19], $0x80, s15, s19, $0xb8;
	[tilespmem:$0x1F380] =	vst v63  }
0x270: {  	_ =	swait.ge [sflag:s22], $0x4000  }
0x271: {  	[sflag:s22] =	ssyncset.done $0x0  }
0x272: {  	[sflag:s22] =	ssyncadd.s32 $0xFFFFC000  }
0x273: {  	[spmem:s4] =	stream.indirect.scatter.add.f32 [tilespmem:s20], [sflag:$0x3], $0x80, s1, s19, $0xb8;
	[tilespmem:$0x1F380] =	vst v63  }
0x274: {  	_ =	swait.ge [sflag:s16], $0x4000  }
0x275: {  	[sflag:s16] =	ssyncset.done $0x0  }
0x276: {  	[sflag:s16] =	ssyncadd.s32 $0xFFFFC000  }
0x277: {  	[tilespmem:s20], [sflag:$0x1] =	stream.indirect.gather [hbm4b:s3+s19], $0x80, s23, s19, $0xb8;
	[tilespmem:$0x1F380] =	vst v63  }
0x278: {  	_ =	swait.ge [sflag:s24], $0x4000  }
0x279: {  	[sflag:s24] =	ssyncset.done $0x0  }
0x27a: {  	[sflag:s24] =	ssyncadd.s32 $0xFFFFC000  }
0x27b: {  	[spmem:s4] =	stream.indirect.scatter.add.f32 [tilespmem:s21], [sflag:$0x3], $0x80, s25, s19, $0xb8;
	[tilespmem:$0x1F380] =	vst v63  }
0x27c: {  	_ =	swait.ge [sflag:s16], $0x4000  }
0x27d: {  	[sflag:s16] =	ssyncset.done $0x0  }
0x27e: {  	[sflag:s16] =	ssyncadd.s32 $0xFFFFC000  }
0x27f: {  	[tilespmem:s21], [sflag:$0x2] =	stream.indirect.gather [hbm4b:s3+s19], $0x80, s26, s19, $0xb8;
	[tilespmem:$0x1F380] =	vst v63  }
0x280: {  	_ =	swait.ge [sflag:s22], $0x4000  }
0x281: {  	[sflag:s22] =	ssyncset.done $0x0  }
0x282: {  	[sflag:s22] =	ssyncadd.s32 $0xFFFFC000  }
0x283: {  	[spmem:s4] =	stream.indirect.scatter.add.f32 [tilespmem:s20], [sflag:$0x3], $0x80, s28, s19, $0xb8;
	[tilespmem:$0x1F380] =	vst v63  }
0x284: {  	_ =	swait.ge [sflag:s16], $0x4000  }
0x285: {  	[sflag:s16] =	ssyncset.done $0x0  }
0x286: {  	[sflag:s16] =	ssyncadd.s32 $0xFFFFC000  }
0x287: {  	[tilespmem:s20], [sflag:$0x1] =	stream.indirect.gather [hbm4b:s3+s19], $0x80, s29, s19, $0xb8;
	[tilespmem:$0x1F380] =	vst v63  }
0x288: {  	_ =	swait.ge [sflag:s24], $0x4000  }
0x289: {  	[sflag:s24] =	ssyncset.done $0x0  }
0x28a: {  	[sflag:s24] =	ssyncadd.s32 $0xFFFFC000  }
0x28b: {  	[spmem:s4] =	stream.indirect.scatter.add.f32 [tilespmem:s21], [sflag:$0x3], $0x80, s30, s19, $0xb8;
	[tilespmem:$0x1F380] =	vst v63  }
0x28c: {  	_ =	swait.ge [sflag:s16], $0x4000  }
0x28d: {  	[sflag:s16] =	ssyncset.done $0x0  }
0x28e: {  	[sflag:s16] =	ssyncadd.s32 $0xFFFFC000  }
0x28f: {  	[tilespmem:s21], [sflag:$0x2] =	stream.indirect.gather [hbm4b:s3+s19], $0x80, s31, s19, $0xb8;
	[tilespmem:$0x1F380] =	vst v63  }
0x290: {  	_ =	swait.ge [sflag:s22], $0x4000  }
0x291: {  	[sflag:s22] =	ssyncset.done $0x0  }
0x292: {  	[sflag:s22] =	ssyncadd.s32 $0xFFFFC000  }
0x293: {  	[spmem:s4] =	stream.indirect.scatter.add.f32 [tilespmem:s20], [sflag:$0x3], $0x80, s0, s19, $0xb8;
	[tilespmem:$0x1F380] =	vst v63  }
0x294: {  	_ =	swait.ge [sflag:s16], $0x4000  }
0x295: {  	[sflag:s16] =	ssyncset.done $0x0  }
0x296: {  	[sflag:s16] =	ssyncadd.s32 $0xFFFFC000  }
0x297: {  	[tilespmem:s20], [sflag:$0x1] =	stream.indirect.gather [hbm4b:s3+s19], $0x80, s2, s19, $0xb8;
	[tilespmem:$0x1F380] =	vst v63  }
0x298: {  	_ =	swait.ge [sflag:s24], $0x4000  }
0x299: {  	[sflag:s24] =	ssyncset.done $0x0  }
0x29a: {  	[sflag:s24] =	ssyncadd.s32 $0xFFFFC000  }
0x29b: {  	[spmem:s4] =	stream.indirect.scatter.add.f32 [tilespmem:s21], [sflag:$0x3], $0x80, s9, s19, $0xb8;
	[tilespmem:$0x1F380] =	vst v63  }
0x29c: {  	_ =	swait.ge [sflag:s16], $0x4000  }
0x29d: {  	[sflag:s16] =	ssyncset.done $0x0  }
0x29e: {  	[sflag:s16] =	ssyncadd.s32 $0xFFFFC000  }
0x29f: {  	[tilespmem:s21], [sflag:$0x2] =	stream.indirect.gather [hbm4b:s3+s19], $0x80, s10, s19, $0xb8;
	[tilespmem:$0x1F380] =	vst v63  }
0x2a0: {  	_ =	swait.ge [sflag:s22], $0x4000  }
0x2a1: {  	[sflag:s22] =	ssyncset.done $0x0  }
0x2a2: {  	s11 =	simm.s32 $0xC00;
	[sflag:s22] =	ssyncadd.s32 $0xFFFFC000  }
0x2a3: {  	[spmem:s4] =	stream.indirect.scatter.add.f32 [tilespmem:s20], [sflag:$0x3], $0x80, s11, s19, $0xb8;
	[tilespmem:$0x1F380] =	vst v63  }
0x2a4: {  	_ =	swait.ge [sflag:s16], $0x4000  }
0x2a5: {  	[sflag:s16] =	ssyncset.done $0x0  }
0x2a6: {  	s12 =	simm.s32 $0x500;
	[sflag:s16] =	ssyncadd.s32 $0xFFFFC000  }
0x2a7: {  	[tilespmem:s20], [sflag:$0x1] =	stream.indirect.gather [hbm4b:s3+s19], $0x80, s12, s19, $0xb8;
	[tilespmem:$0x1F380] =	vst v63  }
0x2a8: {  	_ =	swait.ge [sflag:s24], $0x4000  }
0x2a9: {  	[sflag:s24] =	ssyncset.done $0x0  }
0x2aa: {  	s7 =	simm.s32 $0xC80;
	[sflag:s24] =	ssyncadd.s32 $0xFFFFC000  }
0x2ab: {  	[spmem:s4] =	stream.indirect.scatter.add.f32 [tilespmem:s21], [sflag:$0x3], $0x80, s7, s19, $0xb8;
	[tilespmem:$0x1F380] =	vst v63  }
0x2ac: {  	_ =	swait.ge [sflag:s16], $0x4000  }
0x2ad: {  	[sflag:s16] =	ssyncset.done $0x0  }
0x2ae: {  	s8 =	simm.s32 $0x580;
	[sflag:s16] =	ssyncadd.s32 $0xFFFFC000  }
0x2af: {  	[tilespmem:s21], [sflag:$0x2] =	stream.indirect.gather [hbm4b:s3+s19], $0x80, s8, s19, $0xb8;
	[tilespmem:$0x1F380] =	vst v63  }
0x2b0: {  	_ =	swait.ge [sflag:s22], $0x4000  }
0x2b1: {  	[sflag:s22] =	ssyncset.done $0x0  }
0x2b2: {  	s11 =	simm.s32 $0xD00;
	[sflag:s22] =	ssyncadd.s32 $0xFFFFC000  }
0x2b3: {  	[spmem:s4] =	stream.indirect.scatter.add.f32 [tilespmem:s20], [sflag:$0x3], $0x80, s11, s19, $0xb8;
	[tilespmem:$0x1F380] =	vst v63  }
0x2b4: {  	_ =	swait.ge [sflag:s16], $0x4000  }
0x2b5: {  	[sflag:s16] =	ssyncset.done $0x0  }
0x2b6: {  	s12 =	simm.s32 $0x600;
	[sflag:s16] =	ssyncadd.s32 $0xFFFFC000  }
0x2b7: {  	[tilespmem:s20], [sflag:$0x1] =	stream.indirect.gather [hbm4b:s3+s19], $0x80, s12, s19, $0xb8;
	[tilespmem:$0x1F380] =	vst v63  }
0x2b8: {  	_ =	swait.ge [sflag:s24], $0x4000  }
0x2b9: {  	[sflag:s24] =	ssyncset.done $0x0  }
0x2ba: {  	s7 =	simm.s32 $0xD80;
	[sflag:s24] =	ssyncadd.s32 $0xFFFFC000  }
0x2bb: {  	[spmem:s4] =	stream.indirect.scatter.add.f32 [tilespmem:s21], [sflag:$0x3], $0x80, s7, s19, $0xb8;
	[tilespmem:$0x1F380] =	vst v63  }
0x2bc: {  	_ =	swait.ge [sflag:s16], $0x4000  }
0x2bd: {  	[sflag:s16] =	ssyncset.done $0x0  }
0x2be: {  	s8 =	simm.s32 $0x680;
	[sflag:s16] =	ssyncadd.s32 $0xFFFFC000  }
0x2bf: {  	[tilespmem:s21], [sflag:$0x2] =	stream.indirect.gather [hbm4b:s3+s19], $0x80, s8, s19, $0xb8;
	[tilespmem:$0x1F380] =	vst v63  }
0x2c0: {  	_ =	swait.ge [sflag:s22], $0x4000  }
0x2c1: {  	[sflag:s22] =	ssyncset.done $0x0  }
0x2c2: {  	s11 =	simm.s32 $0xE00;
	[sflag:s22] =	ssyncadd.s32 $0xFFFFC000  }
0x2c3: {  	[spmem:s4] =	stream.indirect.scatter.add.f32 [tilespmem:s20], [sflag:$0x3], $0x80, s11, s19, $0xb8;
	[tilespmem:$0x1F380] =	vst v63  }
0x2c4: {  	_ =	swait.ge [sflag:s16], $0x4000  }
0x2c5: {  	[sflag:s16] =	ssyncset.done $0x0  }
0x2c6: {  	s12 =	simm.s32 $0x700;
	[sflag:s16] =	ssyncadd.s32 $0xFFFFC000  }
0x2c7: {  	[tilespmem:s20], [sflag:$0x1] =	stream.indirect.gather [hbm4b:s3+s19], $0x80, s12, s19, $0xb8;
	[tilespmem:$0x1F380] =	vst v63  }
0x2c8: {  	_ =	swait.ge [sflag:s24], $0x4000  }
0x2c9: {  	[sflag:s24] =	ssyncset.done $0x0  }
0x2ca: {  	s7 =	simm.s32 $0xE80;
	[sflag:s24] =	ssyncadd.s32 $0xFFFFC000  }
0x2cb: {  	[spmem:s4] =	stream.indirect.scatter.add.f32 [tilespmem:s21], [sflag:$0x3], $0x80, s7, s19, $0xb8;
	[tilespmem:$0x1F380] =	vst v63  }
0x2cc: {  	_ =	swait.ge [sflag:s16], $0x4000  }
0x2cd: {  	[sflag:s16] =	ssyncset.done $0x0  }
0x2ce: {  	s8 =	simm.s32 $0x780;
	[sflag:s16] =	ssyncadd.s32 $0xFFFFC000  }
0x2cf: {  	[tilespmem:s21], [sflag:$0x2] =	stream.indirect.gather [hbm4b:s3+s19], $0x80, s8, s19, $0xb8;
	[tilespmem:$0x1F380] =	vst v63  }
0x2d0: {  	_ =	swait.ge [sflag:s22], $0x4000  }
0x2d1: {  	[sflag:s22] =	ssyncset.done $0x0  }
0x2d2: {  	s11 =	simm.s32 $0xF00;
	[sflag:s22] =	ssyncadd.s32 $0xFFFFC000  }
0x2d3: {  	[spmem:s4] =	stream.indirect.scatter.add.f32 [tilespmem:s20], [sflag:$0x3], $0x80, s11, s19, $0xb8;
	[tilespmem:$0x1F380] =	vst v63  }
0x2d4: {  	_ =	swait.ge [sflag:s16], $0x4000  }
0x2d5: {  	[sflag:s16] =	ssyncset.done $0x0  }
0x2d6: {  	[sflag:s16] =	ssyncadd.s32 $0xFFFFC000  }
0x2d7: {  	_ =	swait.ge [sflag:s24], $0x4000  }
0x2d8: {  	[sflag:s24] =	ssyncset.done $0x0  }
0x2d9: {  	s12 =	simm.s32 $0xF80;
	[sflag:s24] =	ssyncadd.s32 $0xFFFFC000  }
0x2da: {  	[spmem:s4] =	stream.indirect.scatter.add.f32 [tilespmem:s21], [sflag:$0x3], $0x80, s12, s19, $0xb8;
	[tilespmem:$0x1F380] =	vst v63  }
0x2db: {  	_ =	swait.ge [sflag:s16], $0x4000  }
0x2dc: {  	s6 =	simm.s32 $0x200;
	s11 =	simm.s32 $0x100;
	[sflag:s16] =	ssyncset.done $0x0  }
.LBB2_5:
0x2dd: {  	s12 =	sadd.s32 s11, s14  }
0x2de: {  	[sflag:s16] =	ssyncadd.s32 $0xFFFFC000;
	s8 =	smov.u32 s6;
	s7 =	sadd.s32 $0x100, s6  }
0x2df: {  	[tilespmem:s5], [sflag:$0x3] =	stream.linear.gather [hbm4b:s12+s5], $0x800, $0x38;
	[tilespmem:$0x1F380] =	vst v63  }
0x2e0: {  	s12 =	simm.s32 $0x880  }
0x2e1: {  	p1 =	sne.s32 s6, $0x900;
	_ =	swait.ge [sflag:s16], $0x800  }
0x2e2: {  	s6 =	sadd.s32 s11, s13;
	[sflag:s16] =	ssyncset.done $0x0  }
0x2e3: {  	s11 =	smov.u32 s8;
	s8 =	simm.s32 $0x100;
	[sflag:s16] =	ssyncadd.s32 $0xFFFFF800  }
0x2e4: {  	[tilespmem:s18], [sflag:$0x3] =	stream.linear.gather [hbm4b:s6+s5], $0x800, $0x38;
	[tilespmem:$0x1F380] =	vst v63  }
0x2e5: {  	_ =	swait.ge [sflag:s16], $0x800  }
0x2e6: {  	[sflag:s16] =	ssyncset.done $0x0  }
0x2e7: {  	[sflag:s16] =	ssyncadd.s32 $0xFFFFF800  }
0x2e8: {  	[tilespmem:s20], [sflag:$0x1] =	stream.indirect.gather [hbm4b:s3+s19], $0x80, s5, s19, $0xb8;
	[tilespmem:$0x1F380] =	vst v63  }
0x2e9: {  	_ = 	snop  }
0x2ea: {  	[tilespmem:s21], [sflag:$0x2] =	stream.indirect.gather [hbm4b:s3+s19], $0x80, s19, s19, $0xb8;
	[tilespmem:$0x1F380] =	vst v63  }
0x2eb: {  	_ =	swait.ge [sflag:s22], $0x4000  }
0x2ec: {  	[sflag:s22] =	ssyncset.done $0x0  }
0x2ed: {  	[sflag:s22] =	ssyncadd.s32 $0xFFFFC000  }
0x2ee: {  	[spmem:s4] =	stream.indirect.scatter.add.f32 [tilespmem:s20], [sflag:$0x3], $0x80, s18, s19, $0xb8;
	[tilespmem:$0x1F380] =	vst v63  }
0x2ef: {  	_ =	swait.ge [sflag:s16], $0x4000  }
0x2f0: {  	[sflag:s16] =	ssyncset.done $0x0  }
0x2f1: {  	[sflag:s16] =	ssyncadd.s32 $0xFFFFC000  }
0x2f2: {  	[tilespmem:s20], [sflag:$0x1] =	stream.indirect.gather [hbm4b:s3+s19], $0x80, s8, s19, $0xb8;
	[tilespmem:$0x1F380] =	vst v63  }
0x2f3: {  	_ =	swait.ge [sflag:s24], $0x4000  }
0x2f4: {  	[sflag:s24] =	ssyncset.done $0x0  }
0x2f5: {  	[sflag:s24] =	ssyncadd.s32 $0xFFFFC000  }
0x2f6: {  	[spmem:s4] =	stream.indirect.scatter.add.f32 [tilespmem:s21], [sflag:$0x3], $0x80, s12, s19, $0xb8;
	[tilespmem:$0x1F380] =	vst v63  }
0x2f7: {  	_ =	swait.ge [sflag:s16], $0x4000  }
0x2f8: {  	[sflag:s16] =	ssyncset.done $0x0  }
0x2f9: {  	[sflag:s16] =	ssyncadd.s32 $0xFFFFC000  }
0x2fa: {  	[tilespmem:s21], [sflag:$0x2] =	stream.indirect.gather [hbm4b:s3+s19], $0x80, s15, s19, $0xb8;
	[tilespmem:$0x1F380] =	vst v63  }
0x2fb: {  	_ =	swait.ge [sflag:s22], $0x4000  }
0x2fc: {  	[sflag:s22] =	ssyncset.done $0x0  }
0x2fd: {  	[sflag:s22] =	ssyncadd.s32 $0xFFFFC000  }
0x2fe: {  	[spmem:s4] =	stream.indirect.scatter.add.f32 [tilespmem:s20], [sflag:$0x3], $0x80, s1, s19, $0xb8;
	[tilespmem:$0x1F380] =	vst v63  }
0x2ff: {  	_ =	swait.ge [sflag:s16], $0x4000  }
0x300: {  	[sflag:s16] =	ssyncset.done $0x0  }
0x301: {  	[sflag:s16] =	ssyncadd.s32 $0xFFFFC000  }
0x302: {  	[tilespmem:s20], [sflag:$0x1] =	stream.indirect.gather [hbm4b:s3+s19], $0x80, s23, s19, $0xb8;
	[tilespmem:$0x1F380] =	vst v63  }
0x303: {  	_ =	swait.ge [sflag:s24], $0x4000  }
0x304: {  	[sflag:s24] =	ssyncset.done $0x0  }
0x305: {  	[sflag:s24] =	ssyncadd.s32 $0xFFFFC000  }
0x306: {  	[spmem:s4] =	stream.indirect.scatter.add.f32 [tilespmem:s21], [sflag:$0x3], $0x80, s25, s19, $0xb8;
	[tilespmem:$0x1F380] =	vst v63  }
0x307: {  	_ =	swait.ge [sflag:s16], $0x4000  }
0x308: {  	[sflag:s16] =	ssyncset.done $0x0  }
0x309: {  	[sflag:s16] =	ssyncadd.s32 $0xFFFFC000  }
0x30a: {  	[tilespmem:s21], [sflag:$0x2] =	stream.indirect.gather [hbm4b:s3+s19], $0x80, s26, s19, $0xb8;
	[tilespmem:$0x1F380] =	vst v63  }
0x30b: {  	_ =	swait.ge [sflag:s22], $0x4000  }
0x30c: {  	[sflag:s22] =	ssyncset.done $0x0  }
0x30d: {  	[sflag:s22] =	ssyncadd.s32 $0xFFFFC000  }
0x30e: {  	[spmem:s4] =	stream.indirect.scatter.add.f32 [tilespmem:s20], [sflag:$0x3], $0x80, s28, s19, $0xb8;
	[tilespmem:$0x1F380] =	vst v63  }
0x30f: {  	_ =	swait.ge [sflag:s16], $0x4000  }
0x310: {  	[sflag:s16] =	ssyncset.done $0x0  }
0x311: {  	[sflag:s16] =	ssyncadd.s32 $0xFFFFC000  }
0x312: {  	[tilespmem:s20], [sflag:$0x1] =	stream.indirect.gather [hbm4b:s3+s19], $0x80, s29, s19, $0xb8;
	[tilespmem:$0x1F380] =	vst v63  }
0x313: {  	_ =	swait.ge [sflag:s24], $0x4000  }
0x314: {  	[sflag:s24] =	ssyncset.done $0x0  }
0x315: {  	[sflag:s24] =	ssyncadd.s32 $0xFFFFC000  }
0x316: {  	[spmem:s4] =	stream.indirect.scatter.add.f32 [tilespmem:s21], [sflag:$0x3], $0x80, s30, s19, $0xb8;
	[tilespmem:$0x1F380] =	vst v63  }
0x317: {  	_ =	swait.ge [sflag:s16], $0x4000  }
0x318: {  	[sflag:s16] =	ssyncset.done $0x0  }
0x319: {  	[sflag:s16] =	ssyncadd.s32 $0xFFFFC000  }
0x31a: {  	[tilespmem:s21], [sflag:$0x2] =	stream.indirect.gather [hbm4b:s3+s19], $0x80, s31, s19, $0xb8;
	[tilespmem:$0x1F380] =	vst v63  }
0x31b: {  	_ =	swait.ge [sflag:s22], $0x4000  }
0x31c: {  	[sflag:s22] =	ssyncset.done $0x0  }
0x31d: {  	[sflag:s22] =	ssyncadd.s32 $0xFFFFC000  }
0x31e: {  	[spmem:s4] =	stream.indirect.scatter.add.f32 [tilespmem:s20], [sflag:$0x3], $0x80, s0, s19, $0xb8;
	[tilespmem:$0x1F380] =	vst v63  }
0x31f: {  	_ =	swait.ge [sflag:s16], $0x4000  }
0x320: {  	[sflag:s16] =	ssyncset.done $0x0  }
0x321: {  	[sflag:s16] =	ssyncadd.s32 $0xFFFFC000  }
0x322: {  	[tilespmem:s20], [sflag:$0x1] =	stream.indirect.gather [hbm4b:s3+s19], $0x80, s2, s19, $0xb8;
	[tilespmem:$0x1F380] =	vst v63  }
0x323: {  	_ =	swait.ge [sflag:s24], $0x4000  }
0x324: {  	[sflag:s24] =	ssyncset.done $0x0  }
0x325: {  	[sflag:s24] =	ssyncadd.s32 $0xFFFFC000  }
0x326: {  	[spmem:s4] =	stream.indirect.scatter.add.f32 [tilespmem:s21], [sflag:$0x3], $0x80, s9, s19, $0xb8;
	[tilespmem:$0x1F380] =	vst v63  }
0x327: {  	_ =	swait.ge [sflag:s16], $0x4000  }
0x328: {  	[sflag:s16] =	ssyncset.done $0x0  }
0x329: {  	[sflag:s16] =	ssyncadd.s32 $0xFFFFC000  }
0x32a: {  	[tilespmem:s21], [sflag:$0x2] =	stream.indirect.gather [hbm4b:s3+s19], $0x80, s10, s19, $0xb8;
	[tilespmem:$0x1F380] =	vst v63  }
0x32b: {  	_ =	swait.ge [sflag:s22], $0x4000  }
0x32c: {  	[sflag:s22] =	ssyncset.done $0x0  }
0x32d: {  	s6 =	simm.s32 $0xC00;
	[sflag:s22] =	ssyncadd.s32 $0xFFFFC000  }
0x32e: {  	[spmem:s4] =	stream.indirect.scatter.add.f32 [tilespmem:s20], [sflag:$0x3], $0x80, s6, s19, $0xb8;
	[tilespmem:$0x1F380] =	vst v63  }
0x32f: {  	_ =	swait.ge [sflag:s16], $0x4000  }
0x330: {  	[sflag:s16] =	ssyncset.done $0x0  }
0x331: {  	s6 =	simm.s32 $0x500;
	[sflag:s16] =	ssyncadd.s32 $0xFFFFC000  }
0x332: {  	[tilespmem:s20], [sflag:$0x1] =	stream.indirect.gather [hbm4b:s3+s19], $0x80, s6, s19, $0xb8;
	[tilespmem:$0x1F380] =	vst v63  }
0x333: {  	_ =	swait.ge [sflag:s24], $0x4000  }
0x334: {  	[sflag:s24] =	ssyncset.done $0x0  }
0x335: {  	s6 =	simm.s32 $0xC80;
	[sflag:s24] =	ssyncadd.s32 $0xFFFFC000  }
0x336: {  	[spmem:s4] =	stream.indirect.scatter.add.f32 [tilespmem:s21], [sflag:$0x3], $0x80, s6, s19, $0xb8;
	[tilespmem:$0x1F380] =	vst v63  }
0x337: {  	_ =	swait.ge [sflag:s16], $0x4000  }
0x338: {  	[sflag:s16] =	ssyncset.done $0x0  }
0x339: {  	s6 =	simm.s32 $0x580;
	[sflag:s16] =	ssyncadd.s32 $0xFFFFC000  }
0x33a: {  	[tilespmem:s21], [sflag:$0x2] =	stream.indirect.gather [hbm4b:s3+s19], $0x80, s6, s19, $0xb8;
	[tilespmem:$0x1F380] =	vst v63  }
0x33b: {  	_ =	swait.ge [sflag:s22], $0x4000  }
0x33c: {  	[sflag:s22] =	ssyncset.done $0x0  }
0x33d: {  	s6 =	simm.s32 $0xD00;
	[sflag:s22] =	ssyncadd.s32 $0xFFFFC000  }
0x33e: {  	[spmem:s4] =	stream.indirect.scatter.add.f32 [tilespmem:s20], [sflag:$0x3], $0x80, s6, s19, $0xb8;
	[tilespmem:$0x1F380] =	vst v63  }
0x33f: {  	_ =	swait.ge [sflag:s16], $0x4000  }
0x340: {  	[sflag:s16] =	ssyncset.done $0x0  }
0x341: {  	s6 =	simm.s32 $0x600;
	[sflag:s16] =	ssyncadd.s32 $0xFFFFC000  }
0x342: {  	[tilespmem:s20], [sflag:$0x1] =	stream.indirect.gather [hbm4b:s3+s19], $0x80, s6, s19, $0xb8;
	[tilespmem:$0x1F380] =	vst v63  }
0x343: {  	_ =	swait.ge [sflag:s24], $0x4000  }
0x344: {  	[sflag:s24] =	ssyncset.done $0x0  }
0x345: {  	s6 =	simm.s32 $0xD80;
	[sflag:s24] =	ssyncadd.s32 $0xFFFFC000  }
0x346: {  	[spmem:s4] =	stream.indirect.scatter.add.f32 [tilespmem:s21], [sflag:$0x3], $0x80, s6, s19, $0xb8;
	[tilespmem:$0x1F380] =	vst v63  }
0x347: {  	_ =	swait.ge [sflag:s16], $0x4000  }
0x348: {  	[sflag:s16] =	ssyncset.done $0x0  }
0x349: {  	s6 =	simm.s32 $0x680;
	[sflag:s16] =	ssyncadd.s32 $0xFFFFC000  }
0x34a: {  	[tilespmem:s21], [sflag:$0x2] =	stream.indirect.gather [hbm4b:s3+s19], $0x80, s6, s19, $0xb8;
	[tilespmem:$0x1F380] =	vst v63  }
0x34b: {  	_ =	swait.ge [sflag:s22], $0x4000  }
0x34c: {  	[sflag:s22] =	ssyncset.done $0x0  }
0x34d: {  	s6 =	simm.s32 $0xE00;
	[sflag:s22] =	ssyncadd.s32 $0xFFFFC000  }
0x34e: {  	[spmem:s4] =	stream.indirect.scatter.add.f32 [tilespmem:s20], [sflag:$0x3], $0x80, s6, s19, $0xb8;
	[tilespmem:$0x1F380] =	vst v63  }
0x34f: {  	_ =	swait.ge [sflag:s16], $0x4000  }
0x350: {  	[sflag:s16] =	ssyncset.done $0x0  }
0x351: {  	s6 =	simm.s32 $0x700;
	[sflag:s16] =	ssyncadd.s32 $0xFFFFC000  }
0x352: {  	[tilespmem:s20], [sflag:$0x1] =	stream.indirect.gather [hbm4b:s3+s19], $0x80, s6, s19, $0xb8;
	[tilespmem:$0x1F380] =	vst v63  }
0x353: {  	_ =	swait.ge [sflag:s24], $0x4000  }
0x354: {  	[sflag:s24] =	ssyncset.done $0x0  }
0x355: {  	s6 =	simm.s32 $0xE80;
	[sflag:s24] =	ssyncadd.s32 $0xFFFFC000  }
0x356: {  	[spmem:s4] =	stream.indirect.scatter.add.f32 [tilespmem:s21], [sflag:$0x3], $0x80, s6, s19, $0xb8;
	[tilespmem:$0x1F380] =	vst v63  }
0x357: {  	_ =	swait.ge [sflag:s16], $0x4000  }
0x358: {  	[sflag:s16] =	ssyncset.done $0x0  }
0x359: {  	s6 =	simm.s32 $0x780;
	[sflag:s16] =	ssyncadd.s32 $0xFFFFC000  }
0x35a: {  	[tilespmem:s21], [sflag:$0x2] =	stream.indirect.gather [hbm4b:s3+s19], $0x80, s6, s19, $0xb8;
	[tilespmem:$0x1F380] =	vst v63  }
0x35b: {  	_ =	swait.ge [sflag:s22], $0x4000  }
0x35c: {  	[sflag:s22] =	ssyncset.done $0x0  }
0x35d: {  	s6 =	simm.s32 $0xF00;
	[sflag:s22] =	ssyncadd.s32 $0xFFFFC000  }
0x35e: {  	[spmem:s4] =	stream.indirect.scatter.add.f32 [tilespmem:s20], [sflag:$0x3], $0x80, s6, s19, $0xb8;
	[tilespmem:$0x1F380] =	vst v63  }
0x35f: {  	_ =	swait.ge [sflag:s16], $0x4000  }
0x360: {  	[sflag:s16] =	ssyncset.done $0x0  }
0x361: {  	[sflag:s16] =	ssyncadd.s32 $0xFFFFC000  }
0x362: {  	_ =	swait.ge [sflag:s24], $0x4000  }
.Ltmp5:
0x363: {  	[sflag:s24] =	ssyncset.done $0x0;
	(pc) =	sbr.rel @p1 .LBB2_5-.Ltmp5, $4  }
0x364: {  	s6 =	simm.s32 $0xF80;
	[sflag:s24] =	ssyncadd.s32 $0xFFFFC000  }
0x365: {  	[spmem:s4] =	stream.indirect.scatter.add.f32 [tilespmem:s21], [sflag:$0x3], $0x80, s6, s19, $0xb8;
	[tilespmem:$0x1F380] =	vst v63  }
0x366: {  	_ =	swait.ge [sflag:s16], $0x4000  }
0x367: {  	s6 =	smov.u32 s7;
	[sflag:s16] =	ssyncset.done $0x0  }
.Ltmp6:
0x368: {  	_ = 	snop;
	(pc) =	sbr.rel .LBB2_6-.Ltmp6, $1  }
0x369: {  	_ =	sdelay $0x3  }
.LBB2_8:
0x36a: {  	_ =	sfence.sel $0x180000  }
0x36b: {  	[bflag:$0x0] =	sbarrier.arrive $0xFFFF  }
0x36c: {  	_ =	strace $0x90000047  }
0x36d: {  	s0 =	stileid.u32;
	[bflag:$0x2] =	sbarrier.arrive $0xFFFF  }
0x36e: {  	p0 =	sne.s32 s0, $0x0;
	s0 =	rddreg [dreg:$0x5]  }
0x36f: {  	s0 =	sadd.s32 @!p0 $0x100000, s0  }
0x370: {  	[sflag:s0] =	ssyncadd.tile.s32 @!p0 $0x1;
	_ =	shalt  }
.Lfunc_end2:
_tile_overlayer_lowered:
.L_overlay_start_2:
0x371: {  	(tag) =	ssettag $0x2  }
0x372: {  	s0 =	rddreg [dreg:$0x0];
	s2 =	stileid.u32  }
0x373: {  	s1 =	rddreg [dreg:$0x1];
	p0 =	sne.s32 s2, $0x0  }
0x374: {  	s3 =	rddreg [dreg:$0x2];
	[bflag:$0x3] =	sbarrier.arrive $0xFFFF;
	s2 =	simm.s32 @!p0 $0x1C03  }
0x375: {  	[timem:s3], [sflag:s2] =	dma.local @!p0 [hbm:s0], s1  }
0x376: {  	s0 =	simm.s32 @!p0 $0x3  }
0x377: {  	_ =	swait.ge @!p0 [sflag:s0], s1  }
0x378: {  	s1 =	ssub.s32 @!p0 $0x0, s1;
	[sflag:s0] =	ssyncset.done @!p0 $0x0  }
0x379: {  	[sflag:s0] =	ssyncadd.s32 @!p0 s1  }
0x37a: {  	[bflag:$0x3] =	sbarrier.arrive $0xFFFF  }
0x37b: {  	_ =	shalt  }

</sc_bundles>
